<compile_context>
chip_gen: v7x
topology: tpu7x:2x2x1
jax: 0.10.2.dev20260603
libtpu: 0.0.44.dev20260713+nightly
codegen_flags: <defaults>
</compile_context>

<pallas_src>
import functools

import jax
import jax.numpy as jnp
from jax import lax
from jax.experimental import pallas as pl
from jax.experimental.pallas import tpu as pltpu
from jax.experimental.pallas import tpu_sc as plsc

_NQ = 64
_NX = 2 * _NQ
_K = 8192
_B = 262144
_NW = 32
_NS = 16
_CB = _B // _NW
_SB = 64
_NSB = _CB // _SB
_GPS = _SB // 16
_KPT = _K // _NS


def _traj_body(times_hbm, breaks_hbm, samples_hbm, out_hbm,
               pairs_sh, times_v, breaks_v, idxl_v, c_v, r_v,
               pb0, pb1, pb2, pb3,
               sem_g0, sem_g1, sem_g2, sem_g3,
               sem_w0, sem_w1, sem_w2, sem_w3):
    pbs = (pb0, pb1, pb2, pb3)
    sems_g = (sem_g0, sem_g1, sem_g2, sem_g3)
    sems_w = (sem_w0, sem_w1, sem_w2, sem_w3)

    nc = 2
    cid = lax.axis_index("c")
    sid = lax.axis_index("s")
    wid = sid * nc + cid
    base = wid * _CB

    r0 = sid * _KPT
    pltpu.async_copy(samples_hbm.at[pl.ds(r0, _KPT)],
                     pairs_sh.at[pl.ds(r0, _KPT), pl.ds(0, _NQ)], sem_g0)

    @pl.when(sid < _NS - 1)
    def _():
        pltpu.async_copy(samples_hbm.at[pl.ds(r0 + 1, _KPT)],
                         pairs_sh.at[pl.ds(r0, _KPT), pl.ds(_NQ, _NQ)],
                         sem_g1)

    @pl.when(sid == _NS - 1)
    def _():
        pltpu.async_copy(samples_hbm.at[pl.ds(r0 + 1, _KPT - 1)],
                         pairs_sh.at[pl.ds(r0, _KPT - 1), pl.ds(_NQ, _NQ)],
                         sem_g1)

    pltpu.async_copy(times_hbm.at[pl.ds(base, _CB)], times_v, sem_g2)
    pltpu.async_copy(breaks_hbm, breaks_v, sem_g3)

    pltpu.make_async_copy(samples_hbm.at[pl.ds(r0, _KPT)],
                          pairs_sh.at[pl.ds(r0, _KPT), pl.ds(0, _NQ)],
                          sem_g0).wait()

    @pl.when(sid < _NS - 1)
    def _():
        pltpu.make_async_copy(samples_hbm.at[pl.ds(r0 + 1, _KPT)],
                              pairs_sh.at[pl.ds(r0, _KPT), pl.ds(_NQ, _NQ)],
                              sem_g1).wait()

    @pl.when(sid == _NS - 1)
    def _():
        pltpu.make_async_copy(
            samples_hbm.at[pl.ds(r0 + 1, _KPT - 1)],
            pairs_sh.at[pl.ds(r0, _KPT - 1), pl.ds(_NQ, _NQ)],
            sem_g1).wait()

    pltpu.make_async_copy(times_hbm.at[pl.ds(base, _CB)], times_v,
                          sem_g2).wait()
    pltpu.make_async_copy(breaks_hbm, breaks_v, sem_g3).wait()
    plsc.subcore_barrier()

    def search(s, b):
        slot = b * _SB

        @plsc.parallel_loop(0, _GPS, unroll=4)
        def search_group(gi):
            g = s * _GPS + gi
            t = times_v[pl.ds(g * 16, 16)]
            idxr = jnp.zeros((16,), jnp.int32)
            for sbit in (4096, 2048, 1024, 512, 256, 128, 64, 32, 16, 8,
                         4, 2, 1):
                probe = idxr + (sbit - 1)
                v = plsc.load_gather(breaks_v, [probe])
                idxr = jnp.where(v < t, idxr + sbit, idxr)
            idxl = jnp.maximum(idxr - 1, 0)
            bl = plsc.load_gather(breaks_v, [idxl])
            br = plsc.load_gather(breaks_v, [idxr])
            interp = jnp.clip((t - bl) / (br - bl), 0.0, 1.0)
            dt = jnp.maximum(br - bl, 1e-8)
            sl16 = pl.ds(slot + gi * 16, 16)
            idxl_v[sl16] = idxl
            c_v[sl16] = dt * interp
            r_v[sl16] = 1.0 / dt

    def gather(b):
        pltpu.async_copy(pairs_sh.at[idxl_v.at[pl.ds(b * _SB, _SB)]],
                         pbs[b], sems_g[b])

    def wait_gather(b):
        pltpu.make_async_copy(pairs_sh.at[idxl_v.at[pl.ds(0, _SB)]],
                              pbs[b], sems_g[b]).wait()

    def wait_write(b):
        pltpu.make_async_copy(pbs[b], out_hbm.at[pl.ds(base, _SB)],
                              sems_w[b]).wait()

    def compute_write(s, b):
        slot = b * _SB
        wait_gather(b)
        buf = pbs[b]

        @plsc.parallel_loop(0, _SB, unroll=4)
        def elem(e):
            esplat = jnp.full((16,), slot + e, jnp.int32)
            cv = plsc.load_gather(c_v, [esplat])
            rv = plsc.load_gather(r_v, [esplat])
            for j in range(4):
                slv = buf[e, pl.ds(j * 16, 16)]
                srv = buf[e, pl.ds(_NQ + j * 16, 16)]
                vel = (srv - slv) * rv
                buf[e, pl.ds(j * 16, 16)] = slv + vel * cv
                buf[e, pl.ds(_NQ + j * 16, 16)] = vel

        pltpu.async_copy(buf, out_hbm.at[pl.ds(base + s * _SB, _SB)],
                         sems_w[b])

    def outer(so, _):
        for b in range(4):
            s = so * 4 + b
            search(s, b)

            @pl.when(so > 0)
            def _():
                wait_write(b)

            gather(b)

            prev = (b - 1) % 4
            if b == 0:
                @pl.when(so > 0)
                def _():
                    compute_write(s - 1, prev)
            else:
                compute_write(s - 1, prev)
        return 0

    lax.fori_loop(0, _NSB // 4, outer, 0)
    compute_write(_NSB - 1, (_NSB - 1) % 4)
    for b in range(4):
        wait_write(b)


@functools.partial(
    pl.kernel,
    out_type=jax.ShapeDtypeStruct((_B, _NX), jnp.float32),
    mesh=plsc.VectorSubcoreMesh(core_axis_name="c", subcore_axis_name="s"),
    compiler_params=pltpu.CompilerParams(
        needs_layout_passes=False, use_tc_tiling_on_sc=False),
    scratch_types=[
        pltpu.VMEM_SHARED((_K, _NX), jnp.float32),
        pltpu.VMEM((_CB,), jnp.float32),
        pltpu.VMEM((_K,), jnp.float32),
        pltpu.VMEM((4 * _SB,), jnp.int32),
        pltpu.VMEM((4 * _SB,), jnp.float32),
        pltpu.VMEM((4 * _SB,), jnp.float32),
        pltpu.VMEM((_SB, _NX), jnp.float32),
        pltpu.VMEM((_SB, _NX), jnp.float32),
        pltpu.VMEM((_SB, _NX), jnp.float32),
        pltpu.VMEM((_SB, _NX), jnp.float32),
        pltpu.SemaphoreType.DMA,
        pltpu.SemaphoreType.DMA,
        pltpu.SemaphoreType.DMA,
        pltpu.SemaphoreType.DMA,
        pltpu.SemaphoreType.DMA,
        pltpu.SemaphoreType.DMA,
        pltpu.SemaphoreType.DMA,
        pltpu.SemaphoreType.DMA,
    ],
)
def _traj(times_hbm, breaks_hbm, samples_hbm, out_hbm, *scratch):
    _traj_body(times_hbm, breaks_hbm, samples_hbm, out_hbm, *scratch)


def kernel(times, breaks, samples):
    out = _traj(jnp.ravel(times), breaks, samples)
    return out.reshape(times.shape + (_NX,))

# --- scband reference (transcript-rebuilt; emitter-appended) ---
"""Pipeline reference for scband-learnable-trajectory-39230231281796 (READ-ONLY COPY).

The authoritative reference and input builder live on the scoring server;
editing this copy changes nothing except your own understanding.
"""

import jax, jax.numpy as jnp
import numpy as np

N_Q = 64
N_X = 2 * N_Q
K = 8192
B = 262144


def setup_inputs(seed: int = 0) -> dict:
    key = jax.random.key(seed)
    k1, k2, k3 = jax.random.split(key, 3)
    times = jax.random.uniform(k1, (B,), dtype=jnp.float32)
    # sorted break points; first break strictly below all times so searchsorted >= 1
    inner = jnp.sort(jax.random.uniform(k2, (K - 1,), dtype=jnp.float32, minval=1e-4, maxval=1.0 + 1e-3))
    breaks = jnp.concatenate([jnp.array([-1e-3], dtype=jnp.float32), inner])
    # learned knot samples (the Parameters registered via add_breaks)
    samples = jax.random.normal(k3, (K, N_Q), dtype=jnp.float32)
    return {"times": times, "breaks": breaks, "samples": samples}


def reference(times, breaks, samples):
    K_ = breaks.shape[0]
    times_flat = jnp.ravel(times)
    # histogram binning: searchsorted into break points
    idx_right = jnp.minimum(jnp.searchsorted(breaks, times_flat), K_ - 1).astype(jnp.int32)
    idx_left = jnp.maximum(idx_right - 1, 0)
    bl = breaks[idx_left]
    br = breaks[idx_right]
    interp = jnp.clip((times_flat - bl) / (br - bl), 0.0, 1.0)
    # linear_interp (Euclidean StateSpace: configuration_difference = sub, exponential = add)
    dt = jnp.maximum(br - bl, 1e-8)
    sl = jnp.take(samples, idx_left, axis=0)
    sr = jnp.take(samples, idx_right, axis=0)
    velocity = (sr - sl) / dt[:, None]
    vstep = velocity * dt[:, None] * interp[:, None]
    position = sl + vstep
    out = jnp.concatenate([position, velocity], axis=-1)
    return out.reshape(times.shape + (N_X,))

if __name__ == "__main__":
    import jax
    _d = setup_inputs()
    print(jax.jit(kernel)(*tuple(_d.values())))

</pallas_src>

<mosaic_0001>
#map = affine_map<(d0, d1) -> (0)>
#map1 = affine_map<(d0, d1) -> (0, 0)>
module attributes {stable_mosaic.version = 14 : i64} {
  func.func @_traj(%arg0: i32, %arg1: i32, %arg2: memref<262144xf32, #tpu.memory_space<hbm>>, %arg3: memref<8192xf32, #tpu.memory_space<hbm>>, %arg4: memref<8192x64xf32, #tpu.memory_space<hbm>>, %arg5: memref<262144x128xf32, #tpu.memory_space<hbm>>, %arg6: memref<8192x128xf32, #tpu.memory_space<vmem_shared>>, %arg7: memref<8192xf32, #tpu.memory_space<vmem>>, %arg8: memref<8192xf32, #tpu.memory_space<vmem>>, %arg9: memref<256xi32, #tpu.memory_space<vmem>>, %arg10: memref<256xf32, #tpu.memory_space<vmem>>, %arg11: memref<256xf32, #tpu.memory_space<vmem>>, %arg12: memref<64x128xf32, #tpu.memory_space<vmem>>, %arg13: memref<64x128xf32, #tpu.memory_space<vmem>>, %arg14: memref<64x128xf32, #tpu.memory_space<vmem>>, %arg15: memref<64x128xf32, #tpu.memory_space<vmem>>, %arg16: memref<!tpu.dma_semaphore, #tpu.memory_space<semaphore_mem>>, %arg17: memref<!tpu.dma_semaphore, #tpu.memory_space<semaphore_mem>>, %arg18: memref<!tpu.dma_semaphore, #tpu.memory_space<semaphore_mem>>, %arg19: memref<!tpu.dma_semaphore, #tpu.memory_space<semaphore_mem>>, %arg20: memref<!tpu.dma_semaphore, #tpu.memory_space<semaphore_mem>>, %arg21: memref<!tpu.dma_semaphore, #tpu.memory_space<semaphore_mem>>, %arg22: memref<!tpu.dma_semaphore, #tpu.memory_space<semaphore_mem>>, %arg23: memref<!tpu.dma_semaphore, #tpu.memory_space<semaphore_mem>>) attributes {dimension_semantics = [#tpu.dimension_semantics<core_parallel>, #tpu.dimension_semantics<subcore_parallel>], iteration_bounds = array<i64: 2, 16>, scalar_prefetch = 0 : i64, scratch_operands = 18 : i64, tpu.core_type = #tpu.core_type<sc_vector_subcore>, window_params = [{transform_indices = #map}, {transform_indices = #map}, {transform_indices = #map1}, {transform_indices = #map1}]} {
    %mul3A = arith.constant 2 : i32
    %mul3A_0 = arith.muli %arg1, %mul3A : i32
    %add3A = arith.addi %mul3A_0, %arg0 : i32
    %mul3A_1 = arith.constant 8192 : i32
    %mul3A_2 = arith.muli %add3A, %mul3A_1 : i32
    %mul3A_3 = arith.constant 512 : i32
    %mul3A_4 = arith.muli %arg1, %mul3A_3 : i32
    %dma_start3A = arith.constant 0 : i32
    %dma_start3A_5 = tpu.memref_slice %arg6[%mul3A_4, %dma_start3A] : memref<8192x128xf32, #tpu.memory_space<vmem_shared>> -> memref<512x64xf32, #tpu.memory_space<vmem_shared>>
    %dma_start3A_6 = arith.constant 0 : i32
    %dma_start3A_7 = tpu.memref_slice %arg4[%mul3A_4, %dma_start3A_6] : memref<8192x64xf32, #tpu.memory_space<hbm>> -> memref<512x64xf32, #tpu.memory_space<hbm>>
    tpu.enqueue_dma source(%dma_start3A_7 : memref<512x64xf32, #tpu.memory_space<hbm>>) target(%dma_start3A_5 : memref<512x64xf32, #tpu.memory_space<vmem_shared>>) target_semaphore(%arg16 : memref<!tpu.dma_semaphore, #tpu.memory_space<semaphore_mem>>)
    %lt3A = arith.constant 15 : i32
    %lt3A_8 = arith.cmpi slt, %arg1, %lt3A : i32
    %convert_element_type3A = arith.extui %lt3A_8 : i1 to i32
    %cond3A = arith.constant 0 : i32
    %cond3A_9 = arith.cmpi ne, %convert_element_type3A, %cond3A : i32
    scf.if %cond3A_9 {
      %add3A_66 = arith.constant 1 : i32
      %add3A_67 = arith.addi %mul3A_4, %add3A_66 : i32
      %dma_start3A_68 = arith.constant 64 : i32
      %dma_start3A_69 = tpu.memref_slice %arg6[%mul3A_4, %dma_start3A_68] : memref<8192x128xf32, #tpu.memory_space<vmem_shared>> -> memref<512x64xf32, #tpu.memory_space<vmem_shared>>
      %dma_start3A_70 = arith.constant 0 : i32
      %dma_start3A_71 = tpu.memref_slice %arg4[%add3A_67, %dma_start3A_70] : memref<8192x64xf32, #tpu.memory_space<hbm>> -> memref<512x64xf32, #tpu.memory_space<hbm>>
      tpu.enqueue_dma source(%dma_start3A_71 : memref<512x64xf32, #tpu.memory_space<hbm>>) target(%dma_start3A_69 : memref<512x64xf32, #tpu.memory_space<vmem_shared>>) target_semaphore(%arg17 : memref<!tpu.dma_semaphore, #tpu.memory_space<semaphore_mem>>)
    } else {
    }
    %eq3A = arith.constant 15 : i32
    %eq3A_10 = arith.cmpi eq, %arg1, %eq3A : i32
    %convert_element_type3A_11 = arith.extui %eq3A_10 : i1 to i32
    %cond3A_12 = arith.constant 0 : i32
    %cond3A_13 = arith.cmpi ne, %convert_element_type3A_11, %cond3A_12 : i32
    scf.if %cond3A_13 {
      %add3A_66 = arith.constant 1 : i32
      %add3A_67 = arith.addi %mul3A_4, %add3A_66 : i32
      %dma_start3A_68 = arith.constant 64 : i32
      %dma_start3A_69 = tpu.memref_slice %arg6[%mul3A_4, %dma_start3A_68] : memref<8192x128xf32, #tpu.memory_space<vmem_shared>> -> memref<511x64xf32, #tpu.memory_space<vmem_shared>>
      %dma_start3A_70 = arith.constant 0 : i32
      %dma_start3A_71 = tpu.memref_slice %arg4[%add3A_67, %dma_start3A_70] : memref<8192x64xf32, #tpu.memory_space<hbm>> -> memref<511x64xf32, #tpu.memory_space<hbm>>
      tpu.enqueue_dma source(%dma_start3A_71 : memref<511x64xf32, #tpu.memory_space<hbm>>) target(%dma_start3A_69 : memref<511x64xf32, #tpu.memory_space<vmem_shared>>) target_semaphore(%arg17 : memref<!tpu.dma_semaphore, #tpu.memory_space<semaphore_mem>>)
    } else {
    }
    %dma_start3A_14 = tpu.memref_slice %arg2[%mul3A_2] : memref<262144xf32, #tpu.memory_space<hbm>> -> memref<8192xf32, #tpu.memory_space<hbm>>
    %dma_start3A_15 = tpu.memref_slice %arg2[%mul3A_2] : memref<262144xf32, #tpu.memory_space<hbm>> -> memref<8192xf32, #tpu.memory_space<hbm>>
    tpu.enqueue_dma source(%dma_start3A_15 : memref<8192xf32, #tpu.memory_space<hbm>>) target(%arg7 : memref<8192xf32, #tpu.memory_space<vmem>>) target_semaphore(%arg18 : memref<!tpu.dma_semaphore, #tpu.memory_space<semaphore_mem>>)
    tpu.enqueue_dma source(%arg3 : memref<8192xf32, #tpu.memory_space<hbm>>) target(%arg8 : memref<8192xf32, #tpu.memory_space<vmem>>) target_semaphore(%arg19 : memref<!tpu.dma_semaphore, #tpu.memory_space<semaphore_mem>>)
    %dma_wait3A = arith.constant 0 : i32
    %dma_wait3A_16 = tpu.memref_slice %arg6[%mul3A_4, %dma_wait3A] : memref<8192x128xf32, #tpu.memory_space<vmem_shared>> -> memref<512x64xf32, #tpu.memory_space<vmem_shared>>
    %dma_wait3A_17 = arith.constant 0 : i32
    %dma_wait3A_18 = tpu.memref_slice %arg4[%mul3A_4, %dma_wait3A_17] : memref<8192x64xf32, #tpu.memory_space<hbm>> -> memref<512x64xf32, #tpu.memory_space<hbm>>
    tpu.wait_dma2 semaphore(%arg16 : memref<!tpu.dma_semaphore, #tpu.memory_space<semaphore_mem>>) src(%dma_wait3A_18 : memref<512x64xf32, #tpu.memory_space<hbm>>) dst(%dma_wait3A_16 : memref<512x64xf32, #tpu.memory_space<vmem_shared>>)
    %lt3A_19 = arith.constant 15 : i32
    %lt3A_20 = arith.cmpi slt, %arg1, %lt3A_19 : i32
    %convert_element_type3A_21 = arith.extui %lt3A_20 : i1 to i32
    %cond3A_22 = arith.constant 0 : i32
    %cond3A_23 = arith.cmpi ne, %convert_element_type3A_21, %cond3A_22 : i32
    scf.if %cond3A_23 {
      %add3A_66 = arith.constant 1 : i32
      %add3A_67 = arith.addi %mul3A_4, %add3A_66 : i32
      %dma_wait3A_68 = arith.constant 64 : i32
      %dma_wait3A_69 = tpu.memref_slice %arg6[%mul3A_4, %dma_wait3A_68] : memref<8192x128xf32, #tpu.memory_space<vmem_shared>> -> memref<512x64xf32, #tpu.memory_space<vmem_shared>>
      %dma_wait3A_70 = arith.constant 0 : i32
      %dma_wait3A_71 = tpu.memref_slice %arg4[%add3A_67, %dma_wait3A_70] : memref<8192x64xf32, #tpu.memory_space<hbm>> -> memref<512x64xf32, #tpu.memory_space<hbm>>
      tpu.wait_dma2 semaphore(%arg17 : memref<!tpu.dma_semaphore, #tpu.memory_space<semaphore_mem>>) src(%dma_wait3A_71 : memref<512x64xf32, #tpu.memory_space<hbm>>) dst(%dma_wait3A_69 : memref<512x64xf32, #tpu.memory_space<vmem_shared>>)
    } else {
    }
    %eq3A_24 = arith.constant 15 : i32
    %eq3A_25 = arith.cmpi eq, %arg1, %eq3A_24 : i32
    %convert_element_type3A_26 = arith.extui %eq3A_25 : i1 to i32
    %cond3A_27 = arith.constant 0 : i32
    %cond3A_28 = arith.cmpi ne, %convert_element_type3A_26, %cond3A_27 : i32
    scf.if %cond3A_28 {
      %add3A_66 = arith.constant 1 : i32
      %add3A_67 = arith.addi %mul3A_4, %add3A_66 : i32
      %dma_wait3A_68 = arith.constant 64 : i32
      %dma_wait3A_69 = tpu.memref_slice %arg6[%mul3A_4, %dma_wait3A_68] : memref<8192x128xf32, #tpu.memory_space<vmem_shared>> -> memref<511x64xf32, #tpu.memory_space<vmem_shared>>
      %dma_wait3A_70 = arith.constant 0 : i32
      %dma_wait3A_71 = tpu.memref_slice %arg4[%add3A_67, %dma_wait3A_70] : memref<8192x64xf32, #tpu.memory_space<hbm>> -> memref<511x64xf32, #tpu.memory_space<hbm>>
      tpu.wait_dma2 semaphore(%arg17 : memref<!tpu.dma_semaphore, #tpu.memory_space<semaphore_mem>>) src(%dma_wait3A_71 : memref<511x64xf32, #tpu.memory_space<hbm>>) dst(%dma_wait3A_69 : memref<511x64xf32, #tpu.memory_space<vmem_shared>>)
    } else {
    }
    %dma_wait3A_29 = tpu.memref_slice %arg2[%mul3A_2] : memref<262144xf32, #tpu.memory_space<hbm>> -> memref<8192xf32, #tpu.memory_space<hbm>>
    %dma_wait3A_30 = tpu.memref_slice %arg2[%mul3A_2] : memref<262144xf32, #tpu.memory_space<hbm>> -> memref<8192xf32, #tpu.memory_space<hbm>>
    tpu.wait_dma2 semaphore(%arg18 : memref<!tpu.dma_semaphore, #tpu.memory_space<semaphore_mem>>) src(%dma_wait3A_30 : memref<8192xf32, #tpu.memory_space<hbm>>) dst(%arg7 : memref<8192xf32, #tpu.memory_space<vmem>>)
    tpu.wait_dma2 semaphore(%arg19 : memref<!tpu.dma_semaphore, #tpu.memory_space<semaphore_mem>>) src(%arg3 : memref<8192xf32, #tpu.memory_space<hbm>>) dst(%arg8 : memref<8192xf32, #tpu.memory_space<vmem>>)
    %barrier3A = arith.constant 0 : index
    tpu.barrier barrier_id(%barrier3A)
    %scan3A = arith.constant 0 : i32
    %scan3A_31 = arith.constant 0 : i32
    %scan3A_32 = arith.constant 32 : i32
    %scan3A_33 = arith.addi %scan3A_31, %scan3A_32 : i32
    %scan3A_34 = arith.constant 1 : i32
    %scan3A_35 = scf.for %scan3A_66 = %scan3A_31 to %scan3A_33 step %scan3A_34 iter_args(%scan3A_67 = %scan3A) -> (i32)  : i32 {
      %mul3A_68 = arith.constant 4 : i32
      %mul3A_69 = arith.muli %scan3A_66, %mul3A_68 : i32
      %add3A_70 = arith.constant 0 : i32
      %add3A_71 = arith.addi %mul3A_69, %add3A_70 : i32
      %parallel_loop3A_72 = arith.constant 0 : i32
      %parallel_loop3A_73 = arith.constant 4 : i32
      %parallel_loop3A_74 = arith.constant 1 : i32
      scf.for %parallel_loop3A_191 = %parallel_loop3A_72 to %parallel_loop3A_73 step %parallel_loop3A_74  : i32 {
        %parallel_loop3A_192 = arith.constant 4 : i32
        %parallel_loop3A_193 = arith.muli %add3A_71, %parallel_loop3A_192 : i32
        %parallel_loop3A_194 = arith.addi %parallel_loop3A_193, %parallel_loop3A_191 : i32
        %parallel_loop3A_195 = arith.constant 16 : i32
        %parallel_loop3A_196 = arith.muli %parallel_loop3A_194, %parallel_loop3A_195 : i32
        %parallel_loop3A_197 = arith.index_cast %parallel_loop3A_196 : i32 to index
        %parallel_loop3A_198 = tpu.vector_load %arg7[%parallel_loop3A_197] {strides = array<i32>} : memref<8192xf32, #tpu.memory_space<vmem>>, vector<16xf32>,
        %parallel_loop3A_199 = arith.constant 0 : i32
        %parallel_loop3A_200 = vector.broadcast %parallel_loop3A_199 : i32 to vector<16xi32>
        %parallel_loop3A_201 = arith.constant 4095 : i32
        %parallel_loop3A_202 = vector.broadcast %parallel_loop3A_201 : i32 to vector<16xi32>
        %parallel_loop3A_203 = arith.addi %parallel_loop3A_200, %parallel_loop3A_202 : vector<16xi32>
        %parallel_loop3A_204 = tpu.vector_load_idx %arg8[%parallel_loop3A_203] : memref<8192xf32, #tpu.memory_space<vmem>>[vector<16xi32>], vector<16xf32>,
        %parallel_loop3A_205 = arith.cmpf olt, %parallel_loop3A_204, %parallel_loop3A_198 : vector<16xf32>
        %parallel_loop3A_206 = arith.constant 4096 : i32
        %parallel_loop3A_207 = vector.broadcast %parallel_loop3A_206 : i32 to vector<16xi32>
        %parallel_loop3A_208 = arith.addi %parallel_loop3A_200, %parallel_loop3A_207 : vector<16xi32>
        %parallel_loop3A_209 = arith.select %parallel_loop3A_205, %parallel_loop3A_208, %parallel_loop3A_200 : vector<16xi1>, vector<16xi32>
        %parallel_loop3A_210 = arith.constant 2047 : i32
        %parallel_loop3A_211 = vector.broadcast %parallel_loop3A_210 : i32 to vector<16xi32>
        %parallel_loop3A_212 = arith.addi %parallel_loop3A_209, %parallel_loop3A_211 : vector<16xi32>
        %parallel_loop3A_213 = tpu.vector_load_idx %arg8[%parallel_loop3A_212] : memref<8192xf32, #tpu.memory_space<vmem>>[vector<16xi32>], vector<16xf32>,
        %parallel_loop3A_214 = arith.cmpf olt, %parallel_loop3A_213, %parallel_loop3A_198 : vector<16xf32>
        %parallel_loop3A_215 = arith.constant 2048 : i32
        %parallel_loop3A_216 = vector.broadcast %parallel_loop3A_215 : i32 to vector<16xi32>
        %parallel_loop3A_217 = arith.addi %parallel_loop3A_209, %parallel_loop3A_216 : vector<16xi32>
        %parallel_loop3A_218 = arith.select %parallel_loop3A_214, %parallel_loop3A_217, %parallel_loop3A_209 : vector<16xi1>, vector<16xi32>
        %parallel_loop3A_219 = arith.constant 1023 : i32
        %parallel_loop3A_220 = vector.broadcast %parallel_loop3A_219 : i32 to vector<16xi32>
        %parallel_loop3A_221 = arith.addi %parallel_loop3A_218, %parallel_loop3A_220 : vector<16xi32>
        %parallel_loop3A_222 = tpu.vector_load_idx %arg8[%parallel_loop3A_221] : memref<8192xf32, #tpu.memory_space<vmem>>[vector<16xi32>], vector<16xf32>,
        %parallel_loop3A_223 = arith.cmpf olt, %parallel_loop3A_222, %parallel_loop3A_198 : vector<16xf32>
        %parallel_loop3A_224 = arith.constant 1024 : i32
        %parallel_loop3A_225 = vector.broadcast %parallel_loop3A_224 : i32 to vector<16xi32>
        %parallel_loop3A_226 = arith.addi %parallel_loop3A_218, %parallel_loop3A_225 : vector<16xi32>
        %parallel_loop3A_227 = arith.select %parallel_loop3A_223, %parallel_loop3A_226, %parallel_loop3A_218 : vector<16xi1>, vector<16xi32>
        %parallel_loop3A_228 = arith.constant 511 : i32
        %parallel_loop3A_229 = vector.broadcast %parallel_loop3A_228 : i32 to vector<16xi32>
        %parallel_loop3A_230 = arith.addi %parallel_loop3A_227, %parallel_loop3A_229 : vector<16xi32>
        %parallel_loop3A_231 = tpu.vector_load_idx %arg8[%parallel_loop3A_230] : memref<8192xf32, #tpu.memory_space<vmem>>[vector<16xi32>], vector<16xf32>,
        %parallel_loop3A_232 = arith.cmpf olt, %parallel_loop3A_231, %parallel_loop3A_198 : vector<16xf32>
        %parallel_loop3A_233 = arith.constant 512 : i32
        %parallel_loop3A_234 = vector.broadcast %parallel_loop3A_233 : i32 to vector<16xi32>
        %parallel_loop3A_235 = arith.addi %parallel_loop3A_227, %parallel_loop3A_234 : vector<16xi32>
        %parallel_loop3A_236 = arith.select %parallel_loop3A_232, %parallel_loop3A_235, %parallel_loop3A_227 : vector<16xi1>, vector<16xi32>
        %parallel_loop3A_237 = arith.constant 255 : i32
        %parallel_loop3A_238 = vector.broadcast %parallel_loop3A_237 : i32 to vector<16xi32>
        %parallel_loop3A_239 = arith.addi %parallel_loop3A_236, %parallel_loop3A_238 : vector<16xi32>
        %parallel_loop3A_240 = tpu.vector_load_idx %arg8[%parallel_loop3A_239] : memref<8192xf32, #tpu.memory_space<vmem>>[vector<16xi32>], vector<16xf32>,
        %parallel_loop3A_241 = arith.cmpf olt, %parallel_loop3A_240, %parallel_loop3A_198 : vector<16xf32>
        %parallel_loop3A_242 = arith.constant 256 : i32
        %parallel_loop3A_243 = vector.broadcast %parallel_loop3A_242 : i32 to vector<16xi32>
        %parallel_loop3A_244 = arith.addi %parallel_loop3A_236, %parallel_loop3A_243 : vector<16xi32>
        %parallel_loop3A_245 = arith.select %parallel_loop3A_241, %parallel_loop3A_244, %parallel_loop3A_236 : vector<16xi1>, vector<16xi32>
        %parallel_loop3A_246 = arith.constant 127 : i32
        %parallel_loop3A_247 = vector.broadcast %parallel_loop3A_246 : i32 to vector<16xi32>
        %parallel_loop3A_248 = arith.addi %parallel_loop3A_245, %parallel_loop3A_247 : vector<16xi32>
        %parallel_loop3A_249 = tpu.vector_load_idx %arg8[%parallel_loop3A_248] : memref<8192xf32, #tpu.memory_space<vmem>>[vector<16xi32>], vector<16xf32>,
        %parallel_loop3A_250 = arith.cmpf olt, %parallel_loop3A_249, %parallel_loop3A_198 : vector<16xf32>
        %parallel_loop3A_251 = arith.constant 128 : i32
        %parallel_loop3A_252 = vector.broadcast %parallel_loop3A_251 : i32 to vector<16xi32>
        %parallel_loop3A_253 = arith.addi %parallel_loop3A_245, %parallel_loop3A_252 : vector<16xi32>
        %parallel_loop3A_254 = arith.select %parallel_loop3A_250, %parallel_loop3A_253, %parallel_loop3A_245 : vector<16xi1>, vector<16xi32>
        %parallel_loop3A_255 = arith.constant 63 : i32
        %parallel_loop3A_256 = vector.broadcast %parallel_loop3A_255 : i32 to vector<16xi32>
        %parallel_loop3A_257 = arith.addi %parallel_loop3A_254, %parallel_loop3A_256 : vector<16xi32>
        %parallel_loop3A_258 = tpu.vector_load_idx %arg8[%parallel_loop3A_257] : memref<8192xf32, #tpu.memory_space<vmem>>[vector<16xi32>], vector<16xf32>,
        %parallel_loop3A_259 = arith.cmpf olt, %parallel_loop3A_258, %parallel_loop3A_198 : vector<16xf32>
        %parallel_loop3A_260 = arith.constant 64 : i32
        %parallel_loop3A_261 = vector.broadcast %parallel_loop3A_260 : i32 to vector<16xi32>
        %parallel_loop3A_262 = arith.addi %parallel_loop3A_254, %parallel_loop3A_261 : vector<16xi32>
        %parallel_loop3A_263 = arith.select %parallel_loop3A_259, %parallel_loop3A_262, %parallel_loop3A_254 : vector<16xi1>, vector<16xi32>
        %parallel_loop3A_264 = arith.constant 31 : i32
        %parallel_loop3A_265 = vector.broadcast %parallel_loop3A_264 : i32 to vector<16xi32>
        %parallel_loop3A_266 = arith.addi %parallel_loop3A_263, %parallel_loop3A_265 : vector<16xi32>
        %parallel_loop3A_267 = tpu.vector_load_idx %arg8[%parallel_loop3A_266] : memref<8192xf32, #tpu.memory_space<vmem>>[vector<16xi32>], vector<16xf32>,
        %parallel_loop3A_268 = arith.cmpf olt, %parallel_loop3A_267, %parallel_loop3A_198 : vector<16xf32>
        %parallel_loop3A_269 = arith.constant 32 : i32
        %parallel_loop3A_270 = vector.broadcast %parallel_loop3A_269 : i32 to vector<16xi32>
        %parallel_loop3A_271 = arith.addi %parallel_loop3A_263, %parallel_loop3A_270 : vector<16xi32>
        %parallel_loop3A_272 = arith.select %parallel_loop3A_268, %parallel_loop3A_271, %parallel_loop3A_263 : vector<16xi1>, vector<16xi32>
        %parallel_loop3A_273 = arith.constant 15 : i32
        %parallel_loop3A_274 = vector.broadcast %parallel_loop3A_273 : i32 to vector<16xi32>
        %parallel_loop3A_275 = arith.addi %parallel_loop3A_272, %parallel_loop3A_274 : vector<16xi32>
        %parallel_loop3A_276 = tpu.vector_load_idx %arg8[%parallel_loop3A_275] : memref<8192xf32, #tpu.memory_space<vmem>>[vector<16xi32>], vector<16xf32>,
        %parallel_loop3A_277 = arith.cmpf olt, %parallel_loop3A_276, %parallel_loop3A_198 : vector<16xf32>
        %parallel_loop3A_278 = arith.constant 16 : i32
        %parallel_loop3A_279 = vector.broadcast %parallel_loop3A_278 : i32 to vector<16xi32>
        %parallel_loop3A_280 = arith.addi %parallel_loop3A_272, %parallel_loop3A_279 : vector<16xi32>
        %parallel_loop3A_281 = arith.select %parallel_loop3A_277, %parallel_loop3A_280, %parallel_loop3A_272 : vector<16xi1>, vector<16xi32>
        %parallel_loop3A_282 = arith.constant 7 : i32
        %parallel_loop3A_283 = vector.broadcast %parallel_loop3A_282 : i32 to vector<16xi32>
        %parallel_loop3A_284 = arith.addi %parallel_loop3A_281, %parallel_loop3A_283 : vector<16xi32>
        %parallel_loop3A_285 = tpu.vector_load_idx %arg8[%parallel_loop3A_284] : memref<8192xf32, #tpu.memory_space<vmem>>[vector<16xi32>], vector<16xf32>,
        %parallel_loop3A_286 = arith.cmpf olt, %parallel_loop3A_285, %parallel_loop3A_198 : vector<16xf32>
        %parallel_loop3A_287 = arith.constant 8 : i32
        %parallel_loop3A_288 = vector.broadcast %parallel_loop3A_287 : i32 to vector<16xi32>
        %parallel_loop3A_289 = arith.addi %parallel_loop3A_281, %parallel_loop3A_288 : vector<16xi32>
        %parallel_loop3A_290 = arith.select %parallel_loop3A_286, %parallel_loop3A_289, %parallel_loop3A_281 : vector<16xi1>, vector<16xi32>
        %parallel_loop3A_291 = arith.constant 3 : i32
        %parallel_loop3A_292 = vector.broadcast %parallel_loop3A_291 : i32 to vector<16xi32>
        %parallel_loop3A_293 = arith.addi %parallel_loop3A_290, %parallel_loop3A_292 : vector<16xi32>
        %parallel_loop3A_294 = tpu.vector_load_idx %arg8[%parallel_loop3A_293] : memref<8192xf32, #tpu.memory_space<vmem>>[vector<16xi32>], vector<16xf32>,
        %parallel_loop3A_295 = arith.cmpf olt, %parallel_loop3A_294, %parallel_loop3A_198 : vector<16xf32>
        %parallel_loop3A_296 = arith.constant 4 : i32
        %parallel_loop3A_297 = vector.broadcast %parallel_loop3A_296 : i32 to vector<16xi32>
        %parallel_loop3A_298 = arith.addi %parallel_loop3A_290, %parallel_loop3A_297 : vector<16xi32>
        %parallel_loop3A_299 = arith.select %parallel_loop3A_295, %parallel_loop3A_298, %parallel_loop3A_290 : vector<16xi1>, vector<16xi32>
        %parallel_loop3A_300 = arith.constant 1 : i32
        %parallel_loop3A_301 = vector.broadcast %parallel_loop3A_300 : i32 to vector<16xi32>
        %parallel_loop3A_302 = arith.addi %parallel_loop3A_299, %parallel_loop3A_301 : vector<16xi32>
        %parallel_loop3A_303 = tpu.vector_load_idx %arg8[%parallel_loop3A_302] : memref<8192xf32, #tpu.memory_space<vmem>>[vector<16xi32>], vector<16xf32>,
        %parallel_loop3A_304 = arith.cmpf olt, %parallel_loop3A_303, %parallel_loop3A_198 : vector<16xf32>
        %parallel_loop3A_305 = arith.constant 2 : i32
        %parallel_loop3A_306 = vector.broadcast %parallel_loop3A_305 : i32 to vector<16xi32>
        %parallel_loop3A_307 = arith.addi %parallel_loop3A_299, %parallel_loop3A_306 : vector<16xi32>
        %parallel_loop3A_308 = arith.select %parallel_loop3A_304, %parallel_loop3A_307, %parallel_loop3A_299 : vector<16xi1>, vector<16xi32>
        %parallel_loop3A_309 = arith.constant 0 : i32
        %parallel_loop3A_310 = vector.broadcast %parallel_loop3A_309 : i32 to vector<16xi32>
        %parallel_loop3A_311 = arith.addi %parallel_loop3A_308, %parallel_loop3A_310 : vector<16xi32>
        %parallel_loop3A_312 = tpu.vector_load_idx %arg8[%parallel_loop3A_311] : memref<8192xf32, #tpu.memory_space<vmem>>[vector<16xi32>], vector<16xf32>,
        %parallel_loop3A_313 = arith.cmpf olt, %parallel_loop3A_312, %parallel_loop3A_198 : vector<16xf32>
        %parallel_loop3A_314 = arith.constant 1 : i32
        %parallel_loop3A_315 = vector.broadcast %parallel_loop3A_314 : i32 to vector<16xi32>
        %parallel_loop3A_316 = arith.addi %parallel_loop3A_308, %parallel_loop3A_315 : vector<16xi32>
        %parallel_loop3A_317 = arith.select %parallel_loop3A_313, %parallel_loop3A_316, %parallel_loop3A_308 : vector<16xi1>, vector<16xi32>
        %parallel_loop3A_318 = arith.constant 1 : i32
        %parallel_loop3A_319 = vector.broadcast %parallel_loop3A_318 : i32 to vector<16xi32>
        %parallel_loop3A_320 = arith.subi %parallel_loop3A_317, %parallel_loop3A_319 : vector<16xi32>
        %parallel_loop3A_321 = arith.constant 0 : i32
        %parallel_loop3A_322 = vector.broadcast %parallel_loop3A_321 : i32 to vector<16xi32>
        %parallel_loop3A_323 = arith.maxsi %parallel_loop3A_320, %parallel_loop3A_322 : vector<16xi32>
        %parallel_loop3A_324 = tpu.vector_load_idx %arg8[%parallel_loop3A_323] : memref<8192xf32, #tpu.memory_space<vmem>>[vector<16xi32>], vector<16xf32>,
        %parallel_loop3A_325 = tpu.vector_load_idx %arg8[%parallel_loop3A_317] : memref<8192xf32, #tpu.memory_space<vmem>>[vector<16xi32>], vector<16xf32>,
        %parallel_loop3A_326 = arith.subf %parallel_loop3A_198, %parallel_loop3A_324 : vector<16xf32>
        %parallel_loop3A_327 = arith.subf %parallel_loop3A_325, %parallel_loop3A_324 : vector<16xf32>
        %parallel_loop3A_328 = arith.divf %parallel_loop3A_326, %parallel_loop3A_327 : vector<16xf32>
        %parallel_loop3A_329 = arith.constant 0.000000e+00 : f32
        %parallel_loop3A_330 = arith.constant 1.000000e+00 : f32
        %parallel_loop3A_331 = vector.broadcast %parallel_loop3A_329 : f32 to vector<16xf32>
        %parallel_loop3A_332 = arith.maximumf %parallel_loop3A_331, %parallel_loop3A_328 : vector<16xf32>
        %parallel_loop3A_333 = vector.broadcast %parallel_loop3A_330 : f32 to vector<16xf32>
        %parallel_loop3A_334 = arith.minimumf %parallel_loop3A_333, %parallel_loop3A_332 : vector<16xf32>
        %parallel_loop3A_335 = arith.subf %parallel_loop3A_325, %parallel_loop3A_324 : vector<16xf32>
        %parallel_loop3A_336 = arith.constant 9.99999993E-9 : f32
        %parallel_loop3A_337 = vector.broadcast %parallel_loop3A_336 : f32 to vector<16xf32>
        %parallel_loop3A_338 = arith.maximumf %parallel_loop3A_335, %parallel_loop3A_337 : vector<16xf32>
        %parallel_loop3A_339 = arith.constant 16 : i32
        %parallel_loop3A_340 = arith.muli %parallel_loop3A_191, %parallel_loop3A_339 : i32
        %parallel_loop3A_341 = arith.constant 0 : i32
        %parallel_loop3A_342 = arith.addi %parallel_loop3A_341, %parallel_loop3A_340 : i32
        %parallel_loop3A_343 = arith.index_cast %parallel_loop3A_342 : i32 to index
        %parallel_loop3A_344 = tpu.vector_load %arg9[%parallel_loop3A_343] {strides = array<i32>} : memref<256xi32, #tpu.memory_space<vmem>>, vector<16xi32>,
        tpu.vector_store %arg9[%parallel_loop3A_343], %parallel_loop3A_323 {strides = array<i32>} : memref<256xi32, #tpu.memory_space<vmem>>, vector<16xi32>,
        %parallel_loop3A_345 = arith.mulf %parallel_loop3A_338, %parallel_loop3A_334 : vector<16xf32>
        %parallel_loop3A_346 = arith.index_cast %parallel_loop3A_342 : i32 to index
        %parallel_loop3A_347 = tpu.vector_load %arg10[%parallel_loop3A_346] {strides = array<i32>} : memref<256xf32, #tpu.memory_space<vmem>>, vector<16xf32>,
        tpu.vector_store %arg10[%parallel_loop3A_346], %parallel_loop3A_345 {strides = array<i32>} : memref<256xf32, #tpu.memory_space<vmem>>, vector<16xf32>,
        %parallel_loop3A_348 = arith.constant 1.000000e+00 : f32
        %parallel_loop3A_349 = vector.broadcast %parallel_loop3A_348 : f32 to vector<16xf32>
        %parallel_loop3A_350 = arith.divf %parallel_loop3A_349, %parallel_loop3A_338 : vector<16xf32>
        %parallel_loop3A_351 = arith.index_cast %parallel_loop3A_342 : i32 to index
        %parallel_loop3A_352 = tpu.vector_load %arg11[%parallel_loop3A_351] {strides = array<i32>} : memref<256xf32, #tpu.memory_space<vmem>>, vector<16xf32>,
        tpu.vector_store %arg11[%parallel_loop3A_351], %parallel_loop3A_350 {strides = array<i32>} : memref<256xf32, #tpu.memory_space<vmem>>, vector<16xf32>,
      } {sc.loop_unroll_factor = 4 : i64, sc.parallel_access}
      %gt3A = arith.constant 0 : i32
      %gt3A_75 = arith.cmpi sgt, %scan3A_66, %gt3A : i32
      %convert_element_type3A_76 = arith.extui %gt3A_75 : i1 to i32
      %cond3A_77 = arith.constant 0 : i32
      %cond3A_78 = arith.cmpi ne, %convert_element_type3A_76, %cond3A_77 : i32
      scf.if %cond3A_78 {
        %dma_wait3A_191 = arith.constant 0 : i32
        %dma_wait3A_192 = tpu.memref_slice %arg5[%mul3A_2, %dma_wait3A_191] : memref<262144x128xf32, #tpu.memory_space<hbm>> -> memref<64x128xf32, #tpu.memory_space<hbm>>
        %dma_wait3A_193 = arith.constant 0 : i32
        %dma_wait3A_194 = tpu.memref_slice %arg5[%mul3A_2, %dma_wait3A_193] : memref<262144x128xf32, #tpu.memory_space<hbm>> -> memref<64x128xf32, #tpu.memory_space<hbm>>
        tpu.wait_dma2 semaphore(%arg20 : memref<!tpu.dma_semaphore, #tpu.memory_space<semaphore_mem>>) src(%arg12 : memref<64x128xf32, #tpu.memory_space<vmem>>) dst(%dma_wait3A_194 : memref<64x128xf32, #tpu.memory_space<hbm>>)
      } else {
      }
      %dma_start3A_79 = arith.constant 0 : i32
      %dma_start3A_80 = tpu.memref_slice %arg9[%dma_start3A_79] : memref<256xi32, #tpu.memory_space<vmem>> -> memref<64xi32, #tpu.memory_space<vmem>>
      %dma_start3A_81 = arith.constant 0 : i32
      %dma_start3A_82 = arith.constant 0 : i32
      %dma_start3A_83 = tpu.memref_slice %arg6[%dma_start3A_81, %dma_start3A_82] : memref<8192x128xf32, #tpu.memory_space<vmem_shared>> -> memref<8192x128xf32, #tpu.memory_space<vmem_shared>>
      tpu.enqueue_indirect_dma source(%dma_start3A_83 : memref<8192x128xf32, #tpu.memory_space<vmem_shared>>) target(%arg12 : memref<64x128xf32, #tpu.memory_space<vmem>>) offsets(%dma_start3A_80 : memref<64xi32, #tpu.memory_space<vmem>>) semaphore(%arg16 : memref<!tpu.dma_semaphore, #tpu.memory_space<semaphore_mem>>)
      %gt3A_84 = arith.constant 0 : i32
      %gt3A_85 = arith.cmpi sgt, %scan3A_66, %gt3A_84 : i32
      %convert_element_type3A_86 = arith.extui %gt3A_85 : i1 to i32
      %cond3A_87 = arith.constant 0 : i32
      %cond3A_88 = arith.cmpi ne, %convert_element_type3A_86, %cond3A_87 : i32
      scf.if %cond3A_88 {
        %sub3A_191 = arith.constant 1 : i32
        %sub3A_192 = arith.subi %add3A_71, %sub3A_191 : i32
        %dma_wait3A_193 = arith.constant 0 : i32
        %dma_wait3A_194 = tpu.memref_slice %arg9[%dma_wait3A_193] : memref<256xi32, #tpu.memory_space<vmem>> -> memref<64xi32, #tpu.memory_space<vmem>>
        %dma_wait3A_195 = arith.constant 0 : i32
        %dma_wait3A_196 = arith.constant 0 : i32
        %dma_wait3A_197 = tpu.memref_slice %arg6[%dma_wait3A_195, %dma_wait3A_196] : memref<8192x128xf32, #tpu.memory_space<vmem_shared>> -> memref<8192x128xf32, #tpu.memory_space<vmem_shared>>
        tpu.wait_indirect_dma semaphore(%arg19 : memref<!tpu.dma_semaphore, #tpu.memory_space<semaphore_mem>>) src(%dma_wait3A_197 : memref<8192x128xf32, #tpu.memory_space<vmem_shared>>) dst(%arg15 : memref<64x128xf32, #tpu.memory_space<vmem>>)
        %parallel_loop3A_198 = arith.constant 0 : i32
        %parallel_loop3A_199 = arith.constant 64 : i32
        %parallel_loop3A_200 = arith.constant 1 : i32
        scf.for %parallel_loop3A_208 = %parallel_loop3A_198 to %parallel_loop3A_199 step %parallel_loop3A_200  : i32 {
          %parallel_loop3A_209 = arith.constant 192 : i32
          %parallel_loop3A_210 = arith.addi %parallel_loop3A_209, %parallel_loop3A_208 : i32
          %parallel_loop3A_211 = vector.broadcast %parallel_loop3A_210 : i32 to vector<16xi32>
          %parallel_loop3A_212 = tpu.vector_load_idx %arg10[%parallel_loop3A_211] : memref<256xf32, #tpu.memory_space<vmem>>[vector<16xi32>], vector<16xf32>,
          %parallel_loop3A_213 = tpu.vector_load_idx %arg11[%parallel_loop3A_211] : memref<256xf32, #tpu.memory_space<vmem>>[vector<16xi32>], vector<16xf32>,
          %parallel_loop3A_214 = arith.index_cast %parallel_loop3A_208 : i32 to index
          %parallel_loop3A_215 = arith.constant 0 : index
          %parallel_loop3A_216 = tpu.vector_load %arg15[%parallel_loop3A_214, %parallel_loop3A_215] {strides = array<i32>} : memref<64x128xf32, #tpu.memory_space<vmem>>, vector<16xf32>,
          %parallel_loop3A_217 = arith.index_cast %parallel_loop3A_208 : i32 to index
          %parallel_loop3A_218 = arith.constant 64 : index
          %parallel_loop3A_219 = tpu.vector_load %arg15[%parallel_loop3A_217, %parallel_loop3A_218] {strides = array<i32>} : memref<64x128xf32, #tpu.memory_space<vmem>>, vector<16xf32>,
          %parallel_loop3A_220 = arith.subf %parallel_loop3A_219, %parallel_loop3A_216 : vector<16xf32>
          %parallel_loop3A_221 = arith.mulf %parallel_loop3A_220, %parallel_loop3A_213 : vector<16xf32>
          %parallel_loop3A_222 = arith.mulf %parallel_loop3A_221, %parallel_loop3A_212 : vector<16xf32>
          %parallel_loop3A_223 = arith.addf %parallel_loop3A_216, %parallel_loop3A_222 : vector<16xf32>
          %parallel_loop3A_224 = arith.index_cast %parallel_loop3A_208 : i32 to index
          %parallel_loop3A_225 = arith.constant 0 : index
          %parallel_loop3A_226 = tpu.vector_load %arg15[%parallel_loop3A_224, %parallel_loop3A_225] {strides = array<i32>} : memref<64x128xf32, #tpu.memory_space<vmem>>, vector<16xf32>,
          tpu.vector_store %arg15[%parallel_loop3A_224, %parallel_loop3A_225], %parallel_loop3A_223 {strides = array<i32>} : memref<64x128xf32, #tpu.memory_space<vmem>>, vector<16xf32>,
          %parallel_loop3A_227 = arith.index_cast %parallel_loop3A_208 : i32 to index
          %parallel_loop3A_228 = arith.constant 64 : index
          %parallel_loop3A_229 = tpu.vector_load %arg15[%parallel_loop3A_227, %parallel_loop3A_228] {strides = array<i32>} : memref<64x128xf32, #tpu.memory_space<vmem>>, vector<16xf32>,
          tpu.vector_store %arg15[%parallel_loop3A_227, %parallel_loop3A_228], %parallel_loop3A_221 {strides = array<i32>} : memref<64x128xf32, #tpu.memory_space<vmem>>, vector<16xf32>,
          %parallel_loop3A_230 = arith.index_cast %parallel_loop3A_208 : i32 to index
          %parallel_loop3A_231 = arith.constant 16 : index
          %parallel_loop3A_232 = tpu.vector_load %arg15[%parallel_loop3A_230, %parallel_loop3A_231] {strides = array<i32>} : memref<64x128xf32, #tpu.memory_space<vmem>>, vector<16xf32>,
          %parallel_loop3A_233 = arith.index_cast %parallel_loop3A_208 : i32 to index
          %parallel_loop3A_234 = arith.constant 80 : index
          %parallel_loop3A_235 = tpu.vector_load %arg15[%parallel_loop3A_233, %parallel_loop3A_234] {strides = array<i32>} : memref<64x128xf32, #tpu.memory_space<vmem>>, vector<16xf32>,
          %parallel_loop3A_236 = arith.subf %parallel_loop3A_235, %parallel_loop3A_232 : vector<16xf32>
          %parallel_loop3A_237 = arith.mulf %parallel_loop3A_236, %parallel_loop3A_213 : vector<16xf32>
          %parallel_loop3A_238 = arith.mulf %parallel_loop3A_237, %parallel_loop3A_212 : vector<16xf32>
          %parallel_loop3A_239 = arith.addf %parallel_loop3A_232, %parallel_loop3A_238 : vector<16xf32>
          %parallel_loop3A_240 = arith.index_cast %parallel_loop3A_208 : i32 to index
          %parallel_loop3A_241 = arith.constant 16 : index
          %parallel_loop3A_242 = tpu.vector_load %arg15[%parallel_loop3A_240, %parallel_loop3A_241] {strides = array<i32>} : memref<64x128xf32, #tpu.memory_space<vmem>>, vector<16xf32>,
          tpu.vector_store %arg15[%parallel_loop3A_240, %parallel_loop3A_241], %parallel_loop3A_239 {strides = array<i32>} : memref<64x128xf32, #tpu.memory_space<vmem>>, vector<16xf32>,
          %parallel_loop3A_243 = arith.index_cast %parallel_loop3A_208 : i32 to index
          %parallel_loop3A_244 = arith.constant 80 : index
          %parallel_loop3A_245 = tpu.vector_load %arg15[%parallel_loop3A_243, %parallel_loop3A_244] {strides = array<i32>} : memref<64x128xf32, #tpu.memory_space<vmem>>, vector<16xf32>,
          tpu.vector_store %arg15[%parallel_loop3A_243, %parallel_loop3A_244], %parallel_loop3A_237 {strides = array<i32>} : memref<64x128xf32, #tpu.memory_space<vmem>>, vector<16xf32>,
          %parallel_loop3A_246 = arith.index_cast %parallel_loop3A_208 : i32 to index
          %parallel_loop3A_247 = arith.constant 32 : index
          %parallel_loop3A_248 = tpu.vector_load %arg15[%parallel_loop3A_246, %parallel_loop3A_247] {strides = array<i32>} : memref<64x128xf32, #tpu.memory_space<vmem>>, vector<16xf32>,
          %parallel_loop3A_249 = arith.index_cast %parallel_loop3A_208 : i32 to index
          %parallel_loop3A_250 = arith.constant 96 : index
          %parallel_loop3A_251 = tpu.vector_load %arg15[%parallel_loop3A_249, %parallel_loop3A_250] {strides = array<i32>} : memref<64x128xf32, #tpu.memory_space<vmem>>, vector<16xf32>,
          %parallel_loop3A_252 = arith.subf %parallel_loop3A_251, %parallel_loop3A_248 : vector<16xf32>
          %parallel_loop3A_253 = arith.mulf %parallel_loop3A_252, %parallel_loop3A_213 : vector<16xf32>
          %parallel_loop3A_254 = arith.mulf %parallel_loop3A_253, %parallel_loop3A_212 : vector<16xf32>
          %parallel_loop3A_255 = arith.addf %parallel_loop3A_248, %parallel_loop3A_254 : vector<16xf32>
          %parallel_loop3A_256 = arith.index_cast %parallel_loop3A_208 : i32 to index
          %parallel_loop3A_257 = arith.constant 32 : index
          %parallel_loop3A_258 = tpu.vector_load %arg15[%parallel_loop3A_256, %parallel_loop3A_257] {strides = array<i32>} : memref<64x128xf32, #tpu.memory_space<vmem>>, vector<16xf32>,
          tpu.vector_store %arg15[%parallel_loop3A_256, %parallel_loop3A_257], %parallel_loop3A_255 {strides = array<i32>} : memref<64x128xf32, #tpu.memory_space<vmem>>, vector<16xf32>,
          %parallel_loop3A_259 = arith.index_cast %parallel_loop3A_208 : i32 to index
          %parallel_loop3A_260 = arith.constant 96 : index
          %parallel_loop3A_261 = tpu.vector_load %arg15[%parallel_loop3A_259, %parallel_loop3A_260] {strides = array<i32>} : memref<64x128xf32, #tpu.memory_space<vmem>>, vector<16xf32>,
          tpu.vector_store %arg15[%parallel_loop3A_259, %parallel_loop3A_260], %parallel_loop3A_253 {strides = array<i32>} : memref<64x128xf32, #tpu.memory_space<vmem>>, vector<16xf32>,
          %parallel_loop3A_262 = arith.index_cast %parallel_loop3A_208 : i32 to index
          %parallel_loop3A_263 = arith.constant 48 : index
          %parallel_loop3A_264 = tpu.vector_load %arg15[%parallel_loop3A_262, %parallel_loop3A_263] {strides = array<i32>} : memref<64x128xf32, #tpu.memory_space<vmem>>, vector<16xf32>,
          %parallel_loop3A_265 = arith.index_cast %parallel_loop3A_208 : i32 to index
          %parallel_loop3A_266 = arith.constant 112 : index
          %parallel_loop3A_267 = tpu.vector_load %arg15[%parallel_loop3A_265, %parallel_loop3A_266] {strides = array<i32>} : memref<64x128xf32, #tpu.memory_space<vmem>>, vector<16xf32>,
          %parallel_loop3A_268 = arith.subf %parallel_loop3A_267, %parallel_loop3A_264 : vector<16xf32>
          %parallel_loop3A_269 = arith.mulf %parallel_loop3A_268, %parallel_loop3A_213 : vector<16xf32>
          %parallel_loop3A_270 = arith.mulf %parallel_loop3A_269, %parallel_loop3A_212 : vector<16xf32>
          %parallel_loop3A_271 = arith.addf %parallel_loop3A_264, %parallel_loop3A_270 : vector<16xf32>
          %parallel_loop3A_272 = arith.index_cast %parallel_loop3A_208 : i32 to index
          %parallel_loop3A_273 = arith.constant 48 : index
          %parallel_loop3A_274 = tpu.vector_load %arg15[%parallel_loop3A_272, %parallel_loop3A_273] {strides = array<i32>} : memref<64x128xf32, #tpu.memory_space<vmem>>, vector<16xf32>,
          tpu.vector_store %arg15[%parallel_loop3A_272, %parallel_loop3A_273], %parallel_loop3A_271 {strides = array<i32>} : memref<64x128xf32, #tpu.memory_space<vmem>>, vector<16xf32>,
          %parallel_loop3A_275 = arith.index_cast %parallel_loop3A_208 : i32 to index
          %parallel_loop3A_276 = arith.constant 112 : index
          %parallel_loop3A_277 = tpu.vector_load %arg15[%parallel_loop3A_275, %parallel_loop3A_276] {strides = array<i32>} : memref<64x128xf32, #tpu.memory_space<vmem>>, vector<16xf32>,
          tpu.vector_store %arg15[%parallel_loop3A_275, %parallel_loop3A_276], %parallel_loop3A_269 {strides = array<i32>} : memref<64x128xf32, #tpu.memory_space<vmem>>, vector<16xf32>,
        } {sc.loop_unroll_factor = 4 : i64, sc.parallel_access}
        %mul3A_201 = arith.constant 64 : i32
        %mul3A_202 = arith.muli %sub3A_192, %mul3A_201 : i32
        %add3A_203 = arith.addi %mul3A_2, %mul3A_202 : i32
        %dma_start3A_204 = arith.constant 0 : i32
        %dma_start3A_205 = tpu.memref_slice %arg5[%add3A_203, %dma_start3A_204] : memref<262144x128xf32, #tpu.memory_space<hbm>> -> memref<64x128xf32, #tpu.memory_space<hbm>>
        %dma_start3A_206 = arith.constant 0 : i32
        %dma_start3A_207 = tpu.memref_slice %arg5[%add3A_203, %dma_start3A_206] : memref<262144x128xf32, #tpu.memory_space<hbm>> -> memref<64x128xf32, #tpu.memory_space<hbm>>
        tpu.enqueue_dma source(%arg15 : memref<64x128xf32, #tpu.memory_space<vmem>>) target(%dma_start3A_207 : memref<64x128xf32, #tpu.memory_space<hbm>>) target_semaphore(%arg23 : memref<!tpu.dma_semaphore, #tpu.memory_space<semaphore_mem>>)
      } else {
      }
      %mul3A_89 = arith.constant 4 : i32
      %mul3A_90 = arith.muli %scan3A_66, %mul3A_89 : i32
      %add3A_91 = arith.constant 1 : i32
      %add3A_92 = arith.addi %mul3A_90, %add3A_91 : i32
      %parallel_loop3A_93 = arith.constant 0 : i32
      %parallel_loop3A_94 = arith.constant 4 : i32
      %parallel_loop3A_95 = arith.constant 1 : i32
      scf.for %parallel_loop3A_191 = %parallel_loop3A_93 to %parallel_loop3A_94 step %parallel_loop3A_95  : i32 {
        %parallel_loop3A_192 = arith.constant 4 : i32
        %parallel_loop3A_193 = arith.muli %add3A_92, %parallel_loop3A_192 : i32
        %parallel_loop3A_194 = arith.addi %parallel_loop3A_193, %parallel_loop3A_191 : i32
        %parallel_loop3A_195 = arith.constant 16 : i32
        %parallel_loop3A_196 = arith.muli %parallel_loop3A_194, %parallel_loop3A_195 : i32
        %parallel_loop3A_197 = arith.index_cast %parallel_loop3A_196 : i32 to index
        %parallel_loop3A_198 = tpu.vector_load %arg7[%parallel_loop3A_197] {strides = array<i32>} : memref<8192xf32, #tpu.memory_space<vmem>>, vector<16xf32>,
        %parallel_loop3A_199 = arith.constant 0 : i32
        %parallel_loop3A_200 = vector.broadcast %parallel_loop3A_199 : i32 to vector<16xi32>
        %parallel_loop3A_201 = arith.constant 4095 : i32
        %parallel_loop3A_202 = vector.broadcast %parallel_loop3A_201 : i32 to vector<16xi32>
        %parallel_loop3A_203 = arith.addi %parallel_loop3A_200, %parallel_loop3A_202 : vector<16xi32>
        %parallel_loop3A_204 = tpu.vector_load_idx %arg8[%parallel_loop3A_203] : memref<8192xf32, #tpu.memory_space<vmem>>[vector<16xi32>], vector<16xf32>,
        %parallel_loop3A_205 = arith.cmpf olt, %parallel_loop3A_204, %parallel_loop3A_198 : vector<16xf32>
        %parallel_loop3A_206 = arith.constant 4096 : i32
        %parallel_loop3A_207 = vector.broadcast %parallel_loop3A_206 : i32 to vector<16xi32>
        %parallel_loop3A_208 = arith.addi %parallel_loop3A_200, %parallel_loop3A_207 : vector<16xi32>
        %parallel_loop3A_209 = arith.select %parallel_loop3A_205, %parallel_loop3A_208, %parallel_loop3A_200 : vector<16xi1>, vector<16xi32>
        %parallel_loop3A_210 = arith.constant 2047 : i32
        %parallel_loop3A_211 = vector.broadcast %parallel_loop3A_210 : i32 to vector<16xi32>
        %parallel_loop3A_212 = arith.addi %parallel_loop3A_209, %parallel_loop3A_211 : vector<16xi32>
        %parallel_loop3A_213 = tpu.vector_load_idx %arg8[%parallel_loop3A_212] : memref<8192xf32, #tpu.memory_space<vmem>>[vector<16xi32>], vector<16xf32>,
        %parallel_loop3A_214 = arith.cmpf olt, %parallel_loop3A_213, %parallel_loop3A_198 : vector<16xf32>
        %parallel_loop3A_215 = arith.constant 2048 : i32
        %parallel_loop3A_216 = vector.broadcast %parallel_loop3A_215 : i32 to vector<16xi32>
        %parallel_loop3A_217 = arith.addi %parallel_loop3A_209, %parallel_loop3A_216 : vector<16xi32>
        %parallel_loop3A_218 = arith.select %parallel_loop3A_214, %parallel_loop3A_217, %parallel_loop3A_209 : vector<16xi1>, vector<16xi32>
        %parallel_loop3A_219 = arith.constant 1023 : i32
        %parallel_loop3A_220 = vector.broadcast %parallel_loop3A_219 : i32 to vector<16xi32>
        %parallel_loop3A_221 = arith.addi %parallel_loop3A_218, %parallel_loop3A_220 : vector<16xi32>
        %parallel_loop3A_222 = tpu.vector_load_idx %arg8[%parallel_loop3A_221] : memref<8192xf32, #tpu.memory_space<vmem>>[vector<16xi32>], vector<16xf32>,
        %parallel_loop3A_223 = arith.cmpf olt, %parallel_loop3A_222, %parallel_loop3A_198 : vector<16xf32>
        %parallel_loop3A_224 = arith.constant 1024 : i32
        %parallel_loop3A_225 = vector.broadcast %parallel_loop3A_224 : i32 to vector<16xi32>
        %parallel_loop3A_226 = arith.addi %parallel_loop3A_218, %parallel_loop3A_225 : vector<16xi32>
        %parallel_loop3A_227 = arith.select %parallel_loop3A_223, %parallel_loop3A_226, %parallel_loop3A_218 : vector<16xi1>, vector<16xi32>
        %parallel_loop3A_228 = arith.constant 511 : i32
        %parallel_loop3A_229 = vector.broadcast %parallel_loop3A_228 : i32 to vector<16xi32>
        %parallel_loop3A_230 = arith.addi %parallel_loop3A_227, %parallel_loop3A_229 : vector<16xi32>
        %parallel_loop3A_231 = tpu.vector_load_idx %arg8[%parallel_loop3A_230] : memref<8192xf32, #tpu.memory_space<vmem>>[vector<16xi32>], vector<16xf32>,
        %parallel_loop3A_232 = arith.cmpf olt, %parallel_loop3A_231, %parallel_loop3A_198 : vector<16xf32>
        %parallel_loop3A_233 = arith.constant 512 : i32
        %parallel_loop3A_234 = vector.broadcast %parallel_loop3A_233 : i32 to vector<16xi32>
        %parallel_loop3A_235 = arith.addi %parallel_loop3A_227, %parallel_loop3A_234 : vector<16xi32>
        %parallel_loop3A_236 = arith.select %parallel_loop3A_232, %parallel_loop3A_235, %parallel_loop3A_227 : vector<16xi1>, vector<16xi32>
        %parallel_loop3A_237 = arith.constant 255 : i32
        %parallel_loop3A_238 = vector.broadcast %parallel_loop3A_237 : i32 to vector<16xi32>
        %parallel_loop3A_239 = arith.addi %parallel_loop3A_236, %parallel_loop3A_238 : vector<16xi32>
        %parallel_loop3A_240 = tpu.vector_load_idx %arg8[%parallel_loop3A_239] : memref<8192xf32, #tpu.memory_space<vmem>>[vector<16xi32>], vector<16xf32>,
        %parallel_loop3A_241 = arith.cmpf olt, %parallel_loop3A_240, %parallel_loop3A_198 : vector<16xf32>
        %parallel_loop3A_242 = arith.constant 256 : i32
        %parallel_loop3A_243 = vector.broadcast %parallel_loop3A_242 : i32 to vector<16xi32>
        %parallel_loop3A_244 = arith.addi %parallel_loop3A_236, %parallel_loop3A_243 : vector<16xi32>
        %parallel_loop3A_245 = arith.select %parallel_loop3A_241, %parallel_loop3A_244, %parallel_loop3A_236 : vector<16xi1>, vector<16xi32>
        %parallel_loop3A_246 = arith.constant 127 : i32
        %parallel_loop3A_247 = vector.broadcast %parallel_loop3A_246 : i32 to vector<16xi32>
        %parallel_loop3A_248 = arith.addi %parallel_loop3A_245, %parallel_loop3A_247 : vector<16xi32>
        %parallel_loop3A_249 = tpu.vector_load_idx %arg8[%parallel_loop3A_248] : memref<8192xf32, #tpu.memory_space<vmem>>[vector<16xi32>], vector<16xf32>,
        %parallel_loop3A_250 = arith.cmpf olt, %parallel_loop3A_249, %parallel_loop3A_198 : vector<16xf32>
        %parallel_loop3A_251 = arith.constant 128 : i32
        %parallel_loop3A_252 = vector.broadcast %parallel_loop3A_251 : i32 to vector<16xi32>
        %parallel_loop3A_253 = arith.addi %parallel_loop3A_245, %parallel_loop3A_252 : vector<16xi32>
        %parallel_loop3A_254 = arith.select %parallel_loop3A_250, %parallel_loop3A_253, %parallel_loop3A_245 : vector<16xi1>, vector<16xi32>
        %parallel_loop3A_255 = arith.constant 63 : i32
        %parallel_loop3A_256 = vector.broadcast %parallel_loop3A_255 : i32 to vector<16xi32>
        %parallel_loop3A_257 = arith.addi %parallel_loop3A_254, %parallel_loop3A_256 : vector<16xi32>
        %parallel_loop3A_258 = tpu.vector_load_idx %arg8[%parallel_loop3A_257] : memref<8192xf32, #tpu.memory_space<vmem>>[vector<16xi32>], vector<16xf32>,
        %parallel_loop3A_259 = arith.cmpf olt, %parallel_loop3A_258, %parallel_loop3A_198 : vector<16xf32>
        %parallel_loop3A_260 = arith.constant 64 : i32
        %parallel_loop3A_261 = vector.broadcast %parallel_loop3A_260 : i32 to vector<16xi32>
        %parallel_loop3A_262 = arith.addi %parallel_loop3A_254, %parallel_loop3A_261 : vector<16xi32>
        %parallel_loop3A_263 = arith.select %parallel_loop3A_259, %parallel_loop3A_262, %parallel_loop3A_254 : vector<16xi1>, vector<16xi32>
        %parallel_loop3A_264 = arith.constant 31 : i32
        %parallel_loop3A_265 = vector.broadcast %parallel_loop3A_264 : i32 to vector<16xi32>
        %parallel_loop3A_266 = arith.addi %parallel_loop3A_263, %parallel_loop3A_265 : vector<16xi32>
        %parallel_loop3A_267 = tpu.vector_load_idx %arg8[%parallel_loop3A_266] : memref<8192xf32, #tpu.memory_space<vmem>>[vector<16xi32>], vector<16xf32>,
        %parallel_loop3A_268 = arith.cmpf olt, %parallel_loop3A_267, %parallel_loop3A_198 : vector<16xf32>
        %parallel_loop3A_269 = arith.constant 32 : i32
        %parallel_loop3A_270 = vector.broadcast %parallel_loop3A_269 : i32 to vector<16xi32>
        %parallel_loop3A_271 = arith.addi %parallel_loop3A_263, %parallel_loop3A_270 : vector<16xi32>
        %parallel_loop3A_272 = arith.select %parallel_loop3A_268, %parallel_loop3A_271, %parallel_loop3A_263 : vector<16xi1>, vector<16xi32>
        %parallel_loop3A_273 = arith.constant 15 : i32
        %parallel_loop3A_274 = vector.broadcast %parallel_loop3A_273 : i32 to vector<16xi32>
        %parallel_loop3A_275 = arith.addi %parallel_loop3A_272, %parallel_loop3A_274 : vector<16xi32>
        %parallel_loop3A_276 = tpu.vector_load_idx %arg8[%parallel_loop3A_275] : memref<8192xf32, #tpu.memory_space<vmem>>[vector<16xi32>], vector<16xf32>,
        %parallel_loop3A_277 = arith.cmpf olt, %parallel_loop3A_276, %parallel_loop3A_198 : vector<16xf32>
        %parallel_loop3A_278 = arith.constant 16 : i32
        %parallel_loop3A_279 = vector.broadcast %parallel_loop3A_278 : i32 to vector<16xi32>
        %parallel_loop3A_280 = arith.addi %parallel_loop3A_272, %parallel_loop3A_279 : vector<16xi32>
        %parallel_loop3A_281 = arith.select %parallel_loop3A_277, %parallel_loop3A_280, %parallel_loop3A_272 : vector<16xi1>, vector<16xi32>
        %parallel_loop3A_282 = arith.constant 7 : i32
        %parallel_loop3A_283 = vector.broadcast %parallel_loop3A_282 : i32 to vector<16xi32>
        %parallel_loop3A_284 = arith.addi %parallel_loop3A_281, %parallel_loop3A_283 : vector<16xi32>
        %parallel_loop3A_285 = tpu.vector_load_idx %arg8[%parallel_loop3A_284] : memref<8192xf32, #tpu.memory_space<vmem>>[vector<16xi32>], vector<16xf32>,
        %parallel_loop3A_286 = arith.cmpf olt, %parallel_loop3A_285, %parallel_loop3A_198 : vector<16xf32>
        %parallel_loop3A_287 = arith.constant 8 : i32
        %parallel_loop3A_288 = vector.broadcast %parallel_loop3A_287 : i32 to vector<16xi32>
        %parallel_loop3A_289 = arith.addi %parallel_loop3A_281, %parallel_loop3A_288 : vector<16xi32>
        %parallel_loop3A_290 = arith.select %parallel_loop3A_286, %parallel_loop3A_289, %parallel_loop3A_281 : vector<16xi1>, vector<16xi32>
        %parallel_loop3A_291 = arith.constant 3 : i32
        %parallel_loop3A_292 = vector.broadcast %parallel_loop3A_291 : i32 to vector<16xi32>
        %parallel_loop3A_293 = arith.addi %parallel_loop3A_290, %parallel_loop3A_292 : vector<16xi32>
        %parallel_loop3A_294 = tpu.vector_load_idx %arg8[%parallel_loop3A_293] : memref<8192xf32, #tpu.memory_space<vmem>>[vector<16xi32>], vector<16xf32>,
        %parallel_loop3A_295 = arith.cmpf olt, %parallel_loop3A_294, %parallel_loop3A_198 : vector<16xf32>
        %parallel_loop3A_296 = arith.constant 4 : i32
        %parallel_loop3A_297 = vector.broadcast %parallel_loop3A_296 : i32 to vector<16xi32>
        %parallel_loop3A_298 = arith.addi %parallel_loop3A_290, %parallel_loop3A_297 : vector<16xi32>
        %parallel_loop3A_299 = arith.select %parallel_loop3A_295, %parallel_loop3A_298, %parallel_loop3A_290 : vector<16xi1>, vector<16xi32>
        %parallel_loop3A_300 = arith.constant 1 : i32
        %parallel_loop3A_301 = vector.broadcast %parallel_loop3A_300 : i32 to vector<16xi32>
        %parallel_loop3A_302 = arith.addi %parallel_loop3A_299, %parallel_loop3A_301 : vector<16xi32>
        %parallel_loop3A_303 = tpu.vector_load_idx %arg8[%parallel_loop3A_302] : memref<8192xf32, #tpu.memory_space<vmem>>[vector<16xi32>], vector<16xf32>,
        %parallel_loop3A_304 = arith.cmpf olt, %parallel_loop3A_303, %parallel_loop3A_198 : vector<16xf32>
        %parallel_loop3A_305 = arith.constant 2 : i32
        %parallel_loop3A_306 = vector.broadcast %parallel_loop3A_305 : i32 to vector<16xi32>
        %parallel_loop3A_307 = arith.addi %parallel_loop3A_299, %parallel_loop3A_306 : vector<16xi32>
        %parallel_loop3A_308 = arith.select %parallel_loop3A_304, %parallel_loop3A_307, %parallel_loop3A_299 : vector<16xi1>, vector<16xi32>
        %parallel_loop3A_309 = arith.constant 0 : i32
        %parallel_loop3A_310 = vector.broadcast %parallel_loop3A_309 : i32 to vector<16xi32>
        %parallel_loop3A_311 = arith.addi %parallel_loop3A_308, %parallel_loop3A_310 : vector<16xi32>
        %parallel_loop3A_312 = tpu.vector_load_idx %arg8[%parallel_loop3A_311] : memref<8192xf32, #tpu.memory_space<vmem>>[vector<16xi32>], vector<16xf32>,
        %parallel_loop3A_313 = arith.cmpf olt, %parallel_loop3A_312, %parallel_loop3A_198 : vector<16xf32>
        %parallel_loop3A_314 = arith.constant 1 : i32
        %parallel_loop3A_315 = vector.broadcast %parallel_loop3A_314 : i32 to vector<16xi32>
        %parallel_loop3A_316 = arith.addi %parallel_loop3A_308, %parallel_loop3A_315 : vector<16xi32>
        %parallel_loop3A_317 = arith.select %parallel_loop3A_313, %parallel_loop3A_316, %parallel_loop3A_308 : vector<16xi1>, vector<16xi32>
        %parallel_loop3A_318 = arith.constant 1 : i32
        %parallel_loop3A_319 = vector.broadcast %parallel_loop3A_318 : i32 to vector<16xi32>
        %parallel_loop3A_320 = arith.subi %parallel_loop3A_317, %parallel_loop3A_319 : vector<16xi32>
        %parallel_loop3A_321 = arith.constant 0 : i32
        %parallel_loop3A_322 = vector.broadcast %parallel_loop3A_321 : i32 to vector<16xi32>
        %parallel_loop3A_323 = arith.maxsi %parallel_loop3A_320, %parallel_loop3A_322 : vector<16xi32>
        %parallel_loop3A_324 = tpu.vector_load_idx %arg8[%parallel_loop3A_323] : memref<8192xf32, #tpu.memory_space<vmem>>[vector<16xi32>], vector<16xf32>,
        %parallel_loop3A_325 = tpu.vector_load_idx %arg8[%parallel_loop3A_317] : memref<8192xf32, #tpu.memory_space<vmem>>[vector<16xi32>], vector<16xf32>,
        %parallel_loop3A_326 = arith.subf %parallel_loop3A_198, %parallel_loop3A_324 : vector<16xf32>
        %parallel_loop3A_327 = arith.subf %parallel_loop3A_325, %parallel_loop3A_324 : vector<16xf32>
        %parallel_loop3A_328 = arith.divf %parallel_loop3A_326, %parallel_loop3A_327 : vector<16xf32>
        %parallel_loop3A_329 = arith.constant 0.000000e+00 : f32
        %parallel_loop3A_330 = arith.constant 1.000000e+00 : f32
        %parallel_loop3A_331 = vector.broadcast %parallel_loop3A_329 : f32 to vector<16xf32>
        %parallel_loop3A_332 = arith.maximumf %parallel_loop3A_331, %parallel_loop3A_328 : vector<16xf32>
        %parallel_loop3A_333 = vector.broadcast %parallel_loop3A_330 : f32 to vector<16xf32>
        %parallel_loop3A_334 = arith.minimumf %parallel_loop3A_333, %parallel_loop3A_332 : vector<16xf32>
        %parallel_loop3A_335 = arith.subf %parallel_loop3A_325, %parallel_loop3A_324 : vector<16xf32>
        %parallel_loop3A_336 = arith.constant 9.99999993E-9 : f32
        %parallel_loop3A_337 = vector.broadcast %parallel_loop3A_336 : f32 to vector<16xf32>
        %parallel_loop3A_338 = arith.maximumf %parallel_loop3A_335, %parallel_loop3A_337 : vector<16xf32>
        %parallel_loop3A_339 = arith.constant 16 : i32
        %parallel_loop3A_340 = arith.muli %parallel_loop3A_191, %parallel_loop3A_339 : i32
        %parallel_loop3A_341 = arith.constant 64 : i32
        %parallel_loop3A_342 = arith.addi %parallel_loop3A_341, %parallel_loop3A_340 : i32
        %parallel_loop3A_343 = arith.index_cast %parallel_loop3A_342 : i32 to index
        %parallel_loop3A_344 = tpu.vector_load %arg9[%parallel_loop3A_343] {strides = array<i32>} : memref<256xi32, #tpu.memory_space<vmem>>, vector<16xi32>,
        tpu.vector_store %arg9[%parallel_loop3A_343], %parallel_loop3A_323 {strides = array<i32>} : memref<256xi32, #tpu.memory_space<vmem>>, vector<16xi32>,
        %parallel_loop3A_345 = arith.mulf %parallel_loop3A_338, %parallel_loop3A_334 : vector<16xf32>
        %parallel_loop3A_346 = arith.index_cast %parallel_loop3A_342 : i32 to index
        %parallel_loop3A_347 = tpu.vector_load %arg10[%parallel_loop3A_346] {strides = array<i32>} : memref<256xf32, #tpu.memory_space<vmem>>, vector<16xf32>,
        tpu.vector_store %arg10[%parallel_loop3A_346], %parallel_loop3A_345 {strides = array<i32>} : memref<256xf32, #tpu.memory_space<vmem>>, vector<16xf32>,
        %parallel_loop3A_348 = arith.constant 1.000000e+00 : f32
        %parallel_loop3A_349 = vector.broadcast %parallel_loop3A_348 : f32 to vector<16xf32>
        %parallel_loop3A_350 = arith.divf %parallel_loop3A_349, %parallel_loop3A_338 : vector<16xf32>
        %parallel_loop3A_351 = arith.index_cast %parallel_loop3A_342 : i32 to index
        %parallel_loop3A_352 = tpu.vector_load %arg11[%parallel_loop3A_351] {strides = array<i32>} : memref<256xf32, #tpu.memory_space<vmem>>, vector<16xf32>,
        tpu.vector_store %arg11[%parallel_loop3A_351], %parallel_loop3A_350 {strides = array<i32>} : memref<256xf32, #tpu.memory_space<vmem>>, vector<16xf32>,
      } {sc.loop_unroll_factor = 4 : i64, sc.parallel_access}
      %gt3A_96 = arith.constant 0 : i32
      %gt3A_97 = arith.cmpi sgt, %scan3A_66, %gt3A_96 : i32
      %convert_element_type3A_98 = arith.extui %gt3A_97 : i1 to i32
      %cond3A_99 = arith.constant 0 : i32
      %cond3A_100 = arith.cmpi ne, %convert_element_type3A_98, %cond3A_99 : i32
      scf.if %cond3A_100 {
        %dma_wait3A_191 = arith.constant 0 : i32
        %dma_wait3A_192 = tpu.memref_slice %arg5[%mul3A_2, %dma_wait3A_191] : memref<262144x128xf32, #tpu.memory_space<hbm>> -> memref<64x128xf32, #tpu.memory_space<hbm>>
        %dma_wait3A_193 = arith.constant 0 : i32
        %dma_wait3A_194 = tpu.memref_slice %arg5[%mul3A_2, %dma_wait3A_193] : memref<262144x128xf32, #tpu.memory_space<hbm>> -> memref<64x128xf32, #tpu.memory_space<hbm>>
        tpu.wait_dma2 semaphore(%arg21 : memref<!tpu.dma_semaphore, #tpu.memory_space<semaphore_mem>>) src(%arg13 : memref<64x128xf32, #tpu.memory_space<vmem>>) dst(%dma_wait3A_194 : memref<64x128xf32, #tpu.memory_space<hbm>>)
      } else {
      }
      %dma_start3A_101 = arith.constant 64 : i32
      %dma_start3A_102 = tpu.memref_slice %arg9[%dma_start3A_101] : memref<256xi32, #tpu.memory_space<vmem>> -> memref<64xi32, #tpu.memory_space<vmem>>
      %dma_start3A_103 = arith.constant 0 : i32
      %dma_start3A_104 = arith.constant 0 : i32
      %dma_start3A_105 = tpu.memref_slice %arg6[%dma_start3A_103, %dma_start3A_104] : memref<8192x128xf32, #tpu.memory_space<vmem_shared>> -> memref<8192x128xf32, #tpu.memory_space<vmem_shared>>
      tpu.enqueue_indirect_dma source(%dma_start3A_105 : memref<8192x128xf32, #tpu.memory_space<vmem_shared>>) target(%arg13 : memref<64x128xf32, #tpu.memory_space<vmem>>) offsets(%dma_start3A_102 : memref<64xi32, #tpu.memory_space<vmem>>) semaphore(%arg17 : memref<!tpu.dma_semaphore, #tpu.memory_space<semaphore_mem>>)
      %sub3A = arith.constant 1 : i32
      %sub3A_106 = arith.subi %add3A_92, %sub3A : i32
      %dma_wait3A_107 = arith.constant 0 : i32
      %dma_wait3A_108 = tpu.memref_slice %arg9[%dma_wait3A_107] : memref<256xi32, #tpu.memory_space<vmem>> -> memref<64xi32, #tpu.memory_space<vmem>>
      %dma_wait3A_109 = arith.constant 0 : i32
      %dma_wait3A_110 = arith.constant 0 : i32
      %dma_wait3A_111 = tpu.memref_slice %arg6[%dma_wait3A_109, %dma_wait3A_110] : memref<8192x128xf32, #tpu.memory_space<vmem_shared>> -> memref<8192x128xf32, #tpu.memory_space<vmem_shared>>
      tpu.wait_indirect_dma semaphore(%arg16 : memref<!tpu.dma_semaphore, #tpu.memory_space<semaphore_mem>>) src(%dma_wait3A_111 : memref<8192x128xf32, #tpu.memory_space<vmem_shared>>) dst(%arg12 : memref<64x128xf32, #tpu.memory_space<vmem>>)
      %parallel_loop3A_112 = arith.constant 0 : i32
      %parallel_loop3A_113 = arith.constant 64 : i32
      %parallel_loop3A_114 = arith.constant 1 : i32
      scf.for %parallel_loop3A_191 = %parallel_loop3A_112 to %parallel_loop3A_113 step %parallel_loop3A_114  : i32 {
        %parallel_loop3A_192 = arith.constant 0 : i32
        %parallel_loop3A_193 = arith.addi %parallel_loop3A_192, %parallel_loop3A_191 : i32
        %parallel_loop3A_194 = vector.broadcast %parallel_loop3A_193 : i32 to vector<16xi32>
        %parallel_loop3A_195 = tpu.vector_load_idx %arg10[%parallel_loop3A_194] : memref<256xf32, #tpu.memory_space<vmem>>[vector<16xi32>], vector<16xf32>,
        %parallel_loop3A_196 = tpu.vector_load_idx %arg11[%parallel_loop3A_194] : memref<256xf32, #tpu.memory_space<vmem>>[vector<16xi32>], vector<16xf32>,
        %parallel_loop3A_197 = arith.index_cast %parallel_loop3A_191 : i32 to index
        %parallel_loop3A_198 = arith.constant 0 : index
        %parallel_loop3A_199 = tpu.vector_load %arg12[%parallel_loop3A_197, %parallel_loop3A_198] {strides = array<i32>} : memref<64x128xf32, #tpu.memory_space<vmem>>, vector<16xf32>,
        %parallel_loop3A_200 = arith.index_cast %parallel_loop3A_191 : i32 to index
        %parallel_loop3A_201 = arith.constant 64 : index
        %parallel_loop3A_202 = tpu.vector_load %arg12[%parallel_loop3A_200, %parallel_loop3A_201] {strides = array<i32>} : memref<64x128xf32, #tpu.memory_space<vmem>>, vector<16xf32>,
        %parallel_loop3A_203 = arith.subf %parallel_loop3A_202, %parallel_loop3A_199 : vector<16xf32>
        %parallel_loop3A_204 = arith.mulf %parallel_loop3A_203, %parallel_loop3A_196 : vector<16xf32>
        %parallel_loop3A_205 = arith.mulf %parallel_loop3A_204, %parallel_loop3A_195 : vector<16xf32>
        %parallel_loop3A_206 = arith.addf %parallel_loop3A_199, %parallel_loop3A_205 : vector<16xf32>
        %parallel_loop3A_207 = arith.index_cast %parallel_loop3A_191 : i32 to index
        %parallel_loop3A_208 = arith.constant 0 : index
        %parallel_loop3A_209 = tpu.vector_load %arg12[%parallel_loop3A_207, %parallel_loop3A_208] {strides = array<i32>} : memref<64x128xf32, #tpu.memory_space<vmem>>, vector<16xf32>,
        tpu.vector_store %arg12[%parallel_loop3A_207, %parallel_loop3A_208], %parallel_loop3A_206 {strides = array<i32>} : memref<64x128xf32, #tpu.memory_space<vmem>>, vector<16xf32>,
        %parallel_loop3A_210 = arith.index_cast %parallel_loop3A_191 : i32 to index
        %parallel_loop3A_211 = arith.constant 64 : index
        %parallel_loop3A_212 = tpu.vector_load %arg12[%parallel_loop3A_210, %parallel_loop3A_211] {strides = array<i32>} : memref<64x128xf32, #tpu.memory_space<vmem>>, vector<16xf32>,
        tpu.vector_store %arg12[%parallel_loop3A_210, %parallel_loop3A_211], %parallel_loop3A_204 {strides = array<i32>} : memref<64x128xf32, #tpu.memory_space<vmem>>, vector<16xf32>,
        %parallel_loop3A_213 = arith.index_cast %parallel_loop3A_191 : i32 to index
        %parallel_loop3A_214 = arith.constant 16 : index
        %parallel_loop3A_215 = tpu.vector_load %arg12[%parallel_loop3A_213, %parallel_loop3A_214] {strides = array<i32>} : memref<64x128xf32, #tpu.memory_space<vmem>>, vector<16xf32>,
        %parallel_loop3A_216 = arith.index_cast %parallel_loop3A_191 : i32 to index
        %parallel_loop3A_217 = arith.constant 80 : index
        %parallel_loop3A_218 = tpu.vector_load %arg12[%parallel_loop3A_216, %parallel_loop3A_217] {strides = array<i32>} : memref<64x128xf32, #tpu.memory_space<vmem>>, vector<16xf32>,
        %parallel_loop3A_219 = arith.subf %parallel_loop3A_218, %parallel_loop3A_215 : vector<16xf32>
        %parallel_loop3A_220 = arith.mulf %parallel_loop3A_219, %parallel_loop3A_196 : vector<16xf32>
        %parallel_loop3A_221 = arith.mulf %parallel_loop3A_220, %parallel_loop3A_195 : vector<16xf32>
        %parallel_loop3A_222 = arith.addf %parallel_loop3A_215, %parallel_loop3A_221 : vector<16xf32>
        %parallel_loop3A_223 = arith.index_cast %parallel_loop3A_191 : i32 to index
        %parallel_loop3A_224 = arith.constant 16 : index
        %parallel_loop3A_225 = tpu.vector_load %arg12[%parallel_loop3A_223, %parallel_loop3A_224] {strides = array<i32>} : memref<64x128xf32, #tpu.memory_space<vmem>>, vector<16xf32>,
        tpu.vector_store %arg12[%parallel_loop3A_223, %parallel_loop3A_224], %parallel_loop3A_222 {strides = array<i32>} : memref<64x128xf32, #tpu.memory_space<vmem>>, vector<16xf32>,
        %parallel_loop3A_226 = arith.index_cast %parallel_loop3A_191 : i32 to index
        %parallel_loop3A_227 = arith.constant 80 : index
        %parallel_loop3A_228 = tpu.vector_load %arg12[%parallel_loop3A_226, %parallel_loop3A_227] {strides = array<i32>} : memref<64x128xf32, #tpu.memory_space<vmem>>, vector<16xf32>,
        tpu.vector_store %arg12[%parallel_loop3A_226, %parallel_loop3A_227], %parallel_loop3A_220 {strides = array<i32>} : memref<64x128xf32, #tpu.memory_space<vmem>>, vector<16xf32>,
        %parallel_loop3A_229 = arith.index_cast %parallel_loop3A_191 : i32 to index
        %parallel_loop3A_230 = arith.constant 32 : index
        %parallel_loop3A_231 = tpu.vector_load %arg12[%parallel_loop3A_229, %parallel_loop3A_230] {strides = array<i32>} : memref<64x128xf32, #tpu.memory_space<vmem>>, vector<16xf32>,
        %parallel_loop3A_232 = arith.index_cast %parallel_loop3A_191 : i32 to index
        %parallel_loop3A_233 = arith.constant 96 : index
        %parallel_loop3A_234 = tpu.vector_load %arg12[%parallel_loop3A_232, %parallel_loop3A_233] {strides = array<i32>} : memref<64x128xf32, #tpu.memory_space<vmem>>, vector<16xf32>,
        %parallel_loop3A_235 = arith.subf %parallel_loop3A_234, %parallel_loop3A_231 : vector<16xf32>
        %parallel_loop3A_236 = arith.mulf %parallel_loop3A_235, %parallel_loop3A_196 : vector<16xf32>
        %parallel_loop3A_237 = arith.mulf %parallel_loop3A_236, %parallel_loop3A_195 : vector<16xf32>
        %parallel_loop3A_238 = arith.addf %parallel_loop3A_231, %parallel_loop3A_237 : vector<16xf32>
        %parallel_loop3A_239 = arith.index_cast %parallel_loop3A_191 : i32 to index
        %parallel_loop3A_240 = arith.constant 32 : index
        %parallel_loop3A_241 = tpu.vector_load %arg12[%parallel_loop3A_239, %parallel_loop3A_240] {strides = array<i32>} : memref<64x128xf32, #tpu.memory_space<vmem>>, vector<16xf32>,
        tpu.vector_store %arg12[%parallel_loop3A_239, %parallel_loop3A_240], %parallel_loop3A_238 {strides = array<i32>} : memref<64x128xf32, #tpu.memory_space<vmem>>, vector<16xf32>,
        %parallel_loop3A_242 = arith.index_cast %parallel_loop3A_191 : i32 to index
        %parallel_loop3A_243 = arith.constant 96 : index
        %parallel_loop3A_244 = tpu.vector_load %arg12[%parallel_loop3A_242, %parallel_loop3A_243] {strides = array<i32>} : memref<64x128xf32, #tpu.memory_space<vmem>>, vector<16xf32>,
        tpu.vector_store %arg12[%parallel_loop3A_242, %parallel_loop3A_243], %parallel_loop3A_236 {strides = array<i32>} : memref<64x128xf32, #tpu.memory_space<vmem>>, vector<16xf32>,
        %parallel_loop3A_245 = arith.index_cast %parallel_loop3A_191 : i32 to index
        %parallel_loop3A_246 = arith.constant 48 : index
        %parallel_loop3A_247 = tpu.vector_load %arg12[%parallel_loop3A_245, %parallel_loop3A_246] {strides = array<i32>} : memref<64x128xf32, #tpu.memory_space<vmem>>, vector<16xf32>,
        %parallel_loop3A_248 = arith.index_cast %parallel_loop3A_191 : i32 to index
        %parallel_loop3A_249 = arith.constant 112 : index
        %parallel_loop3A_250 = tpu.vector_load %arg12[%parallel_loop3A_248, %parallel_loop3A_249] {strides = array<i32>} : memref<64x128xf32, #tpu.memory_space<vmem>>, vector<16xf32>,
        %parallel_loop3A_251 = arith.subf %parallel_loop3A_250, %parallel_loop3A_247 : vector<16xf32>
        %parallel_loop3A_252 = arith.mulf %parallel_loop3A_251, %parallel_loop3A_196 : vector<16xf32>
        %parallel_loop3A_253 = arith.mulf %parallel_loop3A_252, %parallel_loop3A_195 : vector<16xf32>
        %parallel_loop3A_254 = arith.addf %parallel_loop3A_247, %parallel_loop3A_253 : vector<16xf32>
        %parallel_loop3A_255 = arith.index_cast %parallel_loop3A_191 : i32 to index
        %parallel_loop3A_256 = arith.constant 48 : index
        %parallel_loop3A_257 = tpu.vector_load %arg12[%parallel_loop3A_255, %parallel_loop3A_256] {strides = array<i32>} : memref<64x128xf32, #tpu.memory_space<vmem>>, vector<16xf32>,
        tpu.vector_store %arg12[%parallel_loop3A_255, %parallel_loop3A_256], %parallel_loop3A_254 {strides = array<i32>} : memref<64x128xf32, #tpu.memory_space<vmem>>, vector<16xf32>,
        %parallel_loop3A_258 = arith.index_cast %parallel_loop3A_191 : i32 to index
        %parallel_loop3A_259 = arith.constant 112 : index
        %parallel_loop3A_260 = tpu.vector_load %arg12[%parallel_loop3A_258, %parallel_loop3A_259] {strides = array<i32>} : memref<64x128xf32, #tpu.memory_space<vmem>>, vector<16xf32>,
        tpu.vector_store %arg12[%parallel_loop3A_258, %parallel_loop3A_259], %parallel_loop3A_252 {strides = array<i32>} : memref<64x128xf32, #tpu.memory_space<vmem>>, vector<16xf32>,
      } {sc.loop_unroll_factor = 4 : i64, sc.parallel_access}
      %mul3A_115 = arith.constant 64 : i32
      %mul3A_116 = arith.muli %sub3A_106, %mul3A_115 : i32
      %add3A_117 = arith.addi %mul3A_2, %mul3A_116 : i32
      %dma_start3A_118 = arith.constant 0 : i32
      %dma_start3A_119 = tpu.memref_slice %arg5[%add3A_117, %dma_start3A_118] : memref<262144x128xf32, #tpu.memory_space<hbm>> -> memref<64x128xf32, #tpu.memory_space<hbm>>
      %dma_start3A_120 = arith.constant 0 : i32
      %dma_start3A_121 = tpu.memref_slice %arg5[%add3A_117, %dma_start3A_120] : memref<262144x128xf32, #tpu.memory_space<hbm>> -> memref<64x128xf32, #tpu.memory_space<hbm>>
      tpu.enqueue_dma source(%arg12 : memref<64x128xf32, #tpu.memory_space<vmem>>) target(%dma_start3A_121 : memref<64x128xf32, #tpu.memory_space<hbm>>) target_semaphore(%arg20 : memref<!tpu.dma_semaphore, #tpu.memory_space<semaphore_mem>>)
      %mul3A_122 = arith.constant 4 : i32
      %mul3A_123 = arith.muli %scan3A_66, %mul3A_122 : i32
      %add3A_124 = arith.constant 2 : i32
      %add3A_125 = arith.addi %mul3A_123, %add3A_124 : i32
      %parallel_loop3A_126 = arith.constant 0 : i32
      %parallel_loop3A_127 = arith.constant 4 : i32
      %parallel_loop3A_128 = arith.constant 1 : i32
      scf.for %parallel_loop3A_191 = %parallel_loop3A_126 to %parallel_loop3A_127 step %parallel_loop3A_128  : i32 {
        %parallel_loop3A_192 = arith.constant 4 : i32
        %parallel_loop3A_193 = arith.muli %add3A_125, %parallel_loop3A_192 : i32
        %parallel_loop3A_194 = arith.addi %parallel_loop3A_193, %parallel_loop3A_191 : i32
        %parallel_loop3A_195 = arith.constant 16 : i32
        %parallel_loop3A_196 = arith.muli %parallel_loop3A_194, %parallel_loop3A_195 : i32
        %parallel_loop3A_197 = arith.index_cast %parallel_loop3A_196 : i32 to index
        %parallel_loop3A_198 = tpu.vector_load %arg7[%parallel_loop3A_197] {strides = array<i32>} : memref<8192xf32, #tpu.memory_space<vmem>>, vector<16xf32>,
        %parallel_loop3A_199 = arith.constant 0 : i32
        %parallel_loop3A_200 = vector.broadcast %parallel_loop3A_199 : i32 to vector<16xi32>
        %parallel_loop3A_201 = arith.constant 4095 : i32
        %parallel_loop3A_202 = vector.broadcast %parallel_loop3A_201 : i32 to vector<16xi32>
        %parallel_loop3A_203 = arith.addi %parallel_loop3A_200, %parallel_loop3A_202 : vector<16xi32>
        %parallel_loop3A_204 = tpu.vector_load_idx %arg8[%parallel_loop3A_203] : memref<8192xf32, #tpu.memory_space<vmem>>[vector<16xi32>], vector<16xf32>,
        %parallel_loop3A_205 = arith.cmpf olt, %parallel_loop3A_204, %parallel_loop3A_198 : vector<16xf32>
        %parallel_loop3A_206 = arith.constant 4096 : i32
        %parallel_loop3A_207 = vector.broadcast %parallel_loop3A_206 : i32 to vector<16xi32>
        %parallel_loop3A_208 = arith.addi %parallel_loop3A_200, %parallel_loop3A_207 : vector<16xi32>
        %parallel_loop3A_209 = arith.select %parallel_loop3A_205, %parallel_loop3A_208, %parallel_loop3A_200 : vector<16xi1>, vector<16xi32>
        %parallel_loop3A_210 = arith.constant 2047 : i32
        %parallel_loop3A_211 = vector.broadcast %parallel_loop3A_210 : i32 to vector<16xi32>
        %parallel_loop3A_212 = arith.addi %parallel_loop3A_209, %parallel_loop3A_211 : vector<16xi32>
        %parallel_loop3A_213 = tpu.vector_load_idx %arg8[%parallel_loop3A_212] : memref<8192xf32, #tpu.memory_space<vmem>>[vector<16xi32>], vector<16xf32>,
        %parallel_loop3A_214 = arith.cmpf olt, %parallel_loop3A_213, %parallel_loop3A_198 : vector<16xf32>
        %parallel_loop3A_215 = arith.constant 2048 : i32
        %parallel_loop3A_216 = vector.broadcast %parallel_loop3A_215 : i32 to vector<16xi32>
        %parallel_loop3A_217 = arith.addi %parallel_loop3A_209, %parallel_loop3A_216 : vector<16xi32>
        %parallel_loop3A_218 = arith.select %parallel_loop3A_214, %parallel_loop3A_217, %parallel_loop3A_209 : vector<16xi1>, vector<16xi32>
        %parallel_loop3A_219 = arith.constant 1023 : i32
        %parallel_loop3A_220 = vector.broadcast %parallel_loop3A_219 : i32 to vector<16xi32>
        %parallel_loop3A_221 = arith.addi %parallel_loop3A_218, %parallel_loop3A_220 : vector<16xi32>
        %parallel_loop3A_222 = tpu.vector_load_idx %arg8[%parallel_loop3A_221] : memref<8192xf32, #tpu.memory_space<vmem>>[vector<16xi32>], vector<16xf32>,
        %parallel_loop3A_223 = arith.cmpf olt, %parallel_loop3A_222, %parallel_loop3A_198 : vector<16xf32>
        %parallel_loop3A_224 = arith.constant 1024 : i32
        %parallel_loop3A_225 = vector.broadcast %parallel_loop3A_224 : i32 to vector<16xi32>
        %parallel_loop3A_226 = arith.addi %parallel_loop3A_218, %parallel_loop3A_225 : vector<16xi32>
        %parallel_loop3A_227 = arith.select %parallel_loop3A_223, %parallel_loop3A_226, %parallel_loop3A_218 : vector<16xi1>, vector<16xi32>
        %parallel_loop3A_228 = arith.constant 511 : i32
        %parallel_loop3A_229 = vector.broadcast %parallel_loop3A_228 : i32 to vector<16xi32>
        %parallel_loop3A_230 = arith.addi %parallel_loop3A_227, %parallel_loop3A_229 : vector<16xi32>
        %parallel_loop3A_231 = tpu.vector_load_idx %arg8[%parallel_loop3A_230] : memref<8192xf32, #tpu.memory_space<vmem>>[vector<16xi32>], vector<16xf32>,
        %parallel_loop3A_232 = arith.cmpf olt, %parallel_loop3A_231, %parallel_loop3A_198 : vector<16xf32>
        %parallel_loop3A_233 = arith.constant 512 : i32
        %parallel_loop3A_234 = vector.broadcast %parallel_loop3A_233 : i32 to vector<16xi32>
        %parallel_loop3A_235 = arith.addi %parallel_loop3A_227, %parallel_loop3A_234 : vector<16xi32>
        %parallel_loop3A_236 = arith.select %parallel_loop3A_232, %parallel_loop3A_235, %parallel_loop3A_227 : vector<16xi1>, vector<16xi32>
        %parallel_loop3A_237 = arith.constant 255 : i32
        %parallel_loop3A_238 = vector.broadcast %parallel_loop3A_237 : i32 to vector<16xi32>
        %parallel_loop3A_239 = arith.addi %parallel_loop3A_236, %parallel_loop3A_238 : vector<16xi32>
        %parallel_loop3A_240 = tpu.vector_load_idx %arg8[%parallel_loop3A_239] : memref<8192xf32, #tpu.memory_space<vmem>>[vector<16xi32>], vector<16xf32>,
        %parallel_loop3A_241 = arith.cmpf olt, %parallel_loop3A_240, %parallel_loop3A_198 : vector<16xf32>
        %parallel_loop3A_242 = arith.constant 256 : i32
        %parallel_loop3A_243 = vector.broadcast %parallel_loop3A_242 : i32 to vector<16xi32>
        %parallel_loop3A_244 = arith.addi %parallel_loop3A_236, %parallel_loop3A_243 : vector<16xi32>
        %parallel_loop3A_245 = arith.select %parallel_loop3A_241, %parallel_loop3A_244, %parallel_loop3A_236 : vector<16xi1>, vector<16xi32>
        %parallel_loop3A_246 = arith.constant 127 : i32
        %parallel_loop3A_247 = vector.broadcast %parallel_loop3A_246 : i32 to vector<16xi32>
        %parallel_loop3A_248 = arith.addi %parallel_loop3A_245, %parallel_loop3A_247 : vector<16xi32>
        %parallel_loop3A_249 = tpu.vector_load_idx %arg8[%parallel_loop3A_248] : memref<8192xf32, #tpu.memory_space<vmem>>[vector<16xi32>], vector<16xf32>,
        %parallel_loop3A_250 = arith.cmpf olt, %parallel_loop3A_249, %parallel_loop3A_198 : vector<16xf32>
        %parallel_loop3A_251 = arith.constant 128 : i32
        %parallel_loop3A_252 = vector.broadcast %parallel_loop3A_251 : i32 to vector<16xi32>
        %parallel_loop3A_253 = arith.addi %parallel_loop3A_245, %parallel_loop3A_252 : vector<16xi32>
        %parallel_loop3A_254 = arith.select %parallel_loop3A_250, %parallel_loop3A_253, %parallel_loop3A_245 : vector<16xi1>, vector<16xi32>
        %parallel_loop3A_255 = arith.constant 63 : i32
        %parallel_loop3A_256 = vector.broadcast %parallel_loop3A_255 : i32 to vector<16xi32>
        %parallel_loop3A_257 = arith.addi %parallel_loop3A_254, %parallel_loop3A_256 : vector<16xi32>
        %parallel_loop3A_258 = tpu.vector_load_idx %arg8[%parallel_loop3A_257] : memref<8192xf32, #tpu.memory_space<vmem>>[vector<16xi32>], vector<16xf32>,
        %parallel_loop3A_259 = arith.cmpf olt, %parallel_loop3A_258, %parallel_loop3A_198 : vector<16xf32>
        %parallel_loop3A_260 = arith.constant 64 : i32
        %parallel_loop3A_261 = vector.broadcast %parallel_loop3A_260 : i32 to vector<16xi32>
        %parallel_loop3A_262 = arith.addi %parallel_loop3A_254, %parallel_loop3A_261 : vector<16xi32>
        %parallel_loop3A_263 = arith.select %parallel_loop3A_259, %parallel_loop3A_262, %parallel_loop3A_254 : vector<16xi1>, vector<16xi32>
        %parallel_loop3A_264 = arith.constant 31 : i32
        %parallel_loop3A_265 = vector.broadcast %parallel_loop3A_264 : i32 to vector<16xi32>
        %parallel_loop3A_266 = arith.addi %parallel_loop3A_263, %parallel_loop3A_265 : vector<16xi32>
        %parallel_loop3A_267 = tpu.vector_load_idx %arg8[%parallel_loop3A_266] : memref<8192xf32, #tpu.memory_space<vmem>>[vector<16xi32>], vector<16xf32>,
        %parallel_loop3A_268 = arith.cmpf olt, %parallel_loop3A_267, %parallel_loop3A_198 : vector<16xf32>
        %parallel_loop3A_269 = arith.constant 32 : i32
        %parallel_loop3A_270 = vector.broadcast %parallel_loop3A_269 : i32 to vector<16xi32>
        %parallel_loop3A_271 = arith.addi %parallel_loop3A_263, %parallel_loop3A_270 : vector<16xi32>
        %parallel_loop3A_272 = arith.select %parallel_loop3A_268, %parallel_loop3A_271, %parallel_loop3A_263 : vector<16xi1>, vector<16xi32>
        %parallel_loop3A_273 = arith.constant 15 : i32
        %parallel_loop3A_274 = vector.broadcast %parallel_loop3A_273 : i32 to vector<16xi32>
        %parallel_loop3A_275 = arith.addi %parallel_loop3A_272, %parallel_loop3A_274 : vector<16xi32>
        %parallel_loop3A_276 = tpu.vector_load_idx %arg8[%parallel_loop3A_275] : memref<8192xf32, #tpu.memory_space<vmem>>[vector<16xi32>], vector<16xf32>,
        %parallel_loop3A_277 = arith.cmpf olt, %parallel_loop3A_276, %parallel_loop3A_198 : vector<16xf32>
        %parallel_loop3A_278 = arith.constant 16 : i32
        %parallel_loop3A_279 = vector.broadcast %parallel_loop3A_278 : i32 to vector<16xi32>
        %parallel_loop3A_280 = arith.addi %parallel_loop3A_272, %parallel_loop3A_279 : vector<16xi32>
        %parallel_loop3A_281 = arith.select %parallel_loop3A_277, %parallel_loop3A_280, %parallel_loop3A_272 : vector<16xi1>, vector<16xi32>
        %parallel_loop3A_282 = arith.constant 7 : i32
        %parallel_loop3A_283 = vector.broadcast %parallel_loop3A_282 : i32 to vector<16xi32>
        %parallel_loop3A_284 = arith.addi %parallel_loop3A_281, %parallel_loop3A_283 : vector<16xi32>
        %parallel_loop3A_285 = tpu.vector_load_idx %arg8[%parallel_loop3A_284] : memref<8192xf32, #tpu.memory_space<vmem>>[vector<16xi32>], vector<16xf32>,
        %parallel_loop3A_286 = arith.cmpf olt, %parallel_loop3A_285, %parallel_loop3A_198 : vector<16xf32>
        %parallel_loop3A_287 = arith.constant 8 : i32
        %parallel_loop3A_288 = vector.broadcast %parallel_loop3A_287 : i32 to vector<16xi32>
        %parallel_loop3A_289 = arith.addi %parallel_loop3A_281, %parallel_loop3A_288 : vector<16xi32>
        %parallel_loop3A_290 = arith.select %parallel_loop3A_286, %parallel_loop3A_289, %parallel_loop3A_281 : vector<16xi1>, vector<16xi32>
        %parallel_loop3A_291 = arith.constant 3 : i32
        %parallel_loop3A_292 = vector.broadcast %parallel_loop3A_291 : i32 to vector<16xi32>
        %parallel_loop3A_293 = arith.addi %parallel_loop3A_290, %parallel_loop3A_292 : vector<16xi32>
        %parallel_loop3A_294 = tpu.vector_load_idx %arg8[%parallel_loop3A_293] : memref<8192xf32, #tpu.memory_space<vmem>>[vector<16xi32>], vector<16xf32>,
        %parallel_loop3A_295 = arith.cmpf olt, %parallel_loop3A_294, %parallel_loop3A_198 : vector<16xf32>
        %parallel_loop3A_296 = arith.constant 4 : i32
        %parallel_loop3A_297 = vector.broadcast %parallel_loop3A_296 : i32 to vector<16xi32>
        %parallel_loop3A_298 = arith.addi %parallel_loop3A_290, %parallel_loop3A_297 : vector<16xi32>
        %parallel_loop3A_299 = arith.select %parallel_loop3A_295, %parallel_loop3A_298, %parallel_loop3A_290 : vector<16xi1>, vector<16xi32>
        %parallel_loop3A_300 = arith.constant 1 : i32
        %parallel_loop3A_301 = vector.broadcast %parallel_loop3A_300 : i32 to vector<16xi32>
        %parallel_loop3A_302 = arith.addi %parallel_loop3A_299, %parallel_loop3A_301 : vector<16xi32>
        %parallel_loop3A_303 = tpu.vector_load_idx %arg8[%parallel_loop3A_302] : memref<8192xf32, #tpu.memory_space<vmem>>[vector<16xi32>], vector<16xf32>,
        %parallel_loop3A_304 = arith.cmpf olt, %parallel_loop3A_303, %parallel_loop3A_198 : vector<16xf32>
        %parallel_loop3A_305 = arith.constant 2 : i32
        %parallel_loop3A_306 = vector.broadcast %parallel_loop3A_305 : i32 to vector<16xi32>
        %parallel_loop3A_307 = arith.addi %parallel_loop3A_299, %parallel_loop3A_306 : vector<16xi32>
        %parallel_loop3A_308 = arith.select %parallel_loop3A_304, %parallel_loop3A_307, %parallel_loop3A_299 : vector<16xi1>, vector<16xi32>
        %parallel_loop3A_309 = arith.constant 0 : i32
        %parallel_loop3A_310 = vector.broadcast %parallel_loop3A_309 : i32 to vector<16xi32>
        %parallel_loop3A_311 = arith.addi %parallel_loop3A_308, %parallel_loop3A_310 : vector<16xi32>
        %parallel_loop3A_312 = tpu.vector_load_idx %arg8[%parallel_loop3A_311] : memref<8192xf32, #tpu.memory_space<vmem>>[vector<16xi32>], vector<16xf32>,
        %parallel_loop3A_313 = arith.cmpf olt, %parallel_loop3A_312, %parallel_loop3A_198 : vector<16xf32>
        %parallel_loop3A_314 = arith.constant 1 : i32
        %parallel_loop3A_315 = vector.broadcast %parallel_loop3A_314 : i32 to vector<16xi32>
        %parallel_loop3A_316 = arith.addi %parallel_loop3A_308, %parallel_loop3A_315 : vector<16xi32>
        %parallel_loop3A_317 = arith.select %parallel_loop3A_313, %parallel_loop3A_316, %parallel_loop3A_308 : vector<16xi1>, vector<16xi32>
        %parallel_loop3A_318 = arith.constant 1 : i32
        %parallel_loop3A_319 = vector.broadcast %parallel_loop3A_318 : i32 to vector<16xi32>
        %parallel_loop3A_320 = arith.subi %parallel_loop3A_317, %parallel_loop3A_319 : vector<16xi32>
        %parallel_loop3A_321 = arith.constant 0 : i32
        %parallel_loop3A_322 = vector.broadcast %parallel_loop3A_321 : i32 to vector<16xi32>
        %parallel_loop3A_323 = arith.maxsi %parallel_loop3A_320, %parallel_loop3A_322 : vector<16xi32>
        %parallel_loop3A_324 = tpu.vector_load_idx %arg8[%parallel_loop3A_323] : memref<8192xf32, #tpu.memory_space<vmem>>[vector<16xi32>], vector<16xf32>,
        %parallel_loop3A_325 = tpu.vector_load_idx %arg8[%parallel_loop3A_317] : memref<8192xf32, #tpu.memory_space<vmem>>[vector<16xi32>], vector<16xf32>,
        %parallel_loop3A_326 = arith.subf %parallel_loop3A_198, %parallel_loop3A_324 : vector<16xf32>
        %parallel_loop3A_327 = arith.subf %parallel_loop3A_325, %parallel_loop3A_324 : vector<16xf32>
        %parallel_loop3A_328 = arith.divf %parallel_loop3A_326, %parallel_loop3A_327 : vector<16xf32>
        %parallel_loop3A_329 = arith.constant 0.000000e+00 : f32
        %parallel_loop3A_330 = arith.constant 1.000000e+00 : f32
        %parallel_loop3A_331 = vector.broadcast %parallel_loop3A_329 : f32 to vector<16xf32>
        %parallel_loop3A_332 = arith.maximumf %parallel_loop3A_331, %parallel_loop3A_328 : vector<16xf32>
        %parallel_loop3A_333 = vector.broadcast %parallel_loop3A_330 : f32 to vector<16xf32>
        %parallel_loop3A_334 = arith.minimumf %parallel_loop3A_333, %parallel_loop3A_332 : vector<16xf32>
        %parallel_loop3A_335 = arith.subf %parallel_loop3A_325, %parallel_loop3A_324 : vector<16xf32>
        %parallel_loop3A_336 = arith.constant 9.99999993E-9 : f32
        %parallel_loop3A_337 = vector.broadcast %parallel_loop3A_336 : f32 to vector<16xf32>
        %parallel_loop3A_338 = arith.maximumf %parallel_loop3A_335, %parallel_loop3A_337 : vector<16xf32>
        %parallel_loop3A_339 = arith.constant 16 : i32
        %parallel_loop3A_340 = arith.muli %parallel_loop3A_191, %parallel_loop3A_339 : i32
        %parallel_loop3A_341 = arith.constant 128 : i32
        %parallel_loop3A_342 = arith.addi %parallel_loop3A_341, %parallel_loop3A_340 : i32
        %parallel_loop3A_343 = arith.index_cast %parallel_loop3A_342 : i32 to index
        %parallel_loop3A_344 = tpu.vector_load %arg9[%parallel_loop3A_343] {strides = array<i32>} : memref<256xi32, #tpu.memory_space<vmem>>, vector<16xi32>,
        tpu.vector_store %arg9[%parallel_loop3A_343], %parallel_loop3A_323 {strides = array<i32>} : memref<256xi32, #tpu.memory_space<vmem>>, vector<16xi32>,
        %parallel_loop3A_345 = arith.mulf %parallel_loop3A_338, %parallel_loop3A_334 : vector<16xf32>
        %parallel_loop3A_346 = arith.index_cast %parallel_loop3A_342 : i32 to index
        %parallel_loop3A_347 = tpu.vector_load %arg10[%parallel_loop3A_346] {strides = array<i32>} : memref<256xf32, #tpu.memory_space<vmem>>, vector<16xf32>,
        tpu.vector_store %arg10[%parallel_loop3A_346], %parallel_loop3A_345 {strides = array<i32>} : memref<256xf32, #tpu.memory_space<vmem>>, vector<16xf32>,
        %parallel_loop3A_348 = arith.constant 1.000000e+00 : f32
        %parallel_loop3A_349 = vector.broadcast %parallel_loop3A_348 : f32 to vector<16xf32>
        %parallel_loop3A_350 = arith.divf %parallel_loop3A_349, %parallel_loop3A_338 : vector<16xf32>
        %parallel_loop3A_351 = arith.index_cast %parallel_loop3A_342 : i32 to index
        %parallel_loop3A_352 = tpu.vector_load %arg11[%parallel_loop3A_351] {strides = array<i32>} : memref<256xf32, #tpu.memory_space<vmem>>, vector<16xf32>,
        tpu.vector_store %arg11[%parallel_loop3A_351], %parallel_loop3A_350 {strides = array<i32>} : memref<256xf32, #tpu.memory_space<vmem>>, vector<16xf32>,
      } {sc.loop_unroll_factor = 4 : i64, sc.parallel_access}
      %gt3A_129 = arith.constant 0 : i32
      %gt3A_130 = arith.cmpi sgt, %scan3A_66, %gt3A_129 : i32
      %convert_element_type3A_131 = arith.extui %gt3A_130 : i1 to i32
      %cond3A_132 = arith.constant 0 : i32
      %cond3A_133 = arith.cmpi ne, %convert_element_type3A_131, %cond3A_132 : i32
      scf.if %cond3A_133 {
        %dma_wait3A_191 = arith.constant 0 : i32
        %dma_wait3A_192 = tpu.memref_slice %arg5[%mul3A_2, %dma_wait3A_191] : memref<262144x128xf32, #tpu.memory_space<hbm>> -> memref<64x128xf32, #tpu.memory_space<hbm>>
        %dma_wait3A_193 = arith.constant 0 : i32
        %dma_wait3A_194 = tpu.memref_slice %arg5[%mul3A_2, %dma_wait3A_193] : memref<262144x128xf32, #tpu.memory_space<hbm>> -> memref<64x128xf32, #tpu.memory_space<hbm>>
        tpu.wait_dma2 semaphore(%arg22 : memref<!tpu.dma_semaphore, #tpu.memory_space<semaphore_mem>>) src(%arg14 : memref<64x128xf32, #tpu.memory_space<vmem>>) dst(%dma_wait3A_194 : memref<64x128xf32, #tpu.memory_space<hbm>>)
      } else {
      }
      %dma_start3A_134 = arith.constant 128 : i32
      %dma_start3A_135 = tpu.memref_slice %arg9[%dma_start3A_134] : memref<256xi32, #tpu.memory_space<vmem>> -> memref<64xi32, #tpu.memory_space<vmem>>
      %dma_start3A_136 = arith.constant 0 : i32
      %dma_start3A_137 = arith.constant 0 : i32
      %dma_start3A_138 = tpu.memref_slice %arg6[%dma_start3A_136, %dma_start3A_137] : memref<8192x128xf32, #tpu.memory_space<vmem_shared>> -> memref<8192x128xf32, #tpu.memory_space<vmem_shared>>
      tpu.enqueue_indirect_dma source(%dma_start3A_138 : memref<8192x128xf32, #tpu.memory_space<vmem_shared>>) target(%arg14 : memref<64x128xf32, #tpu.memory_space<vmem>>) offsets(%dma_start3A_135 : memref<64xi32, #tpu.memory_space<vmem>>) semaphore(%arg18 : memref<!tpu.dma_semaphore, #tpu.memory_space<semaphore_mem>>)
      %sub3A_139 = arith.constant 1 : i32
      %sub3A_140 = arith.subi %add3A_125, %sub3A_139 : i32
      %dma_wait3A_141 = arith.constant 0 : i32
      %dma_wait3A_142 = tpu.memref_slice %arg9[%dma_wait3A_141] : memref<256xi32, #tpu.memory_space<vmem>> -> memref<64xi32, #tpu.memory_space<vmem>>
      %dma_wait3A_143 = arith.constant 0 : i32
      %dma_wait3A_144 = arith.constant 0 : i32
      %dma_wait3A_145 = tpu.memref_slice %arg6[%dma_wait3A_143, %dma_wait3A_144] : memref<8192x128xf32, #tpu.memory_space<vmem_shared>> -> memref<8192x128xf32, #tpu.memory_space<vmem_shared>>
      tpu.wait_indirect_dma semaphore(%arg17 : memref<!tpu.dma_semaphore, #tpu.memory_space<semaphore_mem>>) src(%dma_wait3A_145 : memref<8192x128xf32, #tpu.memory_space<vmem_shared>>) dst(%arg13 : memref<64x128xf32, #tpu.memory_space<vmem>>)
      %parallel_loop3A_146 = arith.constant 0 : i32
      %parallel_loop3A_147 = arith.constant 64 : i32
      %parallel_loop3A_148 = arith.constant 1 : i32
      scf.for %parallel_loop3A_191 = %parallel_loop3A_146 to %parallel_loop3A_147 step %parallel_loop3A_148  : i32 {
        %parallel_loop3A_192 = arith.constant 64 : i32
        %parallel_loop3A_193 = arith.addi %parallel_loop3A_192, %parallel_loop3A_191 : i32
        %parallel_loop3A_194 = vector.broadcast %parallel_loop3A_193 : i32 to vector<16xi32>
        %parallel_loop3A_195 = tpu.vector_load_idx %arg10[%parallel_loop3A_194] : memref<256xf32, #tpu.memory_space<vmem>>[vector<16xi32>], vector<16xf32>,
        %parallel_loop3A_196 = tpu.vector_load_idx %arg11[%parallel_loop3A_194] : memref<256xf32, #tpu.memory_space<vmem>>[vector<16xi32>], vector<16xf32>,
        %parallel_loop3A_197 = arith.index_cast %parallel_loop3A_191 : i32 to index
        %parallel_loop3A_198 = arith.constant 0 : index
        %parallel_loop3A_199 = tpu.vector_load %arg13[%parallel_loop3A_197, %parallel_loop3A_198] {strides = array<i32>} : memref<64x128xf32, #tpu.memory_space<vmem>>, vector<16xf32>,
        %parallel_loop3A_200 = arith.index_cast %parallel_loop3A_191 : i32 to index
        %parallel_loop3A_201 = arith.constant 64 : index
        %parallel_loop3A_202 = tpu.vector_load %arg13[%parallel_loop3A_200, %parallel_loop3A_201] {strides = array<i32>} : memref<64x128xf32, #tpu.memory_space<vmem>>, vector<16xf32>,
        %parallel_loop3A_203 = arith.subf %parallel_loop3A_202, %parallel_loop3A_199 : vector<16xf32>
        %parallel_loop3A_204 = arith.mulf %parallel_loop3A_203, %parallel_loop3A_196 : vector<16xf32>
        %parallel_loop3A_205 = arith.mulf %parallel_loop3A_204, %parallel_loop3A_195 : vector<16xf32>
        %parallel_loop3A_206 = arith.addf %parallel_loop3A_199, %parallel_loop3A_205 : vector<16xf32>
        %parallel_loop3A_207 = arith.index_cast %parallel_loop3A_191 : i32 to index
        %parallel_loop3A_208 = arith.constant 0 : index
        %parallel_loop3A_209 = tpu.vector_load %arg13[%parallel_loop3A_207, %parallel_loop3A_208] {strides = array<i32>} : memref<64x128xf32, #tpu.memory_space<vmem>>, vector<16xf32>,
        tpu.vector_store %arg13[%parallel_loop3A_207, %parallel_loop3A_208], %parallel_loop3A_206 {strides = array<i32>} : memref<64x128xf32, #tpu.memory_space<vmem>>, vector<16xf32>,
        %parallel_loop3A_210 = arith.index_cast %parallel_loop3A_191 : i32 to index
        %parallel_loop3A_211 = arith.constant 64 : index
        %parallel_loop3A_212 = tpu.vector_load %arg13[%parallel_loop3A_210, %parallel_loop3A_211] {strides = array<i32>} : memref<64x128xf32, #tpu.memory_space<vmem>>, vector<16xf32>,
        tpu.vector_store %arg13[%parallel_loop3A_210, %parallel_loop3A_211], %parallel_loop3A_204 {strides = array<i32>} : memref<64x128xf32, #tpu.memory_space<vmem>>, vector<16xf32>,
        %parallel_loop3A_213 = arith.index_cast %parallel_loop3A_191 : i32 to index
        %parallel_loop3A_214 = arith.constant 16 : index
        %parallel_loop3A_215 = tpu.vector_load %arg13[%parallel_loop3A_213, %parallel_loop3A_214] {strides = array<i32>} : memref<64x128xf32, #tpu.memory_space<vmem>>, vector<16xf32>,
        %parallel_loop3A_216 = arith.index_cast %parallel_loop3A_191 : i32 to index
        %parallel_loop3A_217 = arith.constant 80 : index
        %parallel_loop3A_218 = tpu.vector_load %arg13[%parallel_loop3A_216, %parallel_loop3A_217] {strides = array<i32>} : memref<64x128xf32, #tpu.memory_space<vmem>>, vector<16xf32>,
        %parallel_loop3A_219 = arith.subf %parallel_loop3A_218, %parallel_loop3A_215 : vector<16xf32>
        %parallel_loop3A_220 = arith.mulf %parallel_loop3A_219, %parallel_loop3A_196 : vector<16xf32>
        %parallel_loop3A_221 = arith.mulf %parallel_loop3A_220, %parallel_loop3A_195 : vector<16xf32>
        %parallel_loop3A_222 = arith.addf %parallel_loop3A_215, %parallel_loop3A_221 : vector<16xf32>
        %parallel_loop3A_223 = arith.index_cast %parallel_loop3A_191 : i32 to index
        %parallel_loop3A_224 = arith.constant 16 : index
        %parallel_loop3A_225 = tpu.vector_load %arg13[%parallel_loop3A_223, %parallel_loop3A_224] {strides = array<i32>} : memref<64x128xf32, #tpu.memory_space<vmem>>, vector<16xf32>,
        tpu.vector_store %arg13[%parallel_loop3A_223, %parallel_loop3A_224], %parallel_loop3A_222 {strides = array<i32>} : memref<64x128xf32, #tpu.memory_space<vmem>>, vector<16xf32>,
        %parallel_loop3A_226 = arith.index_cast %parallel_loop3A_191 : i32 to index
        %parallel_loop3A_227 = arith.constant 80 : index
        %parallel_loop3A_228 = tpu.vector_load %arg13[%parallel_loop3A_226, %parallel_loop3A_227] {strides = array<i32>} : memref<64x128xf32, #tpu.memory_space<vmem>>, vector<16xf32>,
        tpu.vector_store %arg13[%parallel_loop3A_226, %parallel_loop3A_227], %parallel_loop3A_220 {strides = array<i32>} : memref<64x128xf32, #tpu.memory_space<vmem>>, vector<16xf32>,
        %parallel_loop3A_229 = arith.index_cast %parallel_loop3A_191 : i32 to index
        %parallel_loop3A_230 = arith.constant 32 : index
        %parallel_loop3A_231 = tpu.vector_load %arg13[%parallel_loop3A_229, %parallel_loop3A_230] {strides = array<i32>} : memref<64x128xf32, #tpu.memory_space<vmem>>, vector<16xf32>,
        %parallel_loop3A_232 = arith.index_cast %parallel_loop3A_191 : i32 to index
        %parallel_loop3A_233 = arith.constant 96 : index
        %parallel_loop3A_234 = tpu.vector_load %arg13[%parallel_loop3A_232, %parallel_loop3A_233] {strides = array<i32>} : memref<64x128xf32, #tpu.memory_space<vmem>>, vector<16xf32>,
        %parallel_loop3A_235 = arith.subf %parallel_loop3A_234, %parallel_loop3A_231 : vector<16xf32>
        %parallel_loop3A_236 = arith.mulf %parallel_loop3A_235, %parallel_loop3A_196 : vector<16xf32>
        %parallel_loop3A_237 = arith.mulf %parallel_loop3A_236, %parallel_loop3A_195 : vector<16xf32>
        %parallel_loop3A_238 = arith.addf %parallel_loop3A_231, %parallel_loop3A_237 : vector<16xf32>
        %parallel_loop3A_239 = arith.index_cast %parallel_loop3A_191 : i32 to index
        %parallel_loop3A_240 = arith.constant 32 : index
        %parallel_loop3A_241 = tpu.vector_load %arg13[%parallel_loop3A_239, %parallel_loop3A_240] {strides = array<i32>} : memref<64x128xf32, #tpu.memory_space<vmem>>, vector<16xf32>,
        tpu.vector_store %arg13[%parallel_loop3A_239, %parallel_loop3A_240], %parallel_loop3A_238 {strides = array<i32>} : memref<64x128xf32, #tpu.memory_space<vmem>>, vector<16xf32>,
        %parallel_loop3A_242 = arith.index_cast %parallel_loop3A_191 : i32 to index
        %parallel_loop3A_243 = arith.constant 96 : index
        %parallel_loop3A_244 = tpu.vector_load %arg13[%parallel_loop3A_242, %parallel_loop3A_243] {strides = array<i32>} : memref<64x128xf32, #tpu.memory_space<vmem>>, vector<16xf32>,
        tpu.vector_store %arg13[%parallel_loop3A_242, %parallel_loop3A_243], %parallel_loop3A_236 {strides = array<i32>} : memref<64x128xf32, #tpu.memory_space<vmem>>, vector<16xf32>,
        %parallel_loop3A_245 = arith.index_cast %parallel_loop3A_191 : i32 to index
        %parallel_loop3A_246 = arith.constant 48 : index
        %parallel_loop3A_247 = tpu.vector_load %arg13[%parallel_loop3A_245, %parallel_loop3A_246] {strides = array<i32>} : memref<64x128xf32, #tpu.memory_space<vmem>>, vector<16xf32>,
        %parallel_loop3A_248 = arith.index_cast %parallel_loop3A_191 : i32 to index
        %parallel_loop3A_249 = arith.constant 112 : index
        %parallel_loop3A_250 = tpu.vector_load %arg13[%parallel_loop3A_248, %parallel_loop3A_249] {strides = array<i32>} : memref<64x128xf32, #tpu.memory_space<vmem>>, vector<16xf32>,
        %parallel_loop3A_251 = arith.subf %parallel_loop3A_250, %parallel_loop3A_247 : vector<16xf32>
        %parallel_loop3A_252 = arith.mulf %parallel_loop3A_251, %parallel_loop3A_196 : vector<16xf32>
        %parallel_loop3A_253 = arith.mulf %parallel_loop3A_252, %parallel_loop3A_195 : vector<16xf32>
        %parallel_loop3A_254 = arith.addf %parallel_loop3A_247, %parallel_loop3A_253 : vector<16xf32>
        %parallel_loop3A_255 = arith.index_cast %parallel_loop3A_191 : i32 to index
        %parallel_loop3A_256 = arith.constant 48 : index
        %parallel_loop3A_257 = tpu.vector_load %arg13[%parallel_loop3A_255, %parallel_loop3A_256] {strides = array<i32>} : memref<64x128xf32, #tpu.memory_space<vmem>>, vector<16xf32>,
        tpu.vector_store %arg13[%parallel_loop3A_255, %parallel_loop3A_256], %parallel_loop3A_254 {strides = array<i32>} : memref<64x128xf32, #tpu.memory_space<vmem>>, vector<16xf32>,
        %parallel_loop3A_258 = arith.index_cast %parallel_loop3A_191 : i32 to index
        %parallel_loop3A_259 = arith.constant 112 : index
        %parallel_loop3A_260 = tpu.vector_load %arg13[%parallel_loop3A_258, %parallel_loop3A_259] {strides = array<i32>} : memref<64x128xf32, #tpu.memory_space<vmem>>, vector<16xf32>,
        tpu.vector_store %arg13[%parallel_loop3A_258, %parallel_loop3A_259], %parallel_loop3A_252 {strides = array<i32>} : memref<64x128xf32, #tpu.memory_space<vmem>>, vector<16xf32>,
      } {sc.loop_unroll_factor = 4 : i64, sc.parallel_access}
      %mul3A_149 = arith.constant 64 : i32
      %mul3A_150 = arith.muli %sub3A_140, %mul3A_149 : i32
      %add3A_151 = arith.addi %mul3A_2, %mul3A_150 : i32
      %dma_start3A_152 = arith.constant 0 : i32
      %dma_start3A_153 = tpu.memref_slice %arg5[%add3A_151, %dma_start3A_152] : memref<262144x128xf32, #tpu.memory_space<hbm>> -> memref<64x128xf32, #tpu.memory_space<hbm>>
      %dma_start3A_154 = arith.constant 0 : i32
      %dma_start3A_155 = tpu.memref_slice %arg5[%add3A_151, %dma_start3A_154] : memref<262144x128xf32, #tpu.memory_space<hbm>> -> memref<64x128xf32, #tpu.memory_space<hbm>>
      tpu.enqueue_dma source(%arg13 : memref<64x128xf32, #tpu.memory_space<vmem>>) target(%dma_start3A_155 : memref<64x128xf32, #tpu.memory_space<hbm>>) target_semaphore(%arg21 : memref<!tpu.dma_semaphore, #tpu.memory_space<semaphore_mem>>)
      %mul3A_156 = arith.constant 4 : i32
      %mul3A_157 = arith.muli %scan3A_66, %mul3A_156 : i32
      %add3A_158 = arith.constant 3 : i32
      %add3A_159 = arith.addi %mul3A_157, %add3A_158 : i32
      %parallel_loop3A_160 = arith.constant 0 : i32
      %parallel_loop3A_161 = arith.constant 4 : i32
      %parallel_loop3A_162 = arith.constant 1 : i32
      scf.for %parallel_loop3A_191 = %parallel_loop3A_160 to %parallel_loop3A_161 step %parallel_loop3A_162  : i32 {
        %parallel_loop3A_192 = arith.constant 4 : i32
        %parallel_loop3A_193 = arith.muli %add3A_159, %parallel_loop3A_192 : i32
        %parallel_loop3A_194 = arith.addi %parallel_loop3A_193, %parallel_loop3A_191 : i32
        %parallel_loop3A_195 = arith.constant 16 : i32
        %parallel_loop3A_196 = arith.muli %parallel_loop3A_194, %parallel_loop3A_195 : i32
        %parallel_loop3A_197 = arith.index_cast %parallel_loop3A_196 : i32 to index
        %parallel_loop3A_198 = tpu.vector_load %arg7[%parallel_loop3A_197] {strides = array<i32>} : memref<8192xf32, #tpu.memory_space<vmem>>, vector<16xf32>,
        %parallel_loop3A_199 = arith.constant 0 : i32
        %parallel_loop3A_200 = vector.broadcast %parallel_loop3A_199 : i32 to vector<16xi32>
        %parallel_loop3A_201 = arith.constant 4095 : i32
        %parallel_loop3A_202 = vector.broadcast %parallel_loop3A_201 : i32 to vector<16xi32>
        %parallel_loop3A_203 = arith.addi %parallel_loop3A_200, %parallel_loop3A_202 : vector<16xi32>
        %parallel_loop3A_204 = tpu.vector_load_idx %arg8[%parallel_loop3A_203] : memref<8192xf32, #tpu.memory_space<vmem>>[vector<16xi32>], vector<16xf32>,
        %parallel_loop3A_205 = arith.cmpf olt, %parallel_loop3A_204, %parallel_loop3A_198 : vector<16xf32>
        %parallel_loop3A_206 = arith.constant 4096 : i32
        %parallel_loop3A_207 = vector.broadcast %parallel_loop3A_206 : i32 to vector<16xi32>
        %parallel_loop3A_208 = arith.addi %parallel_loop3A_200, %parallel_loop3A_207 : vector<16xi32>
        %parallel_loop3A_209 = arith.select %parallel_loop3A_205, %parallel_loop3A_208, %parallel_loop3A_200 : vector<16xi1>, vector<16xi32>
        %parallel_loop3A_210 = arith.constant 2047 : i32
        %parallel_loop3A_211 = vector.broadcast %parallel_loop3A_210 : i32 to vector<16xi32>
        %parallel_loop3A_212 = arith.addi %parallel_loop3A_209, %parallel_loop3A_211 : vector<16xi32>
        %parallel_loop3A_213 = tpu.vector_load_idx %arg8[%parallel_loop3A_212] : memref<8192xf32, #tpu.memory_space<vmem>>[vector<16xi32>], vector<16xf32>,
        %parallel_loop3A_214 = arith.cmpf olt, %parallel_loop3A_213, %parallel_loop3A_198 : vector<16xf32>
        %parallel_loop3A_215 = arith.constant 2048 : i32
        %parallel_loop3A_216 = vector.broadcast %parallel_loop3A_215 : i32 to vector<16xi32>
        %parallel_loop3A_217 = arith.addi %parallel_loop3A_209, %parallel_loop3A_216 : vector<16xi32>
        %parallel_loop3A_218 = arith.select %parallel_loop3A_214, %parallel_loop3A_217, %parallel_loop3A_209 : vector<16xi1>, vector<16xi32>
        %parallel_loop3A_219 = arith.constant 1023 : i32
        %parallel_loop3A_220 = vector.broadcast %parallel_loop3A_219 : i32 to vector<16xi32>
        %parallel_loop3A_221 = arith.addi %parallel_loop3A_218, %parallel_loop3A_220 : vector<16xi32>
        %parallel_loop3A_222 = tpu.vector_load_idx %arg8[%parallel_loop3A_221] : memref<8192xf32, #tpu.memory_space<vmem>>[vector<16xi32>], vector<16xf32>,
        %parallel_loop3A_223 = arith.cmpf olt, %parallel_loop3A_222, %parallel_loop3A_198 : vector<16xf32>
        %parallel_loop3A_224 = arith.constant 1024 : i32
        %parallel_loop3A_225 = vector.broadcast %parallel_loop3A_224 : i32 to vector<16xi32>
        %parallel_loop3A_226 = arith.addi %parallel_loop3A_218, %parallel_loop3A_225 : vector<16xi32>
        %parallel_loop3A_227 = arith.select %parallel_loop3A_223, %parallel_loop3A_226, %parallel_loop3A_218 : vector<16xi1>, vector<16xi32>
        %parallel_loop3A_228 = arith.constant 511 : i32
        %parallel_loop3A_229 = vector.broadcast %parallel_loop3A_228 : i32 to vector<16xi32>
        %parallel_loop3A_230 = arith.addi %parallel_loop3A_227, %parallel_loop3A_229 : vector<16xi32>
        %parallel_loop3A_231 = tpu.vector_load_idx %arg8[%parallel_loop3A_230] : memref<8192xf32, #tpu.memory_space<vmem>>[vector<16xi32>], vector<16xf32>,
        %parallel_loop3A_232 = arith.cmpf olt, %parallel_loop3A_231, %parallel_loop3A_198 : vector<16xf32>
        %parallel_loop3A_233 = arith.constant 512 : i32
        %parallel_loop3A_234 = vector.broadcast %parallel_loop3A_233 : i32 to vector<16xi32>
        %parallel_loop3A_235 = arith.addi %parallel_loop3A_227, %parallel_loop3A_234 : vector<16xi32>
        %parallel_loop3A_236 = arith.select %parallel_loop3A_232, %parallel_loop3A_235, %parallel_loop3A_227 : vector<16xi1>, vector<16xi32>
        %parallel_loop3A_237 = arith.constant 255 : i32
        %parallel_loop3A_238 = vector.broadcast %parallel_loop3A_237 : i32 to vector<16xi32>
        %parallel_loop3A_239 = arith.addi %parallel_loop3A_236, %parallel_loop3A_238 : vector<16xi32>
        %parallel_loop3A_240 = tpu.vector_load_idx %arg8[%parallel_loop3A_239] : memref<8192xf32, #tpu.memory_space<vmem>>[vector<16xi32>], vector<16xf32>,
        %parallel_loop3A_241 = arith.cmpf olt, %parallel_loop3A_240, %parallel_loop3A_198 : vector<16xf32>
        %parallel_loop3A_242 = arith.constant 256 : i32
        %parallel_loop3A_243 = vector.broadcast %parallel_loop3A_242 : i32 to vector<16xi32>
        %parallel_loop3A_244 = arith.addi %parallel_loop3A_236, %parallel_loop3A_243 : vector<16xi32>
        %parallel_loop3A_245 = arith.select %parallel_loop3A_241, %parallel_loop3A_244, %parallel_loop3A_236 : vector<16xi1>, vector<16xi32>
        %parallel_loop3A_246 = arith.constant 127 : i32
        %parallel_loop3A_247 = vector.broadcast %parallel_loop3A_246 : i32 to vector<16xi32>
        %parallel_loop3A_248 = arith.addi %parallel_loop3A_245, %parallel_loop3A_247 : vector<16xi32>
        %parallel_loop3A_249 = tpu.vector_load_idx %arg8[%parallel_loop3A_248] : memref<8192xf32, #tpu.memory_space<vmem>>[vector<16xi32>], vector<16xf32>,
        %parallel_loop3A_250 = arith.cmpf olt, %parallel_loop3A_249, %parallel_loop3A_198 : vector<16xf32>
        %parallel_loop3A_251 = arith.constant 128 : i32
        %parallel_loop3A_252 = vector.broadcast %parallel_loop3A_251 : i32 to vector<16xi32>
        %parallel_loop3A_253 = arith.addi %parallel_loop3A_245, %parallel_loop3A_252 : vector<16xi32>
        %parallel_loop3A_254 = arith.select %parallel_loop3A_250, %parallel_loop3A_253, %parallel_loop3A_245 : vector<16xi1>, vector<16xi32>
        %parallel_loop3A_255 = arith.constant 63 : i32
        %parallel_loop3A_256 = vector.broadcast %parallel_loop3A_255 : i32 to vector<16xi32>
        %parallel_loop3A_257 = arith.addi %parallel_loop3A_254, %parallel_loop3A_256 : vector<16xi32>
        %parallel_loop3A_258 = tpu.vector_load_idx %arg8[%parallel_loop3A_257] : memref<8192xf32, #tpu.memory_space<vmem>>[vector<16xi32>], vector<16xf32>,
        %parallel_loop3A_259 = arith.cmpf olt, %parallel_loop3A_258, %parallel_loop3A_198 : vector<16xf32>
        %parallel_loop3A_260 = arith.constant 64 : i32
        %parallel_loop3A_261 = vector.broadcast %parallel_loop3A_260 : i32 to vector<16xi32>
        %parallel_loop3A_262 = arith.addi %parallel_loop3A_254, %parallel_loop3A_261 : vector<16xi32>
        %parallel_loop3A_263 = arith.select %parallel_loop3A_259, %parallel_loop3A_262, %parallel_loop3A_254 : vector<16xi1>, vector<16xi32>
        %parallel_loop3A_264 = arith.constant 31 : i32
        %parallel_loop3A_265 = vector.broadcast %parallel_loop3A_264 : i32 to vector<16xi32>
        %parallel_loop3A_266 = arith.addi %parallel_loop3A_263, %parallel_loop3A_265 : vector<16xi32>
        %parallel_loop3A_267 = tpu.vector_load_idx %arg8[%parallel_loop3A_266] : memref<8192xf32, #tpu.memory_space<vmem>>[vector<16xi32>], vector<16xf32>,
        %parallel_loop3A_268 = arith.cmpf olt, %parallel_loop3A_267, %parallel_loop3A_198 : vector<16xf32>
        %parallel_loop3A_269 = arith.constant 32 : i32
        %parallel_loop3A_270 = vector.broadcast %parallel_loop3A_269 : i32 to vector<16xi32>
        %parallel_loop3A_271 = arith.addi %parallel_loop3A_263, %parallel_loop3A_270 : vector<16xi32>
        %parallel_loop3A_272 = arith.select %parallel_loop3A_268, %parallel_loop3A_271, %parallel_loop3A_263 : vector<16xi1>, vector<16xi32>
        %parallel_loop3A_273 = arith.constant 15 : i32
        %parallel_loop3A_274 = vector.broadcast %parallel_loop3A_273 : i32 to vector<16xi32>
        %parallel_loop3A_275 = arith.addi %parallel_loop3A_272, %parallel_loop3A_274 : vector<16xi32>
        %parallel_loop3A_276 = tpu.vector_load_idx %arg8[%parallel_loop3A_275] : memref<8192xf32, #tpu.memory_space<vmem>>[vector<16xi32>], vector<16xf32>,
        %parallel_loop3A_277 = arith.cmpf olt, %parallel_loop3A_276, %parallel_loop3A_198 : vector<16xf32>
        %parallel_loop3A_278 = arith.constant 16 : i32
        %parallel_loop3A_279 = vector.broadcast %parallel_loop3A_278 : i32 to vector<16xi32>
        %parallel_loop3A_280 = arith.addi %parallel_loop3A_272, %parallel_loop3A_279 : vector<16xi32>
        %parallel_loop3A_281 = arith.select %parallel_loop3A_277, %parallel_loop3A_280, %parallel_loop3A_272 : vector<16xi1>, vector<16xi32>
        %parallel_loop3A_282 = arith.constant 7 : i32
        %parallel_loop3A_283 = vector.broadcast %parallel_loop3A_282 : i32 to vector<16xi32>
        %parallel_loop3A_284 = arith.addi %parallel_loop3A_281, %parallel_loop3A_283 : vector<16xi32>
        %parallel_loop3A_285 = tpu.vector_load_idx %arg8[%parallel_loop3A_284] : memref<8192xf32, #tpu.memory_space<vmem>>[vector<16xi32>], vector<16xf32>,
        %parallel_loop3A_286 = arith.cmpf olt, %parallel_loop3A_285, %parallel_loop3A_198 : vector<16xf32>
        %parallel_loop3A_287 = arith.constant 8 : i32
        %parallel_loop3A_288 = vector.broadcast %parallel_loop3A_287 : i32 to vector<16xi32>
        %parallel_loop3A_289 = arith.addi %parallel_loop3A_281, %parallel_loop3A_288 : vector<16xi32>
        %parallel_loop3A_290 = arith.select %parallel_loop3A_286, %parallel_loop3A_289, %parallel_loop3A_281 : vector<16xi1>, vector<16xi32>
        %parallel_loop3A_291 = arith.constant 3 : i32
        %parallel_loop3A_292 = vector.broadcast %parallel_loop3A_291 : i32 to vector<16xi32>
        %parallel_loop3A_293 = arith.addi %parallel_loop3A_290, %parallel_loop3A_292 : vector<16xi32>
        %parallel_loop3A_294 = tpu.vector_load_idx %arg8[%parallel_loop3A_293] : memref<8192xf32, #tpu.memory_space<vmem>>[vector<16xi32>], vector<16xf32>,
        %parallel_loop3A_295 = arith.cmpf olt, %parallel_loop3A_294, %parallel_loop3A_198 : vector<16xf32>
        %parallel_loop3A_296 = arith.constant 4 : i32
        %parallel_loop3A_297 = vector.broadcast %parallel_loop3A_296 : i32 to vector<16xi32>
        %parallel_loop3A_298 = arith.addi %parallel_loop3A_290, %parallel_loop3A_297 : vector<16xi32>
        %parallel_loop3A_299 = arith.select %parallel_loop3A_295, %parallel_loop3A_298, %parallel_loop3A_290 : vector<16xi1>, vector<16xi32>
        %parallel_loop3A_300 = arith.constant 1 : i32
        %parallel_loop3A_301 = vector.broadcast %parallel_loop3A_300 : i32 to vector<16xi32>
        %parallel_loop3A_302 = arith.addi %parallel_loop3A_299, %parallel_loop3A_301 : vector<16xi32>
        %parallel_loop3A_303 = tpu.vector_load_idx %arg8[%parallel_loop3A_302] : memref<8192xf32, #tpu.memory_space<vmem>>[vector<16xi32>], vector<16xf32>,
        %parallel_loop3A_304 = arith.cmpf olt, %parallel_loop3A_303, %parallel_loop3A_198 : vector<16xf32>
        %parallel_loop3A_305 = arith.constant 2 : i32
        %parallel_loop3A_306 = vector.broadcast %parallel_loop3A_305 : i32 to vector<16xi32>
        %parallel_loop3A_307 = arith.addi %parallel_loop3A_299, %parallel_loop3A_306 : vector<16xi32>
        %parallel_loop3A_308 = arith.select %parallel_loop3A_304, %parallel_loop3A_307, %parallel_loop3A_299 : vector<16xi1>, vector<16xi32>
        %parallel_loop3A_309 = arith.constant 0 : i32
        %parallel_loop3A_310 = vector.broadcast %parallel_loop3A_309 : i32 to vector<16xi32>
        %parallel_loop3A_311 = arith.addi %parallel_loop3A_308, %parallel_loop3A_310 : vector<16xi32>
        %parallel_loop3A_312 = tpu.vector_load_idx %arg8[%parallel_loop3A_311] : memref<8192xf32, #tpu.memory_space<vmem>>[vector<16xi32>], vector<16xf32>,
        %parallel_loop3A_313 = arith.cmpf olt, %parallel_loop3A_312, %parallel_loop3A_198 : vector<16xf32>
        %parallel_loop3A_314 = arith.constant 1 : i32
        %parallel_loop3A_315 = vector.broadcast %parallel_loop3A_314 : i32 to vector<16xi32>
        %parallel_loop3A_316 = arith.addi %parallel_loop3A_308, %parallel_loop3A_315 : vector<16xi32>
        %parallel_loop3A_317 = arith.select %parallel_loop3A_313, %parallel_loop3A_316, %parallel_loop3A_308 : vector<16xi1>, vector<16xi32>
        %parallel_loop3A_318 = arith.constant 1 : i32
        %parallel_loop3A_319 = vector.broadcast %parallel_loop3A_318 : i32 to vector<16xi32>
        %parallel_loop3A_320 = arith.subi %parallel_loop3A_317, %parallel_loop3A_319 : vector<16xi32>
        %parallel_loop3A_321 = arith.constant 0 : i32
        %parallel_loop3A_322 = vector.broadcast %parallel_loop3A_321 : i32 to vector<16xi32>
        %parallel_loop3A_323 = arith.maxsi %parallel_loop3A_320, %parallel_loop3A_322 : vector<16xi32>
        %parallel_loop3A_324 = tpu.vector_load_idx %arg8[%parallel_loop3A_323] : memref<8192xf32, #tpu.memory_space<vmem>>[vector<16xi32>], vector<16xf32>,
        %parallel_loop3A_325 = tpu.vector_load_idx %arg8[%parallel_loop3A_317] : memref<8192xf32, #tpu.memory_space<vmem>>[vector<16xi32>], vector<16xf32>,
        %parallel_loop3A_326 = arith.subf %parallel_loop3A_198, %parallel_loop3A_324 : vector<16xf32>
        %parallel_loop3A_327 = arith.subf %parallel_loop3A_325, %parallel_loop3A_324 : vector<16xf32>
        %parallel_loop3A_328 = arith.divf %parallel_loop3A_326, %parallel_loop3A_327 : vector<16xf32>
        %parallel_loop3A_329 = arith.constant 0.000000e+00 : f32
        %parallel_loop3A_330 = arith.constant 1.000000e+00 : f32
        %parallel_loop3A_331 = vector.broadcast %parallel_loop3A_329 : f32 to vector<16xf32>
        %parallel_loop3A_332 = arith.maximumf %parallel_loop3A_331, %parallel_loop3A_328 : vector<16xf32>
        %parallel_loop3A_333 = vector.broadcast %parallel_loop3A_330 : f32 to vector<16xf32>
        %parallel_loop3A_334 = arith.minimumf %parallel_loop3A_333, %parallel_loop3A_332 : vector<16xf32>
        %parallel_loop3A_335 = arith.subf %parallel_loop3A_325, %parallel_loop3A_324 : vector<16xf32>
        %parallel_loop3A_336 = arith.constant 9.99999993E-9 : f32
        %parallel_loop3A_337 = vector.broadcast %parallel_loop3A_336 : f32 to vector<16xf32>
        %parallel_loop3A_338 = arith.maximumf %parallel_loop3A_335, %parallel_loop3A_337 : vector<16xf32>
        %parallel_loop3A_339 = arith.constant 16 : i32
        %parallel_loop3A_340 = arith.muli %parallel_loop3A_191, %parallel_loop3A_339 : i32
        %parallel_loop3A_341 = arith.constant 192 : i32
        %parallel_loop3A_342 = arith.addi %parallel_loop3A_341, %parallel_loop3A_340 : i32
        %parallel_loop3A_343 = arith.index_cast %parallel_loop3A_342 : i32 to index
        %parallel_loop3A_344 = tpu.vector_load %arg9[%parallel_loop3A_343] {strides = array<i32>} : memref<256xi32, #tpu.memory_space<vmem>>, vector<16xi32>,
        tpu.vector_store %arg9[%parallel_loop3A_343], %parallel_loop3A_323 {strides = array<i32>} : memref<256xi32, #tpu.memory_space<vmem>>, vector<16xi32>,
        %parallel_loop3A_345 = arith.mulf %parallel_loop3A_338, %parallel_loop3A_334 : vector<16xf32>
        %parallel_loop3A_346 = arith.index_cast %parallel_loop3A_342 : i32 to index
        %parallel_loop3A_347 = tpu.vector_load %arg10[%parallel_loop3A_346] {strides = array<i32>} : memref<256xf32, #tpu.memory_space<vmem>>, vector<16xf32>,
        tpu.vector_store %arg10[%parallel_loop3A_346], %parallel_loop3A_345 {strides = array<i32>} : memref<256xf32, #tpu.memory_space<vmem>>, vector<16xf32>,
        %parallel_loop3A_348 = arith.constant 1.000000e+00 : f32
        %parallel_loop3A_349 = vector.broadcast %parallel_loop3A_348 : f32 to vector<16xf32>
        %parallel_loop3A_350 = arith.divf %parallel_loop3A_349, %parallel_loop3A_338 : vector<16xf32>
        %parallel_loop3A_351 = arith.index_cast %parallel_loop3A_342 : i32 to index
        %parallel_loop3A_352 = tpu.vector_load %arg11[%parallel_loop3A_351] {strides = array<i32>} : memref<256xf32, #tpu.memory_space<vmem>>, vector<16xf32>,
        tpu.vector_store %arg11[%parallel_loop3A_351], %parallel_loop3A_350 {strides = array<i32>} : memref<256xf32, #tpu.memory_space<vmem>>, vector<16xf32>,
      } {sc.loop_unroll_factor = 4 : i64, sc.parallel_access}
      %gt3A_163 = arith.constant 0 : i32
      %gt3A_164 = arith.cmpi sgt, %scan3A_66, %gt3A_163 : i32
      %convert_element_type3A_165 = arith.extui %gt3A_164 : i1 to i32
      %cond3A_166 = arith.constant 0 : i32
      %cond3A_167 = arith.cmpi ne, %convert_element_type3A_165, %cond3A_166 : i32
      scf.if %cond3A_167 {
        %dma_wait3A_191 = arith.constant 0 : i32
        %dma_wait3A_192 = tpu.memref_slice %arg5[%mul3A_2, %dma_wait3A_191] : memref<262144x128xf32, #tpu.memory_space<hbm>> -> memref<64x128xf32, #tpu.memory_space<hbm>>
        %dma_wait3A_193 = arith.constant 0 : i32
        %dma_wait3A_194 = tpu.memref_slice %arg5[%mul3A_2, %dma_wait3A_193] : memref<262144x128xf32, #tpu.memory_space<hbm>> -> memref<64x128xf32, #tpu.memory_space<hbm>>
        tpu.wait_dma2 semaphore(%arg23 : memref<!tpu.dma_semaphore, #tpu.memory_space<semaphore_mem>>) src(%arg15 : memref<64x128xf32, #tpu.memory_space<vmem>>) dst(%dma_wait3A_194 : memref<64x128xf32, #tpu.memory_space<hbm>>)
      } else {
      }
      %dma_start3A_168 = arith.constant 192 : i32
      %dma_start3A_169 = tpu.memref_slice %arg9[%dma_start3A_168] : memref<256xi32, #tpu.memory_space<vmem>> -> memref<64xi32, #tpu.memory_space<vmem>>
      %dma_start3A_170 = arith.constant 0 : i32
      %dma_start3A_171 = arith.constant 0 : i32
      %dma_start3A_172 = tpu.memref_slice %arg6[%dma_start3A_170, %dma_start3A_171] : memref<8192x128xf32, #tpu.memory_space<vmem_shared>> -> memref<8192x128xf32, #tpu.memory_space<vmem_shared>>
      tpu.enqueue_indirect_dma source(%dma_start3A_172 : memref<8192x128xf32, #tpu.memory_space<vmem_shared>>) target(%arg15 : memref<64x128xf32, #tpu.memory_space<vmem>>) offsets(%dma_start3A_169 : memref<64xi32, #tpu.memory_space<vmem>>) semaphore(%arg19 : memref<!tpu.dma_semaphore, #tpu.memory_space<semaphore_mem>>)
      %sub3A_173 = arith.constant 1 : i32
      %sub3A_174 = arith.subi %add3A_159, %sub3A_173 : i32
      %dma_wait3A_175 = arith.constant 0 : i32
      %dma_wait3A_176 = tpu.memref_slice %arg9[%dma_wait3A_175] : memref<256xi32, #tpu.memory_space<vmem>> -> memref<64xi32, #tpu.memory_space<vmem>>
      %dma_wait3A_177 = arith.constant 0 : i32
      %dma_wait3A_178 = arith.constant 0 : i32
      %dma_wait3A_179 = tpu.memref_slice %arg6[%dma_wait3A_177, %dma_wait3A_178] : memref<8192x128xf32, #tpu.memory_space<vmem_shared>> -> memref<8192x128xf32, #tpu.memory_space<vmem_shared>>
      tpu.wait_indirect_dma semaphore(%arg18 : memref<!tpu.dma_semaphore, #tpu.memory_space<semaphore_mem>>) src(%dma_wait3A_179 : memref<8192x128xf32, #tpu.memory_space<vmem_shared>>) dst(%arg14 : memref<64x128xf32, #tpu.memory_space<vmem>>)
      %parallel_loop3A_180 = arith.constant 0 : i32
      %parallel_loop3A_181 = arith.constant 64 : i32
      %parallel_loop3A_182 = arith.constant 1 : i32
      scf.for %parallel_loop3A_191 = %parallel_loop3A_180 to %parallel_loop3A_181 step %parallel_loop3A_182  : i32 {
        %parallel_loop3A_192 = arith.constant 128 : i32
        %parallel_loop3A_193 = arith.addi %parallel_loop3A_192, %parallel_loop3A_191 : i32
        %parallel_loop3A_194 = vector.broadcast %parallel_loop3A_193 : i32 to vector<16xi32>
        %parallel_loop3A_195 = tpu.vector_load_idx %arg10[%parallel_loop3A_194] : memref<256xf32, #tpu.memory_space<vmem>>[vector<16xi32>], vector<16xf32>,
        %parallel_loop3A_196 = tpu.vector_load_idx %arg11[%parallel_loop3A_194] : memref<256xf32, #tpu.memory_space<vmem>>[vector<16xi32>], vector<16xf32>,
        %parallel_loop3A_197 = arith.index_cast %parallel_loop3A_191 : i32 to index
        %parallel_loop3A_198 = arith.constant 0 : index
        %parallel_loop3A_199 = tpu.vector_load %arg14[%parallel_loop3A_197, %parallel_loop3A_198] {strides = array<i32>} : memref<64x128xf32, #tpu.memory_space<vmem>>, vector<16xf32>,
        %parallel_loop3A_200 = arith.index_cast %parallel_loop3A_191 : i32 to index
        %parallel_loop3A_201 = arith.constant 64 : index
        %parallel_loop3A_202 = tpu.vector_load %arg14[%parallel_loop3A_200, %parallel_loop3A_201] {strides = array<i32>} : memref<64x128xf32, #tpu.memory_space<vmem>>, vector<16xf32>,
        %parallel_loop3A_203 = arith.subf %parallel_loop3A_202, %parallel_loop3A_199 : vector<16xf32>
        %parallel_loop3A_204 = arith.mulf %parallel_loop3A_203, %parallel_loop3A_196 : vector<16xf32>
        %parallel_loop3A_205 = arith.mulf %parallel_loop3A_204, %parallel_loop3A_195 : vector<16xf32>
        %parallel_loop3A_206 = arith.addf %parallel_loop3A_199, %parallel_loop3A_205 : vector<16xf32>
        %parallel_loop3A_207 = arith.index_cast %parallel_loop3A_191 : i32 to index
        %parallel_loop3A_208 = arith.constant 0 : index
        %parallel_loop3A_209 = tpu.vector_load %arg14[%parallel_loop3A_207, %parallel_loop3A_208] {strides = array<i32>} : memref<64x128xf32, #tpu.memory_space<vmem>>, vector<16xf32>,
        tpu.vector_store %arg14[%parallel_loop3A_207, %parallel_loop3A_208], %parallel_loop3A_206 {strides = array<i32>} : memref<64x128xf32, #tpu.memory_space<vmem>>, vector<16xf32>,
        %parallel_loop3A_210 = arith.index_cast %parallel_loop3A_191 : i32 to index
        %parallel_loop3A_211 = arith.constant 64 : index
        %parallel_loop3A_212 = tpu.vector_load %arg14[%parallel_loop3A_210, %parallel_loop3A_211] {strides = array<i32>} : memref<64x128xf32, #tpu.memory_space<vmem>>, vector<16xf32>,
        tpu.vector_store %arg14[%parallel_loop3A_210, %parallel_loop3A_211], %parallel_loop3A_204 {strides = array<i32>} : memref<64x128xf32, #tpu.memory_space<vmem>>, vector<16xf32>,
        %parallel_loop3A_213 = arith.index_cast %parallel_loop3A_191 : i32 to index
        %parallel_loop3A_214 = arith.constant 16 : index
        %parallel_loop3A_215 = tpu.vector_load %arg14[%parallel_loop3A_213, %parallel_loop3A_214] {strides = array<i32>} : memref<64x128xf32, #tpu.memory_space<vmem>>, vector<16xf32>,
        %parallel_loop3A_216 = arith.index_cast %parallel_loop3A_191 : i32 to index
        %parallel_loop3A_217 = arith.constant 80 : index
        %parallel_loop3A_218 = tpu.vector_load %arg14[%parallel_loop3A_216, %parallel_loop3A_217] {strides = array<i32>} : memref<64x128xf32, #tpu.memory_space<vmem>>, vector<16xf32>,
        %parallel_loop3A_219 = arith.subf %parallel_loop3A_218, %parallel_loop3A_215 : vector<16xf32>
        %parallel_loop3A_220 = arith.mulf %parallel_loop3A_219, %parallel_loop3A_196 : vector<16xf32>
        %parallel_loop3A_221 = arith.mulf %parallel_loop3A_220, %parallel_loop3A_195 : vector<16xf32>
        %parallel_loop3A_222 = arith.addf %parallel_loop3A_215, %parallel_loop3A_221 : vector<16xf32>
        %parallel_loop3A_223 = arith.index_cast %parallel_loop3A_191 : i32 to index
        %parallel_loop3A_224 = arith.constant 16 : index
        %parallel_loop3A_225 = tpu.vector_load %arg14[%parallel_loop3A_223, %parallel_loop3A_224] {strides = array<i32>} : memref<64x128xf32, #tpu.memory_space<vmem>>, vector<16xf32>,
        tpu.vector_store %arg14[%parallel_loop3A_223, %parallel_loop3A_224], %parallel_loop3A_222 {strides = array<i32>} : memref<64x128xf32, #tpu.memory_space<vmem>>, vector<16xf32>,
        %parallel_loop3A_226 = arith.index_cast %parallel_loop3A_191 : i32 to index
        %parallel_loop3A_227 = arith.constant 80 : index
        %parallel_loop3A_228 = tpu.vector_load %arg14[%parallel_loop3A_226, %parallel_loop3A_227] {strides = array<i32>} : memref<64x128xf32, #tpu.memory_space<vmem>>, vector<16xf32>,
        tpu.vector_store %arg14[%parallel_loop3A_226, %parallel_loop3A_227], %parallel_loop3A_220 {strides = array<i32>} : memref<64x128xf32, #tpu.memory_space<vmem>>, vector<16xf32>,
        %parallel_loop3A_229 = arith.index_cast %parallel_loop3A_191 : i32 to index
        %parallel_loop3A_230 = arith.constant 32 : index
        %parallel_loop3A_231 = tpu.vector_load %arg14[%parallel_loop3A_229, %parallel_loop3A_230] {strides = array<i32>} : memref<64x128xf32, #tpu.memory_space<vmem>>, vector<16xf32>,
        %parallel_loop3A_232 = arith.index_cast %parallel_loop3A_191 : i32 to index
        %parallel_loop3A_233 = arith.constant 96 : index
        %parallel_loop3A_234 = tpu.vector_load %arg14[%parallel_loop3A_232, %parallel_loop3A_233] {strides = array<i32>} : memref<64x128xf32, #tpu.memory_space<vmem>>, vector<16xf32>,
        %parallel_loop3A_235 = arith.subf %parallel_loop3A_234, %parallel_loop3A_231 : vector<16xf32>
        %parallel_loop3A_236 = arith.mulf %parallel_loop3A_235, %parallel_loop3A_196 : vector<16xf32>
        %parallel_loop3A_237 = arith.mulf %parallel_loop3A_236, %parallel_loop3A_195 : vector<16xf32>
        %parallel_loop3A_238 = arith.addf %parallel_loop3A_231, %parallel_loop3A_237 : vector<16xf32>
        %parallel_loop3A_239 = arith.index_cast %parallel_loop3A_191 : i32 to index
        %parallel_loop3A_240 = arith.constant 32 : index
        %parallel_loop3A_241 = tpu.vector_load %arg14[%parallel_loop3A_239, %parallel_loop3A_240] {strides = array<i32>} : memref<64x128xf32, #tpu.memory_space<vmem>>, vector<16xf32>,
        tpu.vector_store %arg14[%parallel_loop3A_239, %parallel_loop3A_240], %parallel_loop3A_238 {strides = array<i32>} : memref<64x128xf32, #tpu.memory_space<vmem>>, vector<16xf32>,
        %parallel_loop3A_242 = arith.index_cast %parallel_loop3A_191 : i32 to index
        %parallel_loop3A_243 = arith.constant 96 : index
        %parallel_loop3A_244 = tpu.vector_load %arg14[%parallel_loop3A_242, %parallel_loop3A_243] {strides = array<i32>} : memref<64x128xf32, #tpu.memory_space<vmem>>, vector<16xf32>,
        tpu.vector_store %arg14[%parallel_loop3A_242, %parallel_loop3A_243], %parallel_loop3A_236 {strides = array<i32>} : memref<64x128xf32, #tpu.memory_space<vmem>>, vector<16xf32>,
        %parallel_loop3A_245 = arith.index_cast %parallel_loop3A_191 : i32 to index
        %parallel_loop3A_246 = arith.constant 48 : index
        %parallel_loop3A_247 = tpu.vector_load %arg14[%parallel_loop3A_245, %parallel_loop3A_246] {strides = array<i32>} : memref<64x128xf32, #tpu.memory_space<vmem>>, vector<16xf32>,
        %parallel_loop3A_248 = arith.index_cast %parallel_loop3A_191 : i32 to index
        %parallel_loop3A_249 = arith.constant 112 : index
        %parallel_loop3A_250 = tpu.vector_load %arg14[%parallel_loop3A_248, %parallel_loop3A_249] {strides = array<i32>} : memref<64x128xf32, #tpu.memory_space<vmem>>, vector<16xf32>,
        %parallel_loop3A_251 = arith.subf %parallel_loop3A_250, %parallel_loop3A_247 : vector<16xf32>
        %parallel_loop3A_252 = arith.mulf %parallel_loop3A_251, %parallel_loop3A_196 : vector<16xf32>
        %parallel_loop3A_253 = arith.mulf %parallel_loop3A_252, %parallel_loop3A_195 : vector<16xf32>
        %parallel_loop3A_254 = arith.addf %parallel_loop3A_247, %parallel_loop3A_253 : vector<16xf32>
        %parallel_loop3A_255 = arith.index_cast %parallel_loop3A_191 : i32 to index
        %parallel_loop3A_256 = arith.constant 48 : index
        %parallel_loop3A_257 = tpu.vector_load %arg14[%parallel_loop3A_255, %parallel_loop3A_256] {strides = array<i32>} : memref<64x128xf32, #tpu.memory_space<vmem>>, vector<16xf32>,
        tpu.vector_store %arg14[%parallel_loop3A_255, %parallel_loop3A_256], %parallel_loop3A_254 {strides = array<i32>} : memref<64x128xf32, #tpu.memory_space<vmem>>, vector<16xf32>,
        %parallel_loop3A_258 = arith.index_cast %parallel_loop3A_191 : i32 to index
        %parallel_loop3A_259 = arith.constant 112 : index
        %parallel_loop3A_260 = tpu.vector_load %arg14[%parallel_loop3A_258, %parallel_loop3A_259] {strides = array<i32>} : memref<64x128xf32, #tpu.memory_space<vmem>>, vector<16xf32>,
        tpu.vector_store %arg14[%parallel_loop3A_258, %parallel_loop3A_259], %parallel_loop3A_252 {strides = array<i32>} : memref<64x128xf32, #tpu.memory_space<vmem>>, vector<16xf32>,
      } {sc.loop_unroll_factor = 4 : i64, sc.parallel_access}
      %mul3A_183 = arith.constant 64 : i32
      %mul3A_184 = arith.muli %sub3A_174, %mul3A_183 : i32
      %add3A_185 = arith.addi %mul3A_2, %mul3A_184 : i32
      %dma_start3A_186 = arith.constant 0 : i32
      %dma_start3A_187 = tpu.memref_slice %arg5[%add3A_185, %dma_start3A_186] : memref<262144x128xf32, #tpu.memory_space<hbm>> -> memref<64x128xf32, #tpu.memory_space<hbm>>
      %dma_start3A_188 = arith.constant 0 : i32
      %dma_start3A_189 = tpu.memref_slice %arg5[%add3A_185, %dma_start3A_188] : memref<262144x128xf32, #tpu.memory_space<hbm>> -> memref<64x128xf32, #tpu.memory_space<hbm>>
      tpu.enqueue_dma source(%arg14 : memref<64x128xf32, #tpu.memory_space<vmem>>) target(%dma_start3A_189 : memref<64x128xf32, #tpu.memory_space<hbm>>) target_semaphore(%arg22 : memref<!tpu.dma_semaphore, #tpu.memory_space<semaphore_mem>>)
      %scan3A_190 = arith.constant 0 : i32
      scf.yield %scan3A_190 : i32
    }
    %scan3A_36 = arith.constant 32 : i32
    %dma_wait3A_37 = arith.constant 0 : i32
    %dma_wait3A_38 = tpu.memref_slice %arg9[%dma_wait3A_37] : memref<256xi32, #tpu.memory_space<vmem>> -> memref<64xi32, #tpu.memory_space<vmem>>
    %dma_wait3A_39 = arith.constant 0 : i32
    %dma_wait3A_40 = arith.constant 0 : i32
    %dma_wait3A_41 = tpu.memref_slice %arg6[%dma_wait3A_39, %dma_wait3A_40] : memref<8192x128xf32, #tpu.memory_space<vmem_shared>> -> memref<8192x128xf32, #tpu.memory_space<vmem_shared>>
    tpu.wait_indirect_dma semaphore(%arg19 : memref<!tpu.dma_semaphore, #tpu.memory_space<semaphore_mem>>) src(%dma_wait3A_41 : memref<8192x128xf32, #tpu.memory_space<vmem_shared>>) dst(%arg15 : memref<64x128xf32, #tpu.memory_space<vmem>>)
    %parallel_loop3A = arith.constant 0 : i32
    %parallel_loop3A_42 = arith.constant 64 : i32
    %parallel_loop3A_43 = arith.constant 1 : i32
    scf.for %parallel_loop3A_66 = %parallel_loop3A to %parallel_loop3A_42 step %parallel_loop3A_43  : i32 {
      %parallel_loop3A_67 = arith.constant 192 : i32
      %parallel_loop3A_68 = arith.addi %parallel_loop3A_67, %parallel_loop3A_66 : i32
      %parallel_loop3A_69 = vector.broadcast %parallel_loop3A_68 : i32 to vector<16xi32>
      %parallel_loop3A_70 = tpu.vector_load_idx %arg10[%parallel_loop3A_69] : memref<256xf32, #tpu.memory_space<vmem>>[vector<16xi32>], vector<16xf32>,
      %parallel_loop3A_71 = tpu.vector_load_idx %arg11[%parallel_loop3A_69] : memref<256xf32, #tpu.memory_space<vmem>>[vector<16xi32>], vector<16xf32>,
      %parallel_loop3A_72 = arith.index_cast %parallel_loop3A_66 : i32 to index
      %parallel_loop3A_73 = arith.constant 0 : index
      %parallel_loop3A_74 = tpu.vector_load %arg15[%parallel_loop3A_72, %parallel_loop3A_73] {strides = array<i32>} : memref<64x128xf32, #tpu.memory_space<vmem>>, vector<16xf32>,
      %parallel_loop3A_75 = arith.index_cast %parallel_loop3A_66 : i32 to index
      %parallel_loop3A_76 = arith.constant 64 : index
      %parallel_loop3A_77 = tpu.vector_load %arg15[%parallel_loop3A_75, %parallel_loop3A_76] {strides = array<i32>} : memref<64x128xf32, #tpu.memory_space<vmem>>, vector<16xf32>,
      %parallel_loop3A_78 = arith.subf %parallel_loop3A_77, %parallel_loop3A_74 : vector<16xf32>
      %parallel_loop3A_79 = arith.mulf %parallel_loop3A_78, %parallel_loop3A_71 : vector<16xf32>
      %parallel_loop3A_80 = arith.mulf %parallel_loop3A_79, %parallel_loop3A_70 : vector<16xf32>
      %parallel_loop3A_81 = arith.addf %parallel_loop3A_74, %parallel_loop3A_80 : vector<16xf32>
      %parallel_loop3A_82 = arith.index_cast %parallel_loop3A_66 : i32 to index
      %parallel_loop3A_83 = arith.constant 0 : index
      %parallel_loop3A_84 = tpu.vector_load %arg15[%parallel_loop3A_82, %parallel_loop3A_83] {strides = array<i32>} : memref<64x128xf32, #tpu.memory_space<vmem>>, vector<16xf32>,
      tpu.vector_store %arg15[%parallel_loop3A_82, %parallel_loop3A_83], %parallel_loop3A_81 {strides = array<i32>} : memref<64x128xf32, #tpu.memory_space<vmem>>, vector<16xf32>,
      %parallel_loop3A_85 = arith.index_cast %parallel_loop3A_66 : i32 to index
      %parallel_loop3A_86 = arith.constant 64 : index
      %parallel_loop3A_87 = tpu.vector_load %arg15[%parallel_loop3A_85, %parallel_loop3A_86] {strides = array<i32>} : memref<64x128xf32, #tpu.memory_space<vmem>>, vector<16xf32>,
      tpu.vector_store %arg15[%parallel_loop3A_85, %parallel_loop3A_86], %parallel_loop3A_79 {strides = array<i32>} : memref<64x128xf32, #tpu.memory_space<vmem>>, vector<16xf32>,
      %parallel_loop3A_88 = arith.index_cast %parallel_loop3A_66 : i32 to index
      %parallel_loop3A_89 = arith.constant 16 : index
      %parallel_loop3A_90 = tpu.vector_load %arg15[%parallel_loop3A_88, %parallel_loop3A_89] {strides = array<i32>} : memref<64x128xf32, #tpu.memory_space<vmem>>, vector<16xf32>,
      %parallel_loop3A_91 = arith.index_cast %parallel_loop3A_66 : i32 to index
      %parallel_loop3A_92 = arith.constant 80 : index
      %parallel_loop3A_93 = tpu.vector_load %arg15[%parallel_loop3A_91, %parallel_loop3A_92] {strides = array<i32>} : memref<64x128xf32, #tpu.memory_space<vmem>>, vector<16xf32>,
      %parallel_loop3A_94 = arith.subf %parallel_loop3A_93, %parallel_loop3A_90 : vector<16xf32>
      %parallel_loop3A_95 = arith.mulf %parallel_loop3A_94, %parallel_loop3A_71 : vector<16xf32>
      %parallel_loop3A_96 = arith.mulf %parallel_loop3A_95, %parallel_loop3A_70 : vector<16xf32>
      %parallel_loop3A_97 = arith.addf %parallel_loop3A_90, %parallel_loop3A_96 : vector<16xf32>
      %parallel_loop3A_98 = arith.index_cast %parallel_loop3A_66 : i32 to index
      %parallel_loop3A_99 = arith.constant 16 : index
      %parallel_loop3A_100 = tpu.vector_load %arg15[%parallel_loop3A_98, %parallel_loop3A_99] {strides = array<i32>} : memref<64x128xf32, #tpu.memory_space<vmem>>, vector<16xf32>,
      tpu.vector_store %arg15[%parallel_loop3A_98, %parallel_loop3A_99], %parallel_loop3A_97 {strides = array<i32>} : memref<64x128xf32, #tpu.memory_space<vmem>>, vector<16xf32>,
      %parallel_loop3A_101 = arith.index_cast %parallel_loop3A_66 : i32 to index
      %parallel_loop3A_102 = arith.constant 80 : index
      %parallel_loop3A_103 = tpu.vector_load %arg15[%parallel_loop3A_101, %parallel_loop3A_102] {strides = array<i32>} : memref<64x128xf32, #tpu.memory_space<vmem>>, vector<16xf32>,
      tpu.vector_store %arg15[%parallel_loop3A_101, %parallel_loop3A_102], %parallel_loop3A_95 {strides = array<i32>} : memref<64x128xf32, #tpu.memory_space<vmem>>, vector<16xf32>,
      %parallel_loop3A_104 = arith.index_cast %parallel_loop3A_66 : i32 to index
      %parallel_loop3A_105 = arith.constant 32 : index
      %parallel_loop3A_106 = tpu.vector_load %arg15[%parallel_loop3A_104, %parallel_loop3A_105] {strides = array<i32>} : memref<64x128xf32, #tpu.memory_space<vmem>>, vector<16xf32>,
      %parallel_loop3A_107 = arith.index_cast %parallel_loop3A_66 : i32 to index
      %parallel_loop3A_108 = arith.constant 96 : index
      %parallel_loop3A_109 = tpu.vector_load %arg15[%parallel_loop3A_107, %parallel_loop3A_108] {strides = array<i32>} : memref<64x128xf32, #tpu.memory_space<vmem>>, vector<16xf32>,
      %parallel_loop3A_110 = arith.subf %parallel_loop3A_109, %parallel_loop3A_106 : vector<16xf32>
      %parallel_loop3A_111 = arith.mulf %parallel_loop3A_110, %parallel_loop3A_71 : vector<16xf32>
      %parallel_loop3A_112 = arith.mulf %parallel_loop3A_111, %parallel_loop3A_70 : vector<16xf32>
      %parallel_loop3A_113 = arith.addf %parallel_loop3A_106, %parallel_loop3A_112 : vector<16xf32>
      %parallel_loop3A_114 = arith.index_cast %parallel_loop3A_66 : i32 to index
      %parallel_loop3A_115 = arith.constant 32 : index
      %parallel_loop3A_116 = tpu.vector_load %arg15[%parallel_loop3A_114, %parallel_loop3A_115] {strides = array<i32>} : memref<64x128xf32, #tpu.memory_space<vmem>>, vector<16xf32>,
      tpu.vector_store %arg15[%parallel_loop3A_114, %parallel_loop3A_115], %parallel_loop3A_113 {strides = array<i32>} : memref<64x128xf32, #tpu.memory_space<vmem>>, vector<16xf32>,
      %parallel_loop3A_117 = arith.index_cast %parallel_loop3A_66 : i32 to index
      %parallel_loop3A_118 = arith.constant 96 : index
      %parallel_loop3A_119 = tpu.vector_load %arg15[%parallel_loop3A_117, %parallel_loop3A_118] {strides = array<i32>} : memref<64x128xf32, #tpu.memory_space<vmem>>, vector<16xf32>,
      tpu.vector_store %arg15[%parallel_loop3A_117, %parallel_loop3A_118], %parallel_loop3A_111 {strides = array<i32>} : memref<64x128xf32, #tpu.memory_space<vmem>>, vector<16xf32>,
      %parallel_loop3A_120 = arith.index_cast %parallel_loop3A_66 : i32 to index
      %parallel_loop3A_121 = arith.constant 48 : index
      %parallel_loop3A_122 = tpu.vector_load %arg15[%parallel_loop3A_120, %parallel_loop3A_121] {strides = array<i32>} : memref<64x128xf32, #tpu.memory_space<vmem>>, vector<16xf32>,
      %parallel_loop3A_123 = arith.index_cast %parallel_loop3A_66 : i32 to index
      %parallel_loop3A_124 = arith.constant 112 : index
      %parallel_loop3A_125 = tpu.vector_load %arg15[%parallel_loop3A_123, %parallel_loop3A_124] {strides = array<i32>} : memref<64x128xf32, #tpu.memory_space<vmem>>, vector<16xf32>,
      %parallel_loop3A_126 = arith.subf %parallel_loop3A_125, %parallel_loop3A_122 : vector<16xf32>
      %parallel_loop3A_127 = arith.mulf %parallel_loop3A_126, %parallel_loop3A_71 : vector<16xf32>
      %parallel_loop3A_128 = arith.mulf %parallel_loop3A_127, %parallel_loop3A_70 : vector<16xf32>
      %parallel_loop3A_129 = arith.addf %parallel_loop3A_122, %parallel_loop3A_128 : vector<16xf32>
      %parallel_loop3A_130 = arith.index_cast %parallel_loop3A_66 : i32 to index
      %parallel_loop3A_131 = arith.constant 48 : index
      %parallel_loop3A_132 = tpu.vector_load %arg15[%parallel_loop3A_130, %parallel_loop3A_131] {strides = array<i32>} : memref<64x128xf32, #tpu.memory_space<vmem>>, vector<16xf32>,
      tpu.vector_store %arg15[%parallel_loop3A_130, %parallel_loop3A_131], %parallel_loop3A_129 {strides = array<i32>} : memref<64x128xf32, #tpu.memory_space<vmem>>, vector<16xf32>,
      %parallel_loop3A_133 = arith.index_cast %parallel_loop3A_66 : i32 to index
      %parallel_loop3A_134 = arith.constant 112 : index
      %parallel_loop3A_135 = tpu.vector_load %arg15[%parallel_loop3A_133, %parallel_loop3A_134] {strides = array<i32>} : memref<64x128xf32, #tpu.memory_space<vmem>>, vector<16xf32>,
      tpu.vector_store %arg15[%parallel_loop3A_133, %parallel_loop3A_134], %parallel_loop3A_127 {strides = array<i32>} : memref<64x128xf32, #tpu.memory_space<vmem>>, vector<16xf32>,
    } {sc.loop_unroll_factor = 4 : i64, sc.parallel_access}
    %add3A_44 = arith.constant 8128 : i32
    %add3A_45 = arith.addi %mul3A_2, %add3A_44 : i32
    %dma_start3A_46 = arith.constant 0 : i32
    %dma_start3A_47 = tpu.memref_slice %arg5[%add3A_45, %dma_start3A_46] : memref<262144x128xf32, #tpu.memory_space<hbm>> -> memref<64x128xf32, #tpu.memory_space<hbm>>
    %dma_start3A_48 = arith.constant 0 : i32
    %dma_start3A_49 = tpu.memref_slice %arg5[%add3A_45, %dma_start3A_48] : memref<262144x128xf32, #tpu.memory_space<hbm>> -> memref<64x128xf32, #tpu.memory_space<hbm>>
    tpu.enqueue_dma source(%arg15 : memref<64x128xf32, #tpu.memory_space<vmem>>) target(%dma_start3A_49 : memref<64x128xf32, #tpu.memory_space<hbm>>) target_semaphore(%arg23 : memref<!tpu.dma_semaphore, #tpu.memory_space<semaphore_mem>>)
    %dma_wait3A_50 = arith.constant 0 : i32
    %dma_wait3A_51 = tpu.memref_slice %arg5[%mul3A_2, %dma_wait3A_50] : memref<262144x128xf32, #tpu.memory_space<hbm>> -> memref<64x128xf32, #tpu.memory_space<hbm>>
    %dma_wait3A_52 = arith.constant 0 : i32
    %dma_wait3A_53 = tpu.memref_slice %arg5[%mul3A_2, %dma_wait3A_52] : memref<262144x128xf32, #tpu.memory_space<hbm>> -> memref<64x128xf32, #tpu.memory_space<hbm>>
    tpu.wait_dma2 semaphore(%arg20 : memref<!tpu.dma_semaphore, #tpu.memory_space<semaphore_mem>>) src(%arg12 : memref<64x128xf32, #tpu.memory_space<vmem>>) dst(%dma_wait3A_53 : memref<64x128xf32, #tpu.memory_space<hbm>>)
    %dma_wait3A_54 = arith.constant 0 : i32
    %dma_wait3A_55 = tpu.memref_slice %arg5[%mul3A_2, %dma_wait3A_54] : memref<262144x128xf32, #tpu.memory_space<hbm>> -> memref<64x128xf32, #tpu.memory_space<hbm>>
    %dma_wait3A_56 = arith.constant 0 : i32
    %dma_wait3A_57 = tpu.memref_slice %arg5[%mul3A_2, %dma_wait3A_56] : memref<262144x128xf32, #tpu.memory_space<hbm>> -> memref<64x128xf32, #tpu.memory_space<hbm>>
    tpu.wait_dma2 semaphore(%arg21 : memref<!tpu.dma_semaphore, #tpu.memory_space<semaphore_mem>>) src(%arg13 : memref<64x128xf32, #tpu.memory_space<vmem>>) dst(%dma_wait3A_57 : memref<64x128xf32, #tpu.memory_space<hbm>>)
    %dma_wait3A_58 = arith.constant 0 : i32
    %dma_wait3A_59 = tpu.memref_slice %arg5[%mul3A_2, %dma_wait3A_58] : memref<262144x128xf32, #tpu.memory_space<hbm>> -> memref<64x128xf32, #tpu.memory_space<hbm>>
    %dma_wait3A_60 = arith.constant 0 : i32
    %dma_wait3A_61 = tpu.memref_slice %arg5[%mul3A_2, %dma_wait3A_60] : memref<262144x128xf32, #tpu.memory_space<hbm>> -> memref<64x128xf32, #tpu.memory_space<hbm>>
    tpu.wait_dma2 semaphore(%arg22 : memref<!tpu.dma_semaphore, #tpu.memory_space<semaphore_mem>>) src(%arg14 : memref<64x128xf32, #tpu.memory_space<vmem>>) dst(%dma_wait3A_61 : memref<64x128xf32, #tpu.memory_space<hbm>>)
    %dma_wait3A_62 = arith.constant 0 : i32
    %dma_wait3A_63 = tpu.memref_slice %arg5[%mul3A_2, %dma_wait3A_62] : memref<262144x128xf32, #tpu.memory_space<hbm>> -> memref<64x128xf32, #tpu.memory_space<hbm>>
    %dma_wait3A_64 = arith.constant 0 : i32
    %dma_wait3A_65 = tpu.memref_slice %arg5[%mul3A_2, %dma_wait3A_64] : memref<262144x128xf32, #tpu.memory_space<hbm>> -> memref<64x128xf32, #tpu.memory_space<hbm>>
    tpu.wait_dma2 semaphore(%arg23 : memref<!tpu.dma_semaphore, #tpu.memory_space<semaphore_mem>>) src(%arg15 : memref<64x128xf32, #tpu.memory_space<vmem>>) dst(%dma_wait3A_65 : memref<64x128xf32, #tpu.memory_space<hbm>>)
    return
  }
}

</mosaic_0001>

<sc_bundles>
// kernel: kernel.3.cloned.1.call-start
scs
__scs_entry_jumppad:
0x0: {  	(pc) =	sbr.rel $0x88, $3  }
0x1: {  	(tag) =	ssettag $0x0;
	lr =	simm.s32 $0x1  }
0x2: {  	[smem:$0x3F9E] =	sst lr;
	_ =	strace $0xD0000000  }
0x3: {  	_ = 	snop  }
0x4: {  	_ = 	snop  }
0x5: {  	_ = 	snop  }
0x6: {  	_ = 	snop  }
0x7: {  	_ = 	snop  }
__scs_overlays_trampoline_lowered:
0x8: {  	[smem:$0x3FAD] =	sst s0  }
0x9: {  	[smem:$0x3FAE] =	sst s1  }
0xa: {  	[smem:$0x3FAF] =	sst s2  }
0xb: {  	[smem:$0x3FB0] =	sst s3  }
0xc: {  	[smem:$0x3FB1] =	sst s4  }
0xd: {  	[smem:$0x3FB2] =	sst s5  }
0xe: {  	[smem:$0x3FB3] =	sst s6  }
0xf: {  	[smem:$0x3FB4] =	sst s7  }
0x10: {  	[smem:$0x3FB5] =	sst s8  }
0x11: {  	[smem:$0x3FB6] =	sst s9;
	s0 =	simm.s32 @!p0 $0x0  }
0x12: {  	s1 =	sld [smem:$0x3F9C];
	s0 =	simm.s32 @p0 $0x1  }
0x13: {  	[smem:$0x3FB7] =	sst s0;
	s0 =	simm.s32 @!p1 $0x0  }
0x14: {  	s2 =	sld [smem:$0x3F9B];
	s0 =	simm.s32 @p1 $0x1  }
0x15: {  	[smem:$0x3FB8] =	sst s0;
	s0 =	simm.s32 @!p2 $0x0  }
0x16: {  	s3 =	sld [smem:$0x3FDB];
	s0 =	simm.s32 @p2 $0x1  }
0x17: {  	s4 =	simm.s32 $0x1BF5;
	[smem:$0x3FBA] =	sst s0  }
0x18: {  	s0 =	sld [smem:$0x3F9D];
	_ =	swait.ge [sflag:s4], $0x0  }
0x19: {  	s7 =	sld [smem:$0x3F9E]  }
0x1a: {  	s8 =	sadd.s32 $0xFFFFE003, lr  }
0x1b: {  	s9 =	sadd.s32 $0xFFFFFEF7, lr;
	s5 =	simm.s32 $0xFFFFFFFF;
	p2 =	slt.u32 s8, $0xFFFFF086  }
0x1c: {  	p1 =	slt.u32 s9, $0xF7A;
	s5 =	simm.s32 @!p2 $0x0  }
0x1d: {  	s5 =	simm.s32 @p1 $0x1;
	p0 =	seq.s32 s7, s2  }
0x1e: {  	s7 =	smul.u32 @!p0 $0xF7A, s2;
	p2 =	seq.s32 @!p0 s5, $0x0  }
0x1f: {  	s9 =	smul.u32 $0xF7A, s1;
	s8 =	simm.s32 @!p0 $0x1BF5;
	p2 =	por !p2, p0  }
0x20: {  	[sflag:s8] =	ssyncset.s32 @!p0 $0xFFFFF086;
	s6 =	sadd.s32 @!p0 s3, s7;
	s7 =	simm.s32 @!p0 $0x108  }
0x21: {  	s3 =	sadd.s32 s3, s9;
	s6 =	sadd.s32 @!p0 $0x88, s6;
	s7 =	simm.s32 @p2 $0x1082  }
0x22: {  	[simem:s7], [sflag:s8] =	dma.local @!p0 [hbm:s6], $0xF7A  }
0x23: {  	s9 =	sor.u32 $0xD0000000, s2;
	s6 =	simm.s32 $0x108;
	_ =	swait.ge @!p0 [sflag:s8], $0x0  }
0x24: {  	s3 =	sadd.s32 $0x88, s3;
	s6 =	simm.s32 @!p1 $0x1082;
	[sflag:s4] =	ssyncset.s32 $0xFFFFF086  }
0x25: {  	[simem:s6], [sflag:s4] =	dma.local [hbm:s3], $0xF7A  }
0x26: {  	[smem:$0x3F9E] =	sst s1;
	(tag) =	ssettag s2;
	_ =	strace s9  }
0x27: {  	s1 =	sld [smem:$0x3FAE]  }
0x28: {  	s2 =	sld [smem:$0x3FAF]  }
0x29: {  	s4 =	sld [smem:$0x3FB1]  }
0x2a: {  	p0 =	seq.s32 s5, $0x0;
	s5 =	sld [smem:$0x3FB2]  }
0x2b: {  	s6 =	sld [smem:$0x3FB3]  }
0x2c: {  	s7 =	sld [smem:$0x3FB4]  }
0x2d: {  	s3 =	simm.s32 $0x108;
	s8 =	sld [smem:$0x3FB5]  }
0x2e: {  	s3 =	simm.s32 @!p0 $0x1082;
	s9 =	sld [smem:$0x3FB6]  }
0x2f: {  	lr =	sadd.s32 s0, s3;
	s0 =	sld [smem:$0x3FAD]  }
0x30: {  	s3 =	sld [smem:$0x3FB0]  }
0x31: {  	[smem:$0x3FB9] =	sst s10  }
0x32: {  	s10 =	sld [smem:$0x3FB7];
	_ =	sdelay $0x3  }
0x33: {  	p0 =	seq.s32 s10, $0x1;
	s10 =	sld [smem:$0x3FB9];
	_ =	sdelay $0x3  }
0x34: {  	[smem:$0x3FB9] =	sst s10  }
0x35: {  	s10 =	sld [smem:$0x3FB8];
	_ =	sdelay $0x3  }
0x36: {  	p1 =	seq.s32 s10, $0x1;
	s10 =	sld [smem:$0x3FB9];
	_ =	sdelay $0x3  }
0x37: {  	[smem:$0x3FB9] =	sst s10  }
0x38: {  	s10 =	sld [smem:$0x3FBA]  }
0x39: {  	_ = 	snop;
	(pc) =	sbr.ind lr, $3  }
0x3a: {  	_ = 	snop  }
0x3b: {  	_ = 	snop  }
0x3c: {  	p2 =	seq.s32 s10, $0x1;
	s10 =	sld [smem:$0x3FB9]  }
0x3d: {  	_ =	shalt  }
0x3e: {  	_ =	shalt  }
0x3f: {  	_ =	shalt  }
0x40: {  	_ =	shalt  }
0x41: {  	_ =	shalt  }
0x42: {  	_ =	shalt  }
0x43: {  	_ =	shalt  }
0x44: {  	_ =	shalt  }
0x45: {  	_ =	shalt  }
0x46: {  	_ =	shalt  }
0x47: {  	_ =	shalt  }
0x48: {  	_ =	shalt  }
0x49: {  	_ =	shalt  }
0x4a: {  	_ =	shalt  }
0x4b: {  	_ =	shalt  }
0x4c: {  	_ =	shalt  }
0x4d: {  	_ =	shalt  }
0x4e: {  	_ =	shalt  }
0x4f: {  	_ =	shalt  }
0x50: {  	_ =	shalt  }
0x51: {  	_ =	shalt  }
0x52: {  	_ =	shalt  }
0x53: {  	_ =	shalt  }
0x54: {  	_ =	shalt  }
0x55: {  	_ =	shalt  }
0x56: {  	_ =	shalt  }
0x57: {  	_ =	shalt  }
0x58: {  	_ =	shalt  }
0x59: {  	_ =	shalt  }
0x5a: {  	_ =	shalt  }
0x5b: {  	_ =	shalt  }
0x5c: {  	_ =	shalt  }
0x5d: {  	_ =	shalt  }
0x5e: {  	_ =	shalt  }
0x5f: {  	_ =	shalt  }
0x60: {  	_ =	shalt  }
0x61: {  	_ =	shalt  }
0x62: {  	_ =	shalt  }
0x63: {  	_ =	shalt  }
0x64: {  	_ =	shalt  }
0x65: {  	_ =	shalt  }
0x66: {  	_ =	shalt  }
0x67: {  	_ =	shalt  }
0x68: {  	_ =	shalt  }
0x69: {  	_ =	shalt  }
0x6a: {  	_ =	shalt  }
0x6b: {  	_ =	shalt  }
0x6c: {  	_ =	shalt  }
0x6d: {  	_ =	shalt  }
0x6e: {  	_ =	shalt  }
0x6f: {  	_ =	shalt  }
0x70: {  	_ =	shalt  }
0x71: {  	_ =	shalt  }
0x72: {  	_ =	shalt  }
0x73: {  	_ =	shalt  }
0x74: {  	_ =	shalt  }
0x75: {  	_ =	shalt  }
0x76: {  	_ =	shalt  }
0x77: {  	_ =	shalt  }
0x78: {  	_ =	shalt  }
0x79: {  	_ =	shalt  }
0x7a: {  	_ =	shalt  }
0x7b: {  	_ =	shalt  }
0x7c: {  	_ =	shalt  }
0x7d: {  	_ =	shalt  }
0x7e: {  	_ =	shalt  }
0x7f: {  	_ =	shalt  }
0x80: {  	_ =	shalt  }
0x81: {  	_ =	shalt  }
0x82: {  	_ =	shalt  }
0x83: {  	_ =	shalt  }
0x84: {  	_ =	shalt  }
0x85: {  	_ =	shalt  }
0x86: {  	_ =	shalt  }
0x87: {  	_ =	shalt  }
.Lfunc_end0:
.L_simem_size_0:
called_computation_lowered:
.L_overlay_start_0:
0x88: {  	s2 =	sld [smem:$0x3FD9]  }
0x89: {  	s3 =	sld [smem:$0x3FFE];
	_ =	sdelay $0x1  }
0x8a: {  	s1 =	srdreg.scid  }
0x8b: {  	s0 =	sand.u32 $0x1, s1  }
0x8c: {  	s17 =	sshll.u32 s0, $0xA;
	s2 =	sadd.s32 s3, s2  }
0x8d: {  	s2 =	sadd.s32 s2, s17  }
0x8e: {  	[smem:$0x3FC5] =	sst s2  }
0x8f: {  	_ = 	snop  }
0x90: {  	s2 =	sld [smem:$0x3FC9]  }
0x91: {  	s18 =	sld [smem:$0x3FC8]  }
0x92: {  	s4 =	sld [smem:$0x3FD0];
	(tm) =	ssettm $0x1  }
0x93: {  	s5 =	sld [smem:$0x3FFB];
	_ =	sdelay $0x3  }
0x94: {  	_ =	strace s5  }
0x95: {  	s5 =	sld [smem:$0x3FFC];
	_ =	sdelay $0x3  }
0x96: {  	_ =	strace s5  }
0x97: {  	s5 =	sld [smem:$0x3FFD];
	_ =	sdelay $0x3  }
0x98: {  	_ =	strace s5  }
0x99: {  	_ =	strace $0x8FFFFFFF  }
0x9a: {  	s19 =	sld [smem:$0x3FDB];
	_ =	sdelay $0x1  }
0x9b: {  	s6 =	simm.s32 $_scs_section_size  }
0x9c: {  	s7 =	simm.s32 $_size__tile_overlayer_lowered;
	s8 =	simm.s32 $_tile_overlayer_lowered  }
0x9d: {  	s22 =	simm.s32 $0x1BFF;
	s21 =	sshll.u32 s8, $0x1;
	s5 =	sadd.s32 s6, s19  }
0x9e: {  	s9 =	simm.s32 $0x0;
	s20 =	sshll.u32 s7, $0x1;
	s7 =	sadd.s32 s21, s5  }
0x9f: {  	[timem:s9], [sflag:s22] =	dma.local [hbm:s7], s20  }
0xa0: {  	_ =	swait.ge [sflag:s22], s20  }
0xa1: {  	s6 =	ssub.s32 $0x0, s20;
	[sflag:s22] =	ssyncset.done $0x0  }
0xa2: {  	[sflag:s22] =	ssyncadd.s32 s6;
	_ =	sdelay $0x1  }
0xa3: {  	s23 =	simm.s32 $0x1B8B  }
0xa4: {  	_ =	swait.ge [sflag:s23], $0x1  }
0xa5: {  	[sflag:s23] =	ssyncset.done $0x0  }
0xa6: {  	s25 =	simm.s32 $0x1B8E;
	s24 =	sld [smem:$0x3FFE];
	[sflag:s23] =	ssyncadd.s32 $0xFFFFFFFF  }
0xa7: {  	s26 =	simm.s32 $execute0_lowered;
	[smem:$0x3FD2] =	sst s25  }
0xa8: {  	s7 =	sshll.u32 s26, $0x1;
	_ =	strace $0x80000046;
	[dreg:$0x1] =	wrdreg $0xFFFFFFFF  }
0xa9: {  	s28 =	simm.s32 $_size_execute0_lowered;
	s5 =	sadd.s32 s5, s7;
	[dreg:$0x0] =	wrdreg $0x0  }
0xaa: {  	s7 =	sshll.u32 s28, $0x1;
	[dreg:$0x2] =	wrdreg s5  }
0xab: {  	[dreg:$0x3] =	wrdreg s7  }
0xac: {  	[dreg:$0x4] =	wrdreg $0xC0  }
0xad: {  	_ =	task [dreg:s9], $0x5FFFF  }
0xae: {  	[dreg:$0x1] =	wrdreg $0xFFFFFFFF  }
0xaf: {  	[dreg:$0x0] =	wrdreg $0x60  }
0xb0: {  	[dreg:$0x2] =	wrdreg s2  }
0xb1: {  	[dreg:$0x3] =	wrdreg s18  }
0xb2: {  	[dreg:$0x4] =	wrdreg s24  }
0xb3: {  	[dreg:$0x5] =	wrdreg s4  }
0xb4: {  	[dreg:$0x6] =	wrdreg $0x0  }
0xb5: {  	[dreg:$0x7] =	wrdreg $0x9  }
0xb6: {  	_ =	task.clear_ibuf [dreg:s9], $0x8FFFF;
	_ =	strace $0x90000046  }
0xb7: {  	s29 =	simm.s32 $0x9;
	_ =	strace $0x80000048  }
0xb8: {  	_ =	swait.ge [sflag:s29], $0x1  }
0xb9: {  	[sflag:s29] =	ssyncadd.s32 $0xFFFFFFFF  }
0xba: {  	_ =	strace $0x90000048  }
0xbb: {  	_ =	sfence  }
0xbc: {  	s30 =	sld [smem:$0x0];
	_ =	sdelay $0x2  }
0xbd: {  	s31 =	sshll.u32 s1, $0xD;
	s1 =	sshrl.u32 s1, $0x2  }
0xbe: {  	s3 =	sand.u32 $0x4000, s31;
	s1 =	sadd.s32 s1, s30  }
0xbf: {  	s0 =	sor.u32 s3, s0;
	s1 =	sshll.u32 s1, $0x11  }
0xc0: {  	s0 =	sor.u32 s1, s0  }
0xc1: {  	s0 =	sadd.s32 $0x8F2B, s0  }
0xc2: {  	[sflag:s0] =	ssyncadd.remote.s32 $0x1  }
0xc3: {  	_ =	sfence.sel $0xFFFF  }
0xc4: {  	[dreg:$0x0] =	wrdreg $0xFFFFFFFF;
	(pc) =	sbr.abs _section_cstart, $3  }
0xc5: {  	[dreg:$0x1] =	wrdreg $0xFFFFFFFF  }
0xc6: {  	_ =	task.clear_ibuf [dreg:s9], $0x2FFFF;
	_ =	strace $0x9FFFFFFF  }
0xc7: {  	(tm) =	ssettm $0x7FFFFFFF  }
tec
execute0_lowered:
.L_overlay_start_1:
0x0: {  	(tag) =	ssettag $0x1  }
0x1: {  	s0 =	rddreg [dreg:$0x0]  }
0x2: {  	s1 =	rddreg [dreg:$0x2]  }
0x3: {  	s2 =	rddreg [dreg:$0x3]  }
0x4: {  	s3 =	rddreg [dreg:$0x4];
	s4 =	srdreg.scid;
	s5 =	simm.s32 $0x0  }
0x5: {  	s12 =	stileid.u32;
	s16 =	simm.s32 $0x1;
	s13 =	simm.s32 $0x8  }
0x6: {  	s29 =	simm.s32 $0x14300;
	s30 =	simm.s32 $0x14040;
	s31 =	simm.s32 $0x16300  }
0x7: {  	s17 =	simm.s32 $0x18300;
	s4 =	sand.u32 $0x1, s4;
	[smem:$0x7FF] =	sst s5  }
0x8: {  	s7 =	sshll.u32 s12, $0xC;
	s21 =	sshll.u32 s12, $0xE;
	s9 =	sshll.u32 s12, $0x10  }
0x9: {  	s23 =	sshll.u32 s12, $0x6;
	p0 =	seq.s32 s12, $0xF;
	s6 =	ssub.s32 $0x2, s4  }
0xa: {  	_ =	strace $0x80000047;
	s7 =	sadd.s32 s7, s1;
	s4 =	sshll.u32 s4, $0xD  }
0xb: {  	s22 =	sadd.s32 s9, s3;
	s9 =	sor.u32 $0x1C01, s23;
	s1 =	sadd.s32 $0xF408, s1  }
0xc: {  	s23 =	simm.s32 $0x12000;
	s8 =	sshrl.u32 s6, $0x1;
	s4 =	sor.u32 s4, s21  }
0xd: {  	s10 =	sadd.s32 $0x400, s7;
	[dreg:$0x7] =	wrdreg s9;
	s9 =	sadd.s32 $0x40, s22  }
0xe: {  	s7 =	sadd.s32 $0x408, s7;
	[dreg:$0x9] =	wrdreg s1;
	s28 =	sshrl.u32 s22, $0x3  }
0xf: {  	s22 =	simm.s32 $0x2;
	s6 =	ssub.s32 s6, s8;
	[dreg:$0x6] =	wrdreg s10  }
0x10: {  	[dreg:$0x8] =	wrdreg s7;
	s7 =	sadd.s32 $0xF0040, s3;
	s11 =	sshll.u32 s4, $0x4  }
0x11: {  	s24 =	sshrl.u32 s4, $0x3;
	[dreg:$0xd] =	wrdreg s28;
	s4 =	simm.s32 $0x14200  }
0x12: {  	s8 =	simm.s32 $0x5;
	s10 =	sadd.s32 s2, s11;
	s0 =	sadd.s32 s0, s24  }
0x13: {  	s26 =	smax.u32 s6, $0x1;
	s14 =	sadd.s32 $0x1FFFFC00, s11;
	s1 =	sshrl.u32 @p0 s7, $0x3  }
0x14: {  	s24 =	simm.s32 $0x3;
	s6 =	simm.s32 $0x140C0;
	[dreg:$0xa] =	wrdreg s0  }
0x15: {  	s7 =	simm.s32 $0x1A300;
	s25 =	sadd.s32 $0x1FC00, s10;
	[dreg:$0xc] =	wrdreg s26  }
0x16: {  	s0 =	sshll.u32 @!p0 s12, $0x6;
	[dreg:$0xe] =	wrdreg s1;
	s26 =	simm.s32 $0x40  }
0x17: {  	s1 =	simm.s32 $0x14080;
	[dreg:$0xb] =	wrdreg s25;
	s0 =	sor.u32 @!p0 $0x1C02, s0  }
0x18: {  	s25 =	simm.s32 $0x4;
	[dreg:$0xf] =	wrdreg s0;
	s0 =	sshrl.u32 @!p0 s9, $0x3  }
0x19: {  	v0 =	vimm.s32 $0xFFF;
	v1 =	vimm.s32 $0x0;
	v2 =	vimm.s32 $0x1;
	s9 =	simm.s32 $0x0;
	[dreg:$0x10] =	wrdreg s0;
	s0 =	simm.s32 $0x14100  }
.LBB2_1:
0x1a: {  	[dreg:$0x11] =	wrdreg s9  }
0x1b: {  	s2 =	rddreg [dreg:$0x6]  }
0x1c: {  	s20 =	rddreg [dreg:$0x7]  }
0x1d: {  	s11 =	rddreg [dreg:$0xd];
	s12 =	simm.s32 $0x10  }
0x1e: {  	[spmem:s11@s12], [sflag:s20] =	dma.strided [hbm:s2@s13], $0x1000, s16, $0x8   }
0x1f: {  	s9 =	simm.s32 @p0 $0x1;
	s15 =	simm.s32 @p0 $0x1FC2;
	s2 =	rddreg [dreg:$0x9]  }
0x20: {  	s11 =	simm.s32 @p0 $0x10;
	s13 =	simm.s32 @p0 $0x8;
	s12 =	rddreg [dreg:$0xe]  }
0x21: {  	[spmem:s12@s11], [sflag:s15] =	dma.strided @p0 [hbm:s2@s13], $0xFF8, s9, $0x8   }
0x22: {  	s2 =	rddreg [dreg:$0x8]  }
0x23: {  	s9 =	simm.s32 @!p0 $0x1;
	s12 =	rddreg [dreg:$0xf]  }
0x24: {  	s11 =	simm.s32 @!p0 $0x10;
	s13 =	simm.s32 @!p0 $0x8;
	s15 =	rddreg [dreg:$0x10]  }
0x25: {  	[spmem:s15@s11], [sflag:s12] =	dma.strided @!p0 [hbm:s2@s13], $0x1000, s9, $0x8   }
0x26: {  	s21 =	simm.s32 $0x10000;
	s2 =	rddreg [dreg:$0xa]  }
0x27: {  	[tilespmem:s21], [sflag:$0x3] =	stream.linear.gather [hbm4b:s2+s5], $0x2000, $0x38;
	[tilespmem:$0x1C300] =	vst v63  }
0x28: {  	s28 =	rddreg [dreg:$0x1]  }
0x29: {  	[tilespmem:s23], [sflag:$0x4] =	stream.linear.gather [hbm4b:s28+s5], $0x2000, $0x38;
	[tilespmem:$0x1C300] =	vst v63  }
0x2a: {  	_ =	swait.ge [sflag:s16], $0x1000  }
0x2b: {  	[sflag:s16] =	ssyncset.done $0x0  }
0x2c: {  	s9 =	simm.s32 @p0 $0x2;
	[sflag:s16] =	ssyncadd.s32 $0xFFFFF000  }
0x2d: {  	_ =	swait.ge @p0 [sflag:s9], $0xFF8  }
0x2e: {  	[sflag:s9] =	ssyncset.done @p0 $0x0  }
0x2f: {  	[sflag:s9] =	ssyncadd.s32 @p0 $0xFFFFF008;
	s9 =	simm.s32 @!p0 $0x2  }
0x30: {  	_ =	swait.ge @!p0 [sflag:s9], $0x1000  }
0x31: {  	[sflag:s9] =	ssyncset.done @!p0 $0x0  }
0x32: {  	[sflag:s9] =	ssyncadd.s32 @!p0 $0xFFFFF000  }
0x33: {  	_ =	swait.ge [sflag:s24], $0x2000  }
0x34: {  	[sflag:s24] =	ssyncset.done $0x0  }
0x35: {  	[sflag:s24] =	ssyncadd.s32 $0xFFFFE000  }
0x36: {  	_ =	swait.ge [sflag:s25], $0x2000  }
0x37: {  	[sflag:s25] =	ssyncset.done $0x0  }
0x38: {  	[sflag:s25] =	ssyncadd.s32 $0xFFFFE000  }
0x39: {  	s13 =	simm.s32 $0x0;
	[bflag:$0x0] =	sbarrier.arrive $0xFFFF  }
.LBB2_2:
0x3a: {  	_ =	sdelay $0x2  }
0x3b: {  	s9 =	sshll.u32 s13, $0x8  }
0x3c: {  	v7 =	vld.idx.msk [tilespmem:v0+s23+$0x0], $0xffff;
	s15 =	sand.u32 $0x3FFFFF00, s9  }
0x3d: {  	v6 =	vld [tilespmem:s15+$0x10000];
	_ =	sdelay $0x4  }
0x3e: {  	v5 =	vld [tilespmem:s15+$0x10010];
	vm0 =	vlt.f32 v7, v6  }
0x3f: {  	v8 =	vsel vm0, $0x1000, v1  }
0x40: {  	v4 =	vld [tilespmem:s15+$0x10020];
	v9 =	vor.u32 $0x7FF, v8;
	_ =	sdelay $0x1  }
0x41: {  	v3 =	vld [tilespmem:s15+$0x10030]  }
0x42: {  	vm13 =	vlt.f32 v7, v5  }
0x43: {  	v10 =	vsel vm13, $0x1000, v1  }
0x44: {  	vm14 =	vlt.f32 v7, v4;
	v11 =	vor.u32 $0x7FF, v10;
	v9 =	vld.idx.msk [tilespmem:v9+s23+$0x0], $0xffff  }
0x45: {  	v12 =	vsel vm14, $0x1000, v1  }
0x46: {  	vm15 =	vlt.f32 v7, v3;
	v13 =	vor.u32 $0x7FF, v12  }
0x47: {  	v47 =	vsel vm15, $0x1000, v1  }
0x48: {  	v14 =	vor.u32 $0x7FF, v47  }
0x49: {  	v48 =	vor.u32 $0x800, v8;
	v46 =	vld.idx.msk [tilespmem:v11+s23+$0x0], $0xffff;
	vm4 =	vlt.f32 v9, v6  }
0x4a: {  	v8 =	vsel vm4, v48, v8  }
0x4b: {  	v49 =	vld.idx.msk [tilespmem:v13+s23+$0x0], $0xffff;
	v50 =	vor.u32 $0x3FF, v8;
	_ =	sdelay $0x1  }
0x4c: {  	v52 =	vld.idx.msk [tilespmem:v14+s23+$0x0], $0xffff  }
0x4d: {  	v51 =	vor.u32 $0x800, v10;
	vm5 =	vlt.f32 v46, v5  }
0x4e: {  	v7 =	vsel vm5, v51, v10  }
0x4f: {  	v54 =	vor.u32 $0x800, v12;
	vm6 =	vlt.f32 v49, v4;
	v53 =	vor.u32 $0x3FF, v7;
	v13 =	vld.idx.msk [tilespmem:v50+s23+$0x0], $0xffff  }
0x50: {  	v9 =	vsel vm6, v54, v12  }
0x51: {  	v55 =	vor.u32 $0x800, v47;
	vm7 =	vlt.f32 v52, v3;
	v12 =	vor.u32 $0x3FF, v9  }
0x52: {  	v10 =	vsel vm7, v55, v47  }
0x53: {  	v11 =	vor.u32 $0x3FF, v10  }
0x54: {  	v56 =	vor.u32 $0x400, v8;
	v14 =	vld.idx.msk [tilespmem:v53+s23+$0x0], $0xffff;
	vm8 =	vlt.f32 v13, v6  }
0x55: {  	v8 =	vsel vm8, v56, v8  }
0x56: {  	v12 =	vld.idx.msk [tilespmem:v12+s23+$0x0], $0xffff;
	v13 =	vor.u32 $0x1FF, v8;
	_ =	sdelay $0x1  }
0x57: {  	v11 =	vld.idx.msk [tilespmem:v11+s23+$0x0], $0xffff  }
0x58: {  	v57 =	vor.u32 $0x400, v7;
	vm9 =	vlt.f32 v14, v5  }
0x59: {  	v7 =	vsel vm9, v57, v7  }
0x5a: {  	v58 =	vor.u32 $0x400, v9;
	vm10 =	vlt.f32 v12, v4;
	v14 =	vor.u32 $0x1FF, v7;
	v13 =	vld.idx.msk [tilespmem:v13+s23+$0x0], $0xffff  }
0x5b: {  	v9 =	vsel vm10, v58, v9  }
0x5c: {  	v59 =	vor.u32 $0x400, v10;
	vm11 =	vlt.f32 v11, v3;
	v12 =	vor.u32 $0x1FF, v9  }
0x5d: {  	v10 =	vsel vm11, v59, v10  }
0x5e: {  	v11 =	vor.u32 $0x1FF, v10  }
0x5f: {  	v60 =	vor.u32 $0x200, v8;
	v14 =	vld.idx.msk [tilespmem:v14+s23+$0x0], $0xffff;
	vm12 =	vlt.f32 v13, v6  }
0x60: {  	v8 =	vsel vm12, v60, v8  }
0x61: {  	v12 =	vld.idx.msk [tilespmem:v12+s23+$0x0], $0xffff;
	v13 =	vadd.s32 $0xFF, v8;
	_ =	sdelay $0x1  }
0x62: {  	v11 =	vld.idx.msk [tilespmem:v11+s23+$0x0], $0xffff  }
0x63: {  	v61 =	vor.u32 $0x200, v7;
	vm13 =	vlt.f32 v14, v5  }
0x64: {  	v7 =	vsel vm13, v61, v7  }
0x65: {  	v62 =	vor.u32 $0x200, v9;
	vm14 =	vlt.f32 v12, v4;
	v14 =	vadd.s32 $0xFF, v7;
	v13 =	vld.idx.msk [tilespmem:v13+s23+$0x0], $0xffff  }
0x66: {  	v9 =	vsel vm14, v62, v9  }
0x67: {  	v63 =	vor.u32 $0x200, v10;
	vm15 =	vlt.f32 v11, v3;
	v12 =	vadd.s32 $0xFF, v9  }
0x68: {  	v10 =	vsel vm15, v63, v10  }
0x69: {  	v11 =	vadd.s32 $0xFF, v10  }
0x6a: {  	v16 =	vadd.s32 $0x100, v8;
	v14 =	vld.idx.msk [tilespmem:v14+s23+$0x0], $0xffff;
	vm4 =	vlt.f32 v13, v6  }
0x6b: {  	v8 =	vsel vm4, v16, v8  }
0x6c: {  	v12 =	vld.idx.msk [tilespmem:v12+s23+$0x0], $0xffff;
	v13 =	vadd.s32 $0x7F, v8;
	_ =	sdelay $0x1  }
0x6d: {  	v11 =	vld.idx.msk [tilespmem:v11+s23+$0x0], $0xffff  }
0x6e: {  	v17 =	vadd.s32 $0x100, v7;
	vm5 =	vlt.f32 v14, v5  }
0x6f: {  	v7 =	vsel vm5, v17, v7  }
0x70: {  	v18 =	vadd.s32 $0x100, v9;
	vm6 =	vlt.f32 v12, v4;
	v14 =	vadd.s32 $0x7F, v7;
	v13 =	vld.idx.msk [tilespmem:v13+s23+$0x0], $0xffff  }
0x71: {  	v9 =	vsel vm6, v18, v9  }
0x72: {  	v19 =	vadd.s32 $0x100, v10;
	vm7 =	vlt.f32 v11, v3;
	v12 =	vadd.s32 $0x7F, v9  }
0x73: {  	v10 =	vsel vm7, v19, v10  }
0x74: {  	v11 =	vadd.s32 $0x7F, v10  }
0x75: {  	v20 =	vadd.s32 $0x80, v8;
	v14 =	vld.idx.msk [tilespmem:v14+s23+$0x0], $0xffff;
	vm8 =	vlt.f32 v13, v6  }
0x76: {  	v8 =	vsel vm8, v20, v8  }
0x77: {  	v12 =	vld.idx.msk [tilespmem:v12+s23+$0x0], $0xffff;
	v13 =	vadd.s32 $0x3F, v8;
	_ =	sdelay $0x1  }
0x78: {  	v11 =	vld.idx.msk [tilespmem:v11+s23+$0x0], $0xffff  }
0x79: {  	v21 =	vadd.s32 $0x80, v7;
	vm9 =	vlt.f32 v14, v5  }
0x7a: {  	v7 =	vsel vm9, v21, v7  }
0x7b: {  	v22 =	vadd.s32 $0x80, v9;
	vm10 =	vlt.f32 v12, v4;
	v14 =	vadd.s32 $0x3F, v7;
	v13 =	vld.idx.msk [tilespmem:v13+s23+$0x0], $0xffff  }
0x7c: {  	v9 =	vsel vm10, v22, v9  }
0x7d: {  	v23 =	vadd.s32 $0x80, v10;
	vm11 =	vlt.f32 v11, v3;
	v12 =	vadd.s32 $0x3F, v9  }
0x7e: {  	v10 =	vsel vm11, v23, v10  }
0x7f: {  	v11 =	vadd.s32 $0x3F, v10  }
0x80: {  	v24 =	vadd.s32 $0x40, v8;
	v14 =	vld.idx.msk [tilespmem:v14+s23+$0x0], $0xffff;
	vm12 =	vlt.f32 v13, v6  }
0x81: {  	v8 =	vsel vm12, v24, v8  }
0x82: {  	v12 =	vld.idx.msk [tilespmem:v12+s23+$0x0], $0xffff;
	v13 =	vadd.s32 $0x1F, v8;
	_ =	sdelay $0x1  }
0x83: {  	v11 =	vld.idx.msk [tilespmem:v11+s23+$0x0], $0xffff  }
0x84: {  	v25 =	vadd.s32 $0x40, v7;
	vm13 =	vlt.f32 v14, v5  }
0x85: {  	v7 =	vsel vm13, v25, v7  }
0x86: {  	v26 =	vadd.s32 $0x40, v9;
	vm14 =	vlt.f32 v12, v4;
	v14 =	vadd.s32 $0x1F, v7;
	v13 =	vld.idx.msk [tilespmem:v13+s23+$0x0], $0xffff  }
0x87: {  	v9 =	vsel vm14, v26, v9  }
0x88: {  	v27 =	vadd.s32 $0x40, v10;
	vm15 =	vlt.f32 v11, v3;
	v12 =	vadd.s32 $0x1F, v9  }
0x89: {  	v10 =	vsel vm15, v27, v10  }
0x8a: {  	v11 =	vadd.s32 $0x1F, v10  }
0x8b: {  	v28 =	vadd.s32 $0x20, v8;
	v14 =	vld.idx.msk [tilespmem:v14+s23+$0x0], $0xffff;
	vm4 =	vlt.f32 v13, v6  }
0x8c: {  	v8 =	vsel vm4, v28, v8  }
0x8d: {  	v12 =	vld.idx.msk [tilespmem:v12+s23+$0x0], $0xffff;
	v13 =	vadd.s32 $0xF, v8;
	_ =	sdelay $0x1  }
0x8e: {  	v11 =	vld.idx.msk [tilespmem:v11+s23+$0x0], $0xffff  }
0x8f: {  	v29 =	vadd.s32 $0x20, v7;
	vm5 =	vlt.f32 v14, v5  }
0x90: {  	v7 =	vsel vm5, v29, v7  }
0x91: {  	v30 =	vadd.s32 $0x20, v9;
	vm6 =	vlt.f32 v12, v4;
	v14 =	vadd.s32 $0xF, v7;
	v13 =	vld.idx.msk [tilespmem:v13+s23+$0x0], $0xffff  }
0x92: {  	v9 =	vsel vm6, v30, v9  }
0x93: {  	v31 =	vadd.s32 $0x20, v10;
	vm7 =	vlt.f32 v11, v3;
	v12 =	vadd.s32 $0xF, v9  }
0x94: {  	v10 =	vsel vm7, v31, v10  }
0x95: {  	v11 =	vadd.s32 $0xF, v10  }
0x96: {  	v32 =	vadd.s32 $0x10, v8;
	v14 =	vld.idx.msk [tilespmem:v14+s23+$0x0], $0xffff;
	vm8 =	vlt.f32 v13, v6  }
0x97: {  	v8 =	vsel vm8, v32, v8  }
0x98: {  	v12 =	vld.idx.msk [tilespmem:v12+s23+$0x0], $0xffff;
	v13 =	vadd.s32 $0x7, v8;
	_ =	sdelay $0x1  }
0x99: {  	v11 =	vld.idx.msk [tilespmem:v11+s23+$0x0], $0xffff  }
0x9a: {  	v33 =	vadd.s32 $0x10, v7;
	vm9 =	vlt.f32 v14, v5  }
0x9b: {  	v7 =	vsel vm9, v33, v7  }
0x9c: {  	v34 =	vadd.s32 $0x10, v9;
	vm10 =	vlt.f32 v12, v4;
	v14 =	vadd.s32 $0x7, v7;
	v13 =	vld.idx.msk [tilespmem:v13+s23+$0x0], $0xffff  }
0x9d: {  	v9 =	vsel vm10, v34, v9  }
0x9e: {  	v35 =	vadd.s32 $0x10, v10;
	vm11 =	vlt.f32 v11, v3;
	v12 =	vadd.s32 $0x7, v9  }
0x9f: {  	v10 =	vsel vm11, v35, v10  }
0xa0: {  	v11 =	vadd.s32 $0x7, v10  }
0xa1: {  	v36 =	vadd.s32 $0x8, v8;
	v14 =	vld.idx.msk [tilespmem:v14+s23+$0x0], $0xffff;
	vm12 =	vlt.f32 v13, v6  }
0xa2: {  	v8 =	vsel vm12, v36, v8  }
0xa3: {  	v12 =	vld.idx.msk [tilespmem:v12+s23+$0x0], $0xffff;
	v13 =	vadd.s32 $0x3, v8;
	_ =	sdelay $0x1  }
0xa4: {  	v11 =	vld.idx.msk [tilespmem:v11+s23+$0x0], $0xffff  }
0xa5: {  	v37 =	vadd.s32 $0x8, v7;
	vm13 =	vlt.f32 v14, v5  }
0xa6: {  	v7 =	vsel vm13, v37, v7  }
0xa7: {  	v38 =	vadd.s32 $0x8, v9;
	vm14 =	vlt.f32 v12, v4;
	v14 =	vadd.s32 $0x3, v7;
	v13 =	vld.idx.msk [tilespmem:v13+s23+$0x0], $0xffff  }
0xa8: {  	v9 =	vsel vm14, v38, v9  }
0xa9: {  	v39 =	vadd.s32 $0x8, v10;
	vm15 =	vlt.f32 v11, v3;
	v12 =	vadd.s32 $0x3, v9  }
0xaa: {  	v10 =	vsel vm15, v39, v10  }
0xab: {  	v11 =	vadd.s32 $0x3, v10  }
0xac: {  	v40 =	vadd.s32 $0x4, v8;
	v14 =	vld.idx.msk [tilespmem:v14+s23+$0x0], $0xffff;
	vm4 =	vlt.f32 v13, v6  }
0xad: {  	v8 =	vsel vm4, v40, v8  }
0xae: {  	v12 =	vld.idx.msk [tilespmem:v12+s23+$0x0], $0xffff;
	v13 =	vadd.s32 $0x1, v8;
	_ =	sdelay $0x1  }
0xaf: {  	v11 =	vld.idx.msk [tilespmem:v11+s23+$0x0], $0xffff  }
0xb0: {  	v41 =	vadd.s32 $0x4, v7;
	vm5 =	vlt.f32 v14, v5  }
0xb1: {  	v7 =	vsel vm5, v41, v7  }
0xb2: {  	v42 =	vadd.s32 $0x4, v9;
	vm6 =	vlt.f32 v12, v4;
	v14 =	vadd.s32 $0x1, v7;
	v13 =	vld.idx.msk [tilespmem:v13+s23+$0x0], $0xffff  }
0xb3: {  	v9 =	vsel vm6, v42, v9  }
0xb4: {  	v43 =	vadd.s32 $0x4, v10;
	vm7 =	vlt.f32 v11, v3;
	v12 =	vadd.s32 $0x1, v9  }
0xb5: {  	v10 =	vsel vm7, v43, v10  }
0xb6: {  	v11 =	vadd.s32 $0x1, v10  }
0xb7: {  	v44 =	vadd.s32 $0x2, v8;
	v14 =	vld.idx.msk [tilespmem:v14+s23+$0x0], $0xffff;
	vm8 =	vlt.f32 v13, v6  }
0xb8: {  	v8 =	vsel vm8, v44, v8  }
0xb9: {  	v12 =	vld.idx.msk [tilespmem:v12+s23+$0x0], $0xffff;
	_ =	sdelay $0x1  }
0xba: {  	v11 =	vld.idx.msk [tilespmem:v11+s23+$0x0], $0xffff  }
0xbb: {  	v45 =	vadd.s32 $0x2, v7;
	vm9 =	vlt.f32 v14, v5  }
0xbc: {  	v7 =	vsel vm9, v45, v7;
	v46 =	vld.idx.msk [tilespmem:v8+s23+$0x0], $0xffff  }
0xbd: {  	v47 =	vadd.s32 $0x2, v9;
	vm10 =	vlt.f32 v12, v4  }
0xbe: {  	v9 =	vsel vm10, v47, v9  }
0xbf: {  	v49 =	vadd.s32 $0x2, v10;
	vm11 =	vlt.f32 v11, v3  }
0xc0: {  	v10 =	vsel vm11, v49, v10  }
0xc1: {  	v48 =	vld.idx.msk [tilespmem:v7+s23+$0x0], $0xffff;
	vm12 =	vlt.f32 v46, v6  }
0xc2: {  	v50 =	vsel vm12, $0x1, v1  }
0xc3: {  	v51 =	vld.idx.msk [tilespmem:v9+s23+$0x0], $0xffff;
	v8 =	vadd.s32 v50, v8  }
0xc4: {  	v11 =	vmax.u32 v8, $0x1  }
0xc5: {  	v52 =	vld.idx.msk [tilespmem:v10+s23+$0x0], $0xffff;
	v11 =	vsub.s32 v11, v2  }
0xc6: {  	vm13 =	vlt.f32 v48, v5  }
0xc7: {  	v12 =	vsel vm13, $0x1, v1  }
0xc8: {  	vm14 =	vlt.f32 v51, v4;
	v7 =	vadd.s32 v12, v7  }
0xc9: {  	v13 =	vsel vm14, $0x1, v1;
	v12 =	vmax.u32 v7, $0x1;
	v8 =	vld.idx.msk [tilespmem:v8+s23+$0x0], $0xffff  }
0xca: {  	vm15 =	vlt.f32 v52, v3;
	v9 =	vadd.s32 v13, v9;
	v12 =	vsub.s32 v12, v2;
	v53 =	vld.idx.msk [tilespmem:v11+s23+$0x0], $0xffff  }
0xcb: {  	v55 =	vsel vm15, $0x1, v1;
	v15 =	vmax.u32 v9, $0x1  }
0xcc: {  	v10 =	vadd.s32 v55, v10;
	v54 =	vsub.s32 v15, v2  }
0xcd: {  	v16 =	vmax.u32 v10, $0x1  }
0xce: {  	v16 =	vsub.s32 v16, v2;
	v7 =	vld.idx.msk [tilespmem:v7+s23+$0x0], $0xffff  }
0xcf: {  	v56 =	vld.idx.msk [tilespmem:v12+s23+$0x0], $0xffff;
	v8 =	vsub.f32 v8, v53  }
0xd0: {  	v9 =	vld.idx.msk [tilespmem:v9+s23+$0x0], $0xffff  }
0xd1: {  	v17 =	vld.idx.msk [tilespmem:v54+s23+$0x0], $0xffff;
	(erf) = vrcp.f32 v8  }
0xd2: {  	v10 =	vld.idx.msk [tilespmem:v10+s23+$0x0], $0xffff  }
0xd3: {  	v18 =	vld.idx.msk [tilespmem:v16+s23+$0x0], $0xffff  }
0xd4: {  	v7 =	vsub.f32 v7, v56;
	v8 =	vmax.f32 v8, $9.999999930e-09  }
0xd5: {  	(erf) = vrcp.f32 v8  }
0xd6: {  	v9 =	vsub.f32 v9, v17;
	(erf) = vrcp.f32 v7;
	v7 =	vmax.f32 v7, $9.999999930e-09  }
0xd7: {  	(erf) = vrcp.f32 v7  }
0xd8: {  	v10 =	vsub.f32 v10, v18;
	(erf) = vrcp.f32 v9;
	v9 =	vmax.f32 v9, $9.999999930e-09  }
0xd9: {  	(erf) = vrcp.f32 v9  }
0xda: {  	v57 =	vpop (erf);
	(erf) = vrcp.f32 v10;
	_ =	sdelay $0x3  }
0xdb: {  	v58 =	vpop (erf)  }
0xdc: {  	v59 =	vpop (erf)  }
0xdd: {  	v6 =	vsub.f32 v6, v53;
	v60 =	vpop (erf)  }
0xde: {  	v5 =	vsub.f32 v5, v56;
	v61 =	vpop (erf)  }
0xdf: {  	[tilespmem:$0x14000] =	vst v11;
	v3 =	vsub.f32 v3, v18;
	v10 =	vmax.f32 v10, $9.999999930e-09;
	v6 =	vmul.f32 v57, v6;
	v62 =	vpop (erf)  }
0xe0: {  	[tilespmem:$0x14010] =	vst v12;
	v4 =	vsub.f32 v4, v17;
	(erf) = vrcp.f32 v10;
	v63 =	vpop (erf)  }
0xe1: {  	[tilespmem:$0x14020] =	vst v54;
	v6 =	vmax.f32 v6, $0.0e+00;
	v5 =	vmul.f32 v59, v5;
	v3 =	vmul.f32 v63, v3  }
0xe2: {  	[tilespmem:$0x14030] =	vst v16;
	v6 =	vmin.f32 v6, $1.000000000e+00;
	v4 =	vmul.f32 v61, v4  }
0xe3: {  	[tilespmem:$0x14200] =	vst v58;
	v6 =	vmul.f32 v6, v8;
	v5 =	vmax.f32 v5, $0.0e+00;
	v3 =	vmax.f32 v3, $0.0e+00  }
0xe4: {  	[tilespmem:$0x14210] =	vst v60;
	v5 =	vmin.f32 v5, $1.000000000e+00;
	v4 =	vmax.f32 v4, $0.0e+00;
	v3 =	vmin.f32 v3, $1.000000000e+00  }
0xe5: {  	p1 =	seq.s32 s13, $0x0;
	[tilespmem:$0x14220] =	vst v62;
	v5 =	vmul.f32 v5, v7;
	v4 =	vmin.f32 v4, $1.000000000e+00;
	v3 =	vmul.f32 v3, v10  }
.Ltmp0:
0xe6: {  	[tilespmem:$0x14100] =	vst v6;
	v4 =	vmul.f32 v4, v9;
	(pc) =	sbr.rel @p1 .LBB2_6-.Ltmp0, $4  }
0xe7: {  	[tilespmem:$0x14110] =	vst v5  }
0xe8: {  	[tilespmem:$0x14120] =	vst v4  }
0xe9: {  	[tilespmem:$0x14130] =	vst v3;
	v3 =	vpop (erf)  }
0xea: {  	[tilespmem:$0x14230] =	vst v3  }
0xeb: {  	_ =	swait.ge [sflag:s8], $0x2000  }
0xec: {  	[sflag:s8] =	ssyncset.done $0x0  }
0xed: {  	s2 =	simm.s32 $0x14000;
	[sflag:s8] =	ssyncadd.s32 $0xFFFFE000  }
0xee: {  	[tilespmem:s29], [sflag:$0x1] =	stream.indirect.gather [spmem:s3], $0x80, s2, s26, $0xb8;
	[tilespmem:$0x1C300] =	vst v63  }
0xef: {  	_ =	swait.ge [sflag:s25], $0x2000  }
0xf0: {  	[sflag:s25] =	ssyncset.done $0x0  }
0xf1: {  	s19 =	simm.s32 $0x1A400;
	[sflag:s25] =	ssyncadd.s32 $0xFFFFE000  }
0xf2: {  	v11 =	vld [tilespmem:s19+$0x50]  }
0xf3: {  	v5 =	vld [tilespmem:s19+$0xFFFFFF00]  }
0xf4: {  	v14 =	vld [tilespmem:s19+$0xFFFFFF40]  }
0xf5: {  	v12 =	vld [tilespmem:s19+$0xFFFFFFB0]  }
0xf6: {  	v3 =	vld [tilespmem:s19+$0xFFFFFF10]  }
0xf7: {  	v20 =	vld [tilespmem:s19+$0xFFFFFF50]  }
0xf8: {  	v24 =	vld [tilespmem:s19+$0x60]  }
0xf9: {  	v25 =	vld [tilespmem:s19+$0xF0]  }
0xfa: {  	v6 =	vld [tilespmem:s19+$0xFFFFFF20]  }
0xfb: {  	v22 =	vld [tilespmem:s19+$0xFFFFFF60]  }
0xfc: {  	v17 =	vld [tilespmem:s19+$0xD0]  }
0xfd: {  	v9 =	vld [tilespmem:s19+$0xFFFFFF30]  }
0xfe: {  	v23 =	vld [tilespmem:s19+$0xFFFFFF70]  }
0xff: {  	v10 =	vld [tilespmem:s19+$0xFFFFFF80]  }
0x100: {  	v4 =	vld [tilespmem:s19+$0x90]  }
0x101: {  	v18 =	vld [tilespmem:s19+$0xFFFFFFC0]  }
0x102: {  	v26 =	vld [tilespmem:s19+$0x70]  }
0x103: {  	v7 =	vld [tilespmem:s19+$0xFFFFFFA0]  }
0x104: {  	v13 =	vld [tilespmem:s19+$0xFFFFFFD0]  }
0x105: {  	v8 =	vld [tilespmem:s19+$0x30]  }
0x106: {  	s9 =	simm.s32 $0xC0;
	v29 =	vld [tilespmem:s19+$0xE0]  }
0x107: {  	s21 =	simm.s32 $0xC1;
	s11 =	simm.s32 $0xC3;
	v15 =	vmov s9;
	v28 =	vld [tilespmem:s19+$0xFFFFFFE0]  }
0x108: {  	s28 =	simm.s32 $0xC2;
	v16 =	vmov s21;
	v35 =	vmov s11;
	v15 =	vand.u32 $0xFFFFFFFC, v15;
	v31 =	vld [tilespmem:s19+$0xFFFFFFF0]  }
0x109: {  	v30 =	vbroadcast v15, $0x0;
	v15 =	vand.u32 $0xFFFFFFFD, v16;
	v16 =	vmov s28;
	v21 =	vld [tilespmem:s19+$0x20]  }
0x10a: {  	v32 =	vbroadcast v15, $0x0;
	v15 =	vand.u32 $0xFFFFFFFE, v16;
	v33 =	vld [tilespmem:s19+$0xC0]  }
0x10b: {  	v36 =	vbroadcast v15, $0x0;
	v15 =	vld [tilespmem:s19+$0xA0]  }
0x10c: {  	v16 =	vld [tilespmem:s19+$0xB0]  }
0x10d: {  	v19 =	vld [tilespmem:s19+$0x80]  }
0x10e: {  	v27 =	vld.idx.msk [tilespmem:v35+s4+$0x0], $0xffff  }
0x10f: {  	v37 =	vld.idx.msk [tilespmem:v30+s4+$0x0], $0xffff  }
0x110: {  	v35 =	vld.idx.msk [tilespmem:v35+s0+$0x0], $0xffff;
	v39 =	vsub.f32 v17, v4;
	v40 =	vsub.f32 v18, v10  }
0x111: {  	v34 =	vld.idx.msk [tilespmem:v36+s4+$0x0], $0xffff;
	v44 =	vsub.f32 v26, v8;
	v23 =	vsub.f32 v23, v9  }
0x112: {  	v18 =	vld.idx.msk [tilespmem:v32+s4+$0x0], $0xffff;
	v41 =	vsub.f32 v28, v7;
	v26 =	vsub.f32 v14, v5  }
0x113: {  	v17 =	vld.idx.msk [tilespmem:v32+s0+$0x0], $0xffff;
	v63 =	vsub.f32 v22, v6;
	v22 =	vsub.f32 v33, v19  }
0x114: {  	v14 =	vld.idx.msk [tilespmem:v36+s0+$0x0], $0xffff;
	v20 =	vsub.f32 v20, v3;
	v33 =	vmul.f32 v26, v37;
	v26 =	vmul.f32 v23, v37  }
0x115: {  	v23 =	vld.idx.msk [tilespmem:v30+s0+$0x0], $0xffff;
	v30 =	vsub.f32 v31, v12;
	v36 =	vmul.f32 v22, v27;
	v22 =	vmul.f32 v39, v27  }
0x116: {  	v38 =	vld [tilespmem:s19+$0x40];
	v42 =	vsub.f32 v24, v21;
	v28 =	vmul.f32 v20, v37;
	v37 =	vmul.f32 v63, v37;
	[tilespmem:s19+$0xFFFFFF70] =	vst v26  }
0x117: {  	v20 =	vld [tilespmem:s19+$0x10];
	v39 =	vsub.f32 v29, v15;
	[tilespmem:s19+$0xFFFFFF40] =	vst v33;
	v29 =	vmul.f32 v41, v18;
	v43 =	vmul.f32 v30, v18  }
0x118: {  	v24 =	vld [tilespmem:s19+$0x0];
	[tilespmem:s19+$0xFFFFFF50] =	vst v28;
	v31 =	vmul.f32 v40, v18;
	v40 =	vmul.f32 v42, v34  }
0x119: {  	s20 =	simm.s32 $0x0;
	s9 =	simm.s32 $0x1A600;
	v32 =	vmul.f32 v44, v34;
	v41 =	vsub.f32 v25, v16;
	v25 =	vld [tilespmem:s19+$0xFFFFFF90];
	[tilespmem:s19+$0xFFFFFFE0] =	vst v29;
	v42 =	vmul.f32 v43, v17  }
.LBB2_4:
0x11a: {  	s11 =	sadd.s32 $0xC4, s20;
	s18 =	sadd.s32 $0xC5, s20;
	v30 =	vld [tilespmem:s9+$0x50];
	s21 =	sadd.s32 $0xC7, s20;
	v44 =	vmul.f32 v31, v17;
	[tilespmem:s19+$0xFFFFFFF0] =	vst v43;
	v43 =	vmul.f32 v40, v14  }
0x11b: {  	v48 =	vmul.f32 v33, v23;
	v45 =	vmov s11;
	v46 =	vld [tilespmem:s9+$0xFFFFFF00];
	v47 =	vmov s18;
	[tilespmem:s19+$0x70] =	vst v32;
	s11 =	smov.u32 s20;
	s20 =	sadd.s32 $0x4, s20  }
0x11c: {  	v52 =	vsub.f32 v11, v20;
	v45 =	vand.u32 $0xFFFFFFFC, v45;
	v33 =	vld [tilespmem:s9+$0xFFFFFF40];
	v47 =	vand.u32 $0xFFFFFFFD, v47;
	s11 =	sadd.s32 $0xC6, s11;
	p2 =	slt.u32 s20, $0x3C;
	[tilespmem:s19+$0xFFFFFFC0] =	vst v31  }
0x11d: {  	v50 =	vsub.f32 v38, v24;
	v31 =	vbroadcast v45, $0x0;
	v45 =	vld [tilespmem:s9+$0xFFFFFFB0];
	v49 =	vmov s11;
	[tilespmem:s19+$0x60] =	vst v40  }
0x11e: {  	v12 =	vadd.f32 v42, v12;
	v38 =	vbroadcast v47, $0x0;
	v51 =	vld [tilespmem:s9+$0xFFFFFF10];
	v40 =	vand.u32 $0xFFFFFFFE, v49;
	[tilespmem:s19+$0xC0] =	vst v36  }
0x11f: {  	v47 =	vadd.f32 v48, v5;
	v48 =	vmul.f32 v52, v34;
	v42 =	vld [tilespmem:s9+$0xFFFFFF50];
	v40 =	vbroadcast v40, $0x0;
	[tilespmem:s19+$0xFFFFFF60] =	vst v37;
	v11 =	vmovc v30  }
0x120: {  	v44 =	vadd.f32 v44, v10;
	v10 =	vmul.f32 v50, v34;
	v30 =	vmov s21;
	v49 =	vld [tilespmem:s9+$0x60];
	[tilespmem:s19+$0xFFFFFFB0] =	vst v12;
	v5 =	vmovc v46  }
0x121: {  	v50 =	vadd.f32 v43, v21;
	v21 =	vmul.f32 v22, v35;
	v34 =	vmul.f32 v48, v14;
	v46 =	vld [tilespmem:s9+$0xF0];
	[tilespmem:s19+$0x50] =	vst v48  }
0x122: {  	v39 =	vmul.f32 v39, v27;
	v27 =	vmul.f32 v41, v27;
	v13 =	vsub.f32 v13, v25;
	v43 =	vld [tilespmem:s9+$0xFFFFFF20];
	[tilespmem:s19+$0x40] =	vst v10  }
0x123: {  	v48 =	vmul.f32 v10, v14;
	v10 =	vmul.f32 v36, v35;
	v36 =	vadd.f32 v21, v4;
	v41 =	vld [tilespmem:s9+$0xFFFFFF60];
	[tilespmem:s19+$0x20] =	vst v50  }
0x124: {  	v4 =	vmul.f32 v39, v35;
	v35 =	vmul.f32 v27, v35;
	v12 =	vmov v45;
	v21 =	vld [tilespmem:s9+$0xD0];
	[tilespmem:s19+$0xE0] =	vst v39  }
0x125: {  	v28 =	vmul.f32 v28, v23;
	v26 =	vmul.f32 v26, v23;
	v19 =	vadd.f32 v10, v19;
	v39 =	vld [tilespmem:s9+$0xFFFFFF30];
	[tilespmem:s19+$0xF0] =	vst v27  }
0x126: {  	v23 =	vmul.f32 v37, v23;
	v15 =	vadd.f32 v4, v15;
	v16 =	vadd.f32 v35, v16;
	v27 =	vld [tilespmem:s9+$0xFFFFFF70];
	[tilespmem:s19+$0xD0] =	vst v22  }
0x127: {  	v26 =	vadd.f32 v26, v9;
	v22 =	vadd.f32 v28, v3;
	v28 =	vmul.f32 v13, v18;
	v10 =	vld [tilespmem:s9+$0xFFFFFF80];
	[tilespmem:s19+$0x80] =	vst v19  }
0x128: {  	v29 =	vmul.f32 v29, v17;
	v18 =	vadd.f32 v48, v24;
	v19 =	vadd.f32 v34, v20;
	v4 =	vld [tilespmem:s9+$0x90];
	[tilespmem:s19+$0xA0] =	vst v15  }
0x129: {  	v14 =	vmul.f32 v32, v14;
	v20 =	vadd.f32 v23, v6;
	v13 =	vmul.f32 v28, v17;
	v15 =	vld [tilespmem:s9+$0xFFFFFFC0];
	[tilespmem:s19+$0xFFFFFFD0] =	vst v28  }
0x12a: {  	v3 =	vmovc v51;
	v23 =	vadd.f32 v29, v7;
	v6 =	vmov v43;
	v17 =	vld [tilespmem:s9+$0x70];
	[tilespmem:s19+$0xB0] =	vst v16;
	v9 =	vmov v39  }
0x12b: {  	v14 =	vadd.f32 v14, v8;
	v16 =	vadd.f32 v13, v25;
	v7 =	vld [tilespmem:s9+$0xFFFFFFA0];
	[tilespmem:s19+$0xFFFFFF00] =	vst v47  }
0x12c: {  	v13 =	vld [tilespmem:s9+$0xFFFFFFD0];
	[tilespmem:s19+$0xFFFFFF20] =	vst v20  }
0x12d: {  	v8 =	vld [tilespmem:s9+$0x30];
	v20 =	vsub.f32 v21, v4;
	[tilespmem:s19+$0x30] =	vst v14  }
0x12e: {  	v14 =	vld [tilespmem:s9+$0xE0];
	[tilespmem:s19+$0xFFFFFFA0] =	vst v23  }
0x12f: {  	v23 =	vld [tilespmem:s9+$0xFFFFFFE0];
	[tilespmem:s19+$0xFFFFFF30] =	vst v26  }
0x130: {  	v24 =	vld [tilespmem:s9+$0xFFFFFFF0];
	[tilespmem:s19+$0xFFFFFF90] =	vst v16  }
0x131: {  	v21 =	vld [tilespmem:s9+$0x20];
	[tilespmem:s19+$0xFFFFFF80] =	vst v44  }
0x132: {  	v25 =	vsub.f32 v15, v10;
	v32 =	vsub.f32 v17, v8;
	v26 =	vld [tilespmem:s9+$0xC0];
	[tilespmem:s19+$0xFFFFFF10] =	vst v22  }
0x133: {  	v15 =	vld [tilespmem:s9+$0xA0];
	[tilespmem:s19+$0x10] =	vst v19  }
0x134: {  	v22 =	vsub.f32 v27, v9;
	v29 =	vsub.f32 v23, v7;
	v16 =	vld [tilespmem:s9+$0xB0];
	[tilespmem:s19+$0x0] =	vst v18  }
0x135: {  	v19 =	vld [tilespmem:s9+$0x80];
	[tilespmem:s19+$0x90] =	vst v36;
	s19 =	smov.u32 s9  }
0x136: {  	v37 =	vsub.f32 v41, v6;
	v35 =	vld.idx.msk [tilespmem:v31+s4+$0x0], $0xffff  }
0x137: {  	v27 =	vld.idx.msk [tilespmem:v30+s4+$0x0], $0xffff  }
0x138: {  	v28 =	vsub.f32 v42, v3;
	v18 =	vld.idx.msk [tilespmem:v38+s4+$0x0], $0xffff  }
0x139: {  	v42 =	vsub.f32 v49, v21;
	v39 =	vsub.f32 v14, v15;
	v34 =	vld.idx.msk [tilespmem:v40+s4+$0x0], $0xffff  }
0x13a: {  	v23 =	vsub.f32 v33, v5;
	v17 =	vld.idx.msk [tilespmem:v38+s0+$0x0], $0xffff;
	v36 =	vsub.f32 v26, v19  }
0x13b: {  	v41 =	vsub.f32 v46, v16;
	v14 =	vld.idx.msk [tilespmem:v40+s0+$0x0], $0xffff  }
0x13c: {  	v33 =	vmul.f32 v23, v35;
	v26 =	vmul.f32 v22, v35;
	v38 =	vld [tilespmem:s9+$0x40]  }
.Ltmp1:
0x13d: {  	v24 =	vsub.f32 v24, v12;
	v36 =	vmul.f32 v36, v27;
	v22 =	vmul.f32 v20, v27;
	v23 =	vld.idx.msk [tilespmem:v31+s0+$0x0], $0xffff;
	(pc) =	sbr.rel @p2 .LBB2_4-.Ltmp1, $4  }
0x13e: {  	v28 =	vmul.f32 v28, v35;
	v31 =	vmul.f32 v25, v18;
	[tilespmem:s9+$0xFFFFFF70] =	vst v26;
	v20 =	vld [tilespmem:s9+$0x10]  }
0x13f: {  	v29 =	vmul.f32 v29, v18;
	v43 =	vmul.f32 v24, v18;
	[tilespmem:s9+$0xFFFFFF40] =	vst v33;
	v24 =	vld [tilespmem:s9+$0x0]  }
0x140: {  	v37 =	vmul.f32 v37, v35;
	v40 =	vmul.f32 v42, v34;
	[tilespmem:s9+$0xFFFFFF50] =	vst v28;
	v25 =	vld [tilespmem:s9+$0xFFFFFF90]  }
0x141: {  	v32 =	vmul.f32 v32, v34;
	v42 =	vmul.f32 v43, v17;
	s9 =	sadd.s32 $0x200, s9;
	[tilespmem:s19+$0xFFFFFFE0] =	vst v29;
	v35 =	vld.idx.msk [tilespmem:v30+s0+$0x0], $0xffff  }
0x142: {  	[tilespmem:s19+$0xFFFFFFF0] =	vst v43  }
0x143: {  	[tilespmem:s19+$0xFFFFFFC0] =	vst v31  }
0x144: {  	[tilespmem:s19+$0x60] =	vst v40  }
0x145: {  	[tilespmem:s19+$0xC0] =	vst v36  }
0x146: {  	[tilespmem:s19+$0xFFFFFF60] =	vst v37  }
0x147: {  	v46 =	vmul.f32 v39, v27;
	[tilespmem:s19+$0xD0] =	vst v22  }
0x148: {  	v44 =	vmul.f32 v40, v14;
	v47 =	vmul.f32 v41, v27;
	[tilespmem:s19+$0x70] =	vst v32  }
0x149: {  	v51 =	vmul.f32 v33, v23;
	v12 =	vadd.f32 v42, v12;
	[tilespmem:s19+$0xE0] =	vst v46  }
0x14a: {  	v52 =	vmul.f32 v37, v23;
	v21 =	vadd.f32 v44, v21;
	[tilespmem:s19+$0xF0] =	vst v47  }
0x14b: {  	v54 =	vmul.f32 v29, v17;
	v5 =	vadd.f32 v51, v5;
	[tilespmem:s19+$0xFFFFFFB0] =	vst v12  }
0x14c: {  	v55 =	vmul.f32 v26, v23;
	v6 =	vadd.f32 v52, v6;
	[tilespmem:s19+$0x20] =	vst v21  }
0x14d: {  	v59 =	vmul.f32 v28, v23;
	v7 =	vadd.f32 v54, v7;
	[tilespmem:s19+$0xFFFFFF00] =	vst v5  }
0x14e: {  	v11 =	vsub.f32 v11, v20;
	v9 =	vadd.f32 v55, v9;
	[tilespmem:s19+$0xFFFFFF20] =	vst v6  }
0x14f: {  	v53 =	vmul.f32 v32, v14;
	v3 =	vadd.f32 v59, v3;
	[tilespmem:s19+$0xFFFFFFA0] =	vst v7  }
0x150: {  	v30 =	vsub.f32 v38, v24;
	v11 =	vmul.f32 v11, v34;
	[tilespmem:s19+$0xFFFFFF30] =	vst v9  }
0x151: {  	v58 =	vmul.f32 v31, v17;
	v56 =	vadd.f32 v53, v8;
	[tilespmem:s19+$0xFFFFFF10] =	vst v3  }
0x152: {  	v13 =	vsub.f32 v13, v25;
	v45 =	vmul.f32 v30, v34;
	[tilespmem:s19+$0x50] =	vst v11  }
0x153: {  	v48 =	vmul.f32 v36, v35;
	v6 =	vadd.f32 v58, v10;
	[tilespmem:s19+$0x30] =	vst v56  }
0x154: {  	v49 =	vmul.f32 v46, v35;
	v13 =	vmul.f32 v13, v18;
	[tilespmem:s19+$0x40] =	vst v45  }
0x155: {  	v50 =	vmul.f32 v47, v35;
	v19 =	vadd.f32 v48, v19;
	[tilespmem:s19+$0xFFFFFF80] =	vst v6  }
0x156: {  	v62 =	vmul.f32 v22, v35;
	v15 =	vadd.f32 v49, v15;
	[tilespmem:s19+$0xFFFFFFD0] =	vst v13  }
0x157: {  	v60 =	vmul.f32 v11, v14;
	v16 =	vadd.f32 v50, v16;
	[tilespmem:s19+$0x80] =	vst v19  }
0x158: {  	v61 =	vmul.f32 v45, v14;
	v3 =	vadd.f32 v62, v4;
	[tilespmem:s19+$0xA0] =	vst v15  }
0x159: {  	v57 =	vmul.f32 v13, v17;
	v7 =	vadd.f32 v60, v20;
	[tilespmem:s19+$0xB0] =	vst v16  }
.Ltmp2:
0x15a: {  	s9 =	sshll.u32 s13, $0xC;
	v63 =	vadd.f32 v61, v24;
	[tilespmem:s19+$0x90] =	vst v3;
	(pc) =	sbr.rel .LBB2_7-.Ltmp2, $4  }
0x15b: {  	s9 =	sadd.s32 s14, s9;
	v8 =	vadd.f32 v57, v25;
	[tilespmem:s19+$0x10] =	vst v7  }
0x15c: {  	s2 =	rddreg [dreg:$0x3];
	s9 =	sand.u32 $0x1FFFFC00, s9;
	[tilespmem:s19+$0x0] =	vst v63  }
0x15d: {  	s9 =	sadd.s32 s2, s9;
	[tilespmem:s19+$0xFFFFFF90] =	vst v8  }
0x15e: {  	[hbm4b:s9+s5] =	stream.linear.scatter [tilespmem:s7], [sflag:$0x8], $0x2000, $0x38;
	[tilespmem:$0x1C300] =	vst v63  }
.LBB2_6:
0x15f: {  	s2 =	simm.s32 $0x14000  }
0x160: {  	[tilespmem:s29], [sflag:$0x1] =	stream.indirect.gather [spmem:s3], $0x80, s2, s26, $0xb8;
	[tilespmem:$0x1C300] =	vst v63  }
.LBB2_7:
0x161: {  	_ = 	snop  }
0x162: {  	s20 =	sshll.u32 s13, $0x2  }
0x163: {  	s19 =	sor.u32 $0x1, s20  }
0x164: {  	s9 =	sshll.u32 s19, $0x6  }
0x165: {  	v7 =	vld.idx.msk [tilespmem:v0+s23+$0x0], $0xffff;
	s9 =	sand.u32 $0x3FFFFFC0, s9  }
0x166: {  	v6 =	vld [tilespmem:s9+$0x10000];
	_ =	sdelay $0x3  }
0x167: {  	v5 =	vld [tilespmem:s9+$0x10010]  }
0x168: {  	vm0 =	vlt.f32 v7, v6  }
0x169: {  	v8 =	vsel vm0, $0x1000, v1  }
0x16a: {  	v4 =	vld [tilespmem:s9+$0x10020];
	v9 =	vor.u32 $0x7FF, v8;
	_ =	sdelay $0x1  }
0x16b: {  	vm13 =	vlt.f32 v7, v5  }
0x16c: {  	v3 =	vld [tilespmem:s9+$0x10030];
	v10 =	vsel vm13, $0x1000, v1  }
0x16d: {  	v11 =	vor.u32 $0x7FF, v10  }
0x16e: {  	vm14 =	vlt.f32 v7, v4;
	v9 =	vld.idx.msk [tilespmem:v9+s23+$0x0], $0xffff  }
0x16f: {  	v12 =	vsel vm14, $0x1000, v1  }
0x170: {  	v13 =	vor.u32 $0x7FF, v12  }
0x171: {  	vm15 =	vlt.f32 v7, v3  }
0x172: {  	v7 =	vld.idx.msk [tilespmem:v11+s23+$0x0], $0xffff;
	v11 =	vsel vm15, $0x1000, v1  }
0x173: {  	v14 =	vor.u32 $0x7FF, v11;
	vm4 =	vlt.f32 v9, v6;
	v9 =	vor.u32 $0x800, v8  }
0x174: {  	v8 =	vsel vm4, v9, v8  }
0x175: {  	v9 =	vld.idx.msk [tilespmem:v13+s23+$0x0], $0xffff;
	v13 =	vor.u32 $0x3FF, v8;
	_ =	sdelay $0x1  }
0x176: {  	vm5 =	vlt.f32 v7, v5;
	v7 =	vor.u32 $0x800, v10  }
0x177: {  	v7 =	vsel vm5, v7, v10;
	v10 =	vld.idx.msk [tilespmem:v14+s23+$0x0], $0xffff;
	_ =	sdelay $0x1  }
0x178: {  	v14 =	vor.u32 $0x3FF, v7;
	vm6 =	vlt.f32 v9, v4;
	v9 =	vor.u32 $0x800, v12;
	v13 =	vld.idx.msk [tilespmem:v13+s23+$0x0], $0xffff  }
0x179: {  	v9 =	vsel vm6, v9, v12  }
0x17a: {  	v12 =	vor.u32 $0x3FF, v9  }
0x17b: {  	vm7 =	vlt.f32 v10, v3;
	v10 =	vor.u32 $0x800, v11  }
0x17c: {  	v10 =	vsel vm7, v10, v11  }
0x17d: {  	v14 =	vld.idx.msk [tilespmem:v14+s23+$0x0], $0xffff;
	v11 =	vor.u32 $0x3FF, v10;
	vm8 =	vlt.f32 v13, v6;
	v13 =	vor.u32 $0x400, v8  }
0x17e: {  	v8 =	vsel vm8, v13, v8  }
0x17f: {  	v12 =	vld.idx.msk [tilespmem:v12+s23+$0x0], $0xffff;
	v13 =	vor.u32 $0x1FF, v8;
	_ =	sdelay $0x2  }
0x180: {  	vm9 =	vlt.f32 v14, v5;
	v14 =	vor.u32 $0x400, v7;
	v11 =	vld.idx.msk [tilespmem:v11+s23+$0x0], $0xffff  }
0x181: {  	v7 =	vsel vm9, v14, v7  }
0x182: {  	v14 =	vor.u32 $0x1FF, v7;
	vm10 =	vlt.f32 v12, v4;
	v12 =	vor.u32 $0x400, v9;
	v13 =	vld.idx.msk [tilespmem:v13+s23+$0x0], $0xffff  }
0x183: {  	v9 =	vsel vm10, v12, v9  }
0x184: {  	v12 =	vor.u32 $0x1FF, v9  }
0x185: {  	vm11 =	vlt.f32 v11, v3;
	v11 =	vor.u32 $0x400, v10  }
0x186: {  	v10 =	vsel vm11, v11, v10  }
0x187: {  	v14 =	vld.idx.msk [tilespmem:v14+s23+$0x0], $0xffff;
	v11 =	vor.u32 $0x1FF, v10;
	vm12 =	vlt.f32 v13, v6;
	v13 =	vor.u32 $0x200, v8  }
0x188: {  	v8 =	vsel vm12, v13, v8  }
0x189: {  	v12 =	vld.idx.msk [tilespmem:v12+s23+$0x0], $0xffff;
	v13 =	vadd.s32 $0xFF, v8;
	_ =	sdelay $0x2  }
0x18a: {  	vm13 =	vlt.f32 v14, v5;
	v14 =	vor.u32 $0x200, v7;
	v11 =	vld.idx.msk [tilespmem:v11+s23+$0x0], $0xffff  }
0x18b: {  	v7 =	vsel vm13, v14, v7  }
0x18c: {  	v14 =	vadd.s32 $0xFF, v7;
	vm14 =	vlt.f32 v12, v4;
	v12 =	vor.u32 $0x200, v9;
	v13 =	vld.idx.msk [tilespmem:v13+s23+$0x0], $0xffff  }
0x18d: {  	v9 =	vsel vm14, v12, v9  }
0x18e: {  	v12 =	vadd.s32 $0xFF, v9  }
0x18f: {  	vm15 =	vlt.f32 v11, v3;
	v11 =	vor.u32 $0x200, v10  }
0x190: {  	v10 =	vsel vm15, v11, v10  }
0x191: {  	v14 =	vld.idx.msk [tilespmem:v14+s23+$0x0], $0xffff;
	v11 =	vadd.s32 $0xFF, v10;
	vm4 =	vlt.f32 v13, v6;
	v13 =	vadd.s32 $0x100, v8  }
0x192: {  	v8 =	vsel vm4, v13, v8  }
0x193: {  	v12 =	vld.idx.msk [tilespmem:v12+s23+$0x0], $0xffff;
	v13 =	vadd.s32 $0x7F, v8;
	_ =	sdelay $0x2  }
0x194: {  	vm5 =	vlt.f32 v14, v5;
	v14 =	vadd.s32 $0x100, v7;
	v11 =	vld.idx.msk [tilespmem:v11+s23+$0x0], $0xffff  }
0x195: {  	v7 =	vsel vm5, v14, v7  }
0x196: {  	v14 =	vadd.s32 $0x7F, v7;
	vm6 =	vlt.f32 v12, v4;
	v12 =	vadd.s32 $0x100, v9;
	v13 =	vld.idx.msk [tilespmem:v13+s23+$0x0], $0xffff  }
0x197: {  	v9 =	vsel vm6, v12, v9  }
0x198: {  	v12 =	vadd.s32 $0x7F, v9  }
0x199: {  	vm7 =	vlt.f32 v11, v3;
	v11 =	vadd.s32 $0x100, v10  }
0x19a: {  	v10 =	vsel vm7, v11, v10  }
0x19b: {  	v14 =	vld.idx.msk [tilespmem:v14+s23+$0x0], $0xffff;
	v11 =	vadd.s32 $0x7F, v10;
	vm8 =	vlt.f32 v13, v6;
	v13 =	vadd.s32 $0x80, v8  }
0x19c: {  	v8 =	vsel vm8, v13, v8  }
0x19d: {  	v12 =	vld.idx.msk [tilespmem:v12+s23+$0x0], $0xffff;
	v13 =	vadd.s32 $0x3F, v8;
	_ =	sdelay $0x2  }
0x19e: {  	vm9 =	vlt.f32 v14, v5;
	v14 =	vadd.s32 $0x80, v7;
	v11 =	vld.idx.msk [tilespmem:v11+s23+$0x0], $0xffff  }
0x19f: {  	v7 =	vsel vm9, v14, v7  }
0x1a0: {  	v14 =	vadd.s32 $0x3F, v7;
	vm10 =	vlt.f32 v12, v4;
	v12 =	vadd.s32 $0x80, v9;
	v13 =	vld.idx.msk [tilespmem:v13+s23+$0x0], $0xffff  }
0x1a1: {  	v9 =	vsel vm10, v12, v9  }
0x1a2: {  	v12 =	vadd.s32 $0x3F, v9  }
0x1a3: {  	vm11 =	vlt.f32 v11, v3;
	v11 =	vadd.s32 $0x80, v10  }
0x1a4: {  	v10 =	vsel vm11, v11, v10  }
0x1a5: {  	v14 =	vld.idx.msk [tilespmem:v14+s23+$0x0], $0xffff;
	v11 =	vadd.s32 $0x3F, v10;
	vm12 =	vlt.f32 v13, v6;
	v13 =	vadd.s32 $0x40, v8  }
0x1a6: {  	v8 =	vsel vm12, v13, v8  }
0x1a7: {  	v12 =	vld.idx.msk [tilespmem:v12+s23+$0x0], $0xffff;
	v13 =	vadd.s32 $0x1F, v8;
	_ =	sdelay $0x2  }
0x1a8: {  	vm13 =	vlt.f32 v14, v5;
	v14 =	vadd.s32 $0x40, v7;
	v11 =	vld.idx.msk [tilespmem:v11+s23+$0x0], $0xffff  }
0x1a9: {  	v7 =	vsel vm13, v14, v7  }
0x1aa: {  	v14 =	vadd.s32 $0x1F, v7;
	vm14 =	vlt.f32 v12, v4;
	v12 =	vadd.s32 $0x40, v9;
	v13 =	vld.idx.msk [tilespmem:v13+s23+$0x0], $0xffff  }
0x1ab: {  	v9 =	vsel vm14, v12, v9  }
0x1ac: {  	v12 =	vadd.s32 $0x1F, v9  }
0x1ad: {  	vm15 =	vlt.f32 v11, v3;
	v11 =	vadd.s32 $0x40, v10  }
0x1ae: {  	v10 =	vsel vm15, v11, v10  }
0x1af: {  	v14 =	vld.idx.msk [tilespmem:v14+s23+$0x0], $0xffff;
	v11 =	vadd.s32 $0x1F, v10;
	vm4 =	vlt.f32 v13, v6;
	v13 =	vadd.s32 $0x20, v8  }
0x1b0: {  	v8 =	vsel vm4, v13, v8  }
0x1b1: {  	v12 =	vld.idx.msk [tilespmem:v12+s23+$0x0], $0xffff;
	v13 =	vadd.s32 $0xF, v8;
	_ =	sdelay $0x2  }
0x1b2: {  	vm5 =	vlt.f32 v14, v5;
	v14 =	vadd.s32 $0x20, v7;
	v11 =	vld.idx.msk [tilespmem:v11+s23+$0x0], $0xffff  }
0x1b3: {  	v7 =	vsel vm5, v14, v7  }
0x1b4: {  	v14 =	vadd.s32 $0xF, v7;
	vm6 =	vlt.f32 v12, v4;
	v12 =	vadd.s32 $0x20, v9;
	v13 =	vld.idx.msk [tilespmem:v13+s23+$0x0], $0xffff  }
0x1b5: {  	v9 =	vsel vm6, v12, v9  }
0x1b6: {  	v12 =	vadd.s32 $0xF, v9  }
0x1b7: {  	vm7 =	vlt.f32 v11, v3;
	v11 =	vadd.s32 $0x20, v10  }
0x1b8: {  	v10 =	vsel vm7, v11, v10  }
0x1b9: {  	v14 =	vld.idx.msk [tilespmem:v14+s23+$0x0], $0xffff;
	v11 =	vadd.s32 $0xF, v10;
	vm8 =	vlt.f32 v13, v6;
	v13 =	vadd.s32 $0x10, v8  }
0x1ba: {  	v8 =	vsel vm8, v13, v8  }
0x1bb: {  	v12 =	vld.idx.msk [tilespmem:v12+s23+$0x0], $0xffff;
	v13 =	vadd.s32 $0x7, v8;
	_ =	sdelay $0x2  }
0x1bc: {  	vm9 =	vlt.f32 v14, v5;
	v14 =	vadd.s32 $0x10, v7;
	v11 =	vld.idx.msk [tilespmem:v11+s23+$0x0], $0xffff  }
0x1bd: {  	v7 =	vsel vm9, v14, v7  }
0x1be: {  	v14 =	vadd.s32 $0x7, v7;
	vm10 =	vlt.f32 v12, v4;
	v12 =	vadd.s32 $0x10, v9;
	v13 =	vld.idx.msk [tilespmem:v13+s23+$0x0], $0xffff  }
0x1bf: {  	v9 =	vsel vm10, v12, v9  }
0x1c0: {  	v12 =	vadd.s32 $0x7, v9  }
0x1c1: {  	vm11 =	vlt.f32 v11, v3;
	v11 =	vadd.s32 $0x10, v10  }
0x1c2: {  	v10 =	vsel vm11, v11, v10  }
0x1c3: {  	v14 =	vld.idx.msk [tilespmem:v14+s23+$0x0], $0xffff;
	v11 =	vadd.s32 $0x7, v10;
	vm12 =	vlt.f32 v13, v6;
	v13 =	vadd.s32 $0x8, v8  }
0x1c4: {  	v8 =	vsel vm12, v13, v8  }
0x1c5: {  	v12 =	vld.idx.msk [tilespmem:v12+s23+$0x0], $0xffff;
	v13 =	vadd.s32 $0x3, v8;
	_ =	sdelay $0x2  }
0x1c6: {  	vm13 =	vlt.f32 v14, v5;
	v14 =	vadd.s32 $0x8, v7;
	v11 =	vld.idx.msk [tilespmem:v11+s23+$0x0], $0xffff  }
0x1c7: {  	v7 =	vsel vm13, v14, v7  }
0x1c8: {  	v14 =	vadd.s32 $0x3, v7;
	vm14 =	vlt.f32 v12, v4;
	v12 =	vadd.s32 $0x8, v9;
	v13 =	vld.idx.msk [tilespmem:v13+s23+$0x0], $0xffff  }
0x1c9: {  	v9 =	vsel vm14, v12, v9  }
0x1ca: {  	v12 =	vadd.s32 $0x3, v9  }
0x1cb: {  	vm15 =	vlt.f32 v11, v3;
	v11 =	vadd.s32 $0x8, v10  }
0x1cc: {  	v10 =	vsel vm15, v11, v10  }
0x1cd: {  	v14 =	vld.idx.msk [tilespmem:v14+s23+$0x0], $0xffff;
	v11 =	vadd.s32 $0x3, v10;
	vm4 =	vlt.f32 v13, v6;
	v13 =	vadd.s32 $0x4, v8  }
0x1ce: {  	v8 =	vsel vm4, v13, v8  }
0x1cf: {  	v12 =	vld.idx.msk [tilespmem:v12+s23+$0x0], $0xffff;
	v13 =	vadd.s32 $0x1, v8;
	_ =	sdelay $0x2  }
0x1d0: {  	vm5 =	vlt.f32 v14, v5;
	v14 =	vadd.s32 $0x4, v7;
	v11 =	vld.idx.msk [tilespmem:v11+s23+$0x0], $0xffff  }
0x1d1: {  	v7 =	vsel vm5, v14, v7  }
0x1d2: {  	v14 =	vadd.s32 $0x1, v7;
	vm6 =	vlt.f32 v12, v4;
	v12 =	vadd.s32 $0x4, v9;
	v13 =	vld.idx.msk [tilespmem:v13+s23+$0x0], $0xffff  }
0x1d3: {  	v9 =	vsel vm6, v12, v9  }
0x1d4: {  	v12 =	vadd.s32 $0x1, v9  }
0x1d5: {  	vm7 =	vlt.f32 v11, v3;
	v11 =	vadd.s32 $0x4, v10  }
0x1d6: {  	v10 =	vsel vm7, v11, v10  }
0x1d7: {  	v14 =	vld.idx.msk [tilespmem:v14+s23+$0x0], $0xffff;
	v11 =	vadd.s32 $0x1, v10;
	vm8 =	vlt.f32 v13, v6;
	v13 =	vadd.s32 $0x2, v8  }
0x1d8: {  	v8 =	vsel vm8, v13, v8  }
0x1d9: {  	v12 =	vld.idx.msk [tilespmem:v12+s23+$0x0], $0xffff;
	_ =	sdelay $0x2  }
0x1da: {  	vm9 =	vlt.f32 v14, v5;
	v13 =	vadd.s32 $0x2, v7;
	v11 =	vld.idx.msk [tilespmem:v11+s23+$0x0], $0xffff  }
0x1db: {  	v7 =	vsel vm9, v13, v7;
	v13 =	vld.idx.msk [tilespmem:v8+s23+$0x0], $0xffff  }
0x1dc: {  	vm10 =	vlt.f32 v12, v4;
	v12 =	vadd.s32 $0x2, v9  }
0x1dd: {  	v9 =	vsel vm10, v12, v9;
	_ =	sdelay $0x1  }
0x1de: {  	vm11 =	vlt.f32 v11, v3;
	v11 =	vadd.s32 $0x2, v10  }
0x1df: {  	v12 =	vld.idx.msk [tilespmem:v7+s23+$0x0], $0xffff;
	v10 =	vsel vm11, v11, v10;
	vm12 =	vlt.f32 v13, v6  }
0x1e0: {  	v11 =	vsel vm12, $0x1, v1  }
0x1e1: {  	v13 =	vld.idx.msk [tilespmem:v9+s23+$0x0], $0xffff;
	v8 =	vadd.s32 v11, v8  }
0x1e2: {  	v11 =	vmax.u32 v8, $0x1  }
0x1e3: {  	v11 =	vsub.s32 v11, v2  }
0x1e4: {  	vm13 =	vlt.f32 v12, v5;
	v14 =	vld.idx.msk [tilespmem:v10+s23+$0x0], $0xffff  }
0x1e5: {  	v12 =	vsel vm13, $0x1, v1  }
0x1e6: {  	v7 =	vadd.s32 v12, v7;
	vm14 =	vlt.f32 v13, v4  }
0x1e7: {  	v12 =	vmax.u32 v7, $0x1;
	v13 =	vsel vm14, $0x1, v1;
	v8 =	vld.idx.msk [tilespmem:v8+s23+$0x0], $0xffff  }
0x1e8: {  	v12 =	vsub.s32 v12, v2;
	v9 =	vadd.s32 v13, v9;
	v13 =	vld.idx.msk [tilespmem:v11+s23+$0x0], $0xffff  }
0x1e9: {  	vm15 =	vlt.f32 v14, v3;
	v15 =	vmax.u32 v9, $0x1  }
0x1ea: {  	v14 =	vsub.s32 v15, v2;
	v15 =	vsel vm15, $0x1, v1  }
0x1eb: {  	v10 =	vadd.s32 v15, v10  }
0x1ec: {  	v7 =	vld.idx.msk [tilespmem:v7+s23+$0x0], $0xffff;
	v16 =	vmax.u32 v10, $0x1  }
0x1ed: {  	v15 =	vld.idx.msk [tilespmem:v12+s23+$0x0], $0xffff;
	v16 =	vsub.s32 v16, v2;
	v8 =	vsub.f32 v8, v13;
	_ =	sdelay $0x1  }
0x1ee: {  	v9 =	vld.idx.msk [tilespmem:v9+s23+$0x0], $0xffff;
	(erf) = vrcp.f32 v8  }
0x1ef: {  	v17 =	vld.idx.msk [tilespmem:v14+s23+$0x0], $0xffff  }
0x1f0: {  	v10 =	vld.idx.msk [tilespmem:v10+s23+$0x0], $0xffff  }
0x1f1: {  	v8 =	vmax.f32 v8, $9.999999930e-09;
	v7 =	vsub.f32 v7, v15;
	v18 =	vld.idx.msk [tilespmem:v16+s23+$0x0], $0xffff  }
0x1f2: {  	(erf) = vrcp.f32 v8  }
0x1f3: {  	(erf) = vrcp.f32 v7  }
0x1f4: {  	v7 =	vmax.f32 v7, $9.999999930e-09;
	v9 =	vsub.f32 v9, v17  }
0x1f5: {  	v6 =	vsub.f32 v6, v13;
	(erf) = vrcp.f32 v7  }
0x1f6: {  	(erf) = vrcp.f32 v9;
	v9 =	vmax.f32 v9, $9.999999930e-09;
	v10 =	vsub.f32 v10, v18  }
0x1f7: {  	(erf) = vrcp.f32 v9;
	v13 =	vpop (erf)  }
0x1f8: {  	(erf) = vrcp.f32 v10;
	v6 =	vmul.f32 v13, v6;
	_ =	sdelay $0x1  }
0x1f9: {  	v6 =	vmax.f32 v6, $0.0e+00  }
0x1fa: {  	v5 =	vsub.f32 v5, v15;
	v13 =	vpop (erf);
	v6 =	vmin.f32 v6, $1.000000000e+00  }
0x1fb: {  	v15 =	vpop (erf);
	v6 =	vmul.f32 v6, v8  }
0x1fc: {  	v5 =	vmul.f32 v15, v5  }
0x1fd: {  	v15 =	vpop (erf)  }
0x1fe: {  	v5 =	vmax.f32 v5, $0.0e+00;
	v8 =	vpop (erf)  }
0x1ff: {  	v3 =	vsub.f32 v3, v18;
	v10 =	vmax.f32 v10, $9.999999930e-09;
	v5 =	vmin.f32 v5, $1.000000000e+00;
	[tilespmem:$0x14140] =	vst v6;
	v6 =	vpop (erf)  }
0x200: {  	[tilespmem:$0x14040] =	vst v11;
	v4 =	vsub.f32 v4, v17;
	(erf) = vrcp.f32 v10;
	v5 =	vmul.f32 v5, v7;
	v7 =	vpop (erf)  }
0x201: {  	[tilespmem:$0x14050] =	vst v12;
	v3 =	vmul.f32 v7, v3  }
0x202: {  	[tilespmem:$0x14060] =	vst v14;
	v4 =	vmul.f32 v8, v4  }
0x203: {  	[tilespmem:$0x14070] =	vst v16;
	v3 =	vmax.f32 v3, $0.0e+00  }
0x204: {  	[tilespmem:$0x14240] =	vst v13;
	v4 =	vmax.f32 v4, $0.0e+00;
	v3 =	vmin.f32 v3, $1.000000000e+00  }
0x205: {  	[tilespmem:$0x14250] =	vst v15;
	v4 =	vmin.f32 v4, $1.000000000e+00;
	v3 =	vmul.f32 v3, v10  }
0x206: {  	[tilespmem:$0x14150] =	vst v5;
	v4 =	vmul.f32 v4, v9  }
0x207: {  	[tilespmem:$0x14260] =	vst v6  }
0x208: {  	[tilespmem:$0x14160] =	vst v4  }
0x209: {  	[tilespmem:$0x14170] =	vst v3;
	v3 =	vpop (erf)  }
0x20a: {  	s9 =	simm.s32 @!p1 $0x6;
	[tilespmem:$0x14270] =	vst v3  }
0x20b: {  	_ =	swait.ge @!p1 [sflag:s9], $0x2000  }
0x20c: {  	[sflag:s9] =	ssyncset.done @!p1 $0x0  }
0x20d: {  	[sflag:s9] =	ssyncadd.s32 @!p1 $0xFFFFE000  }
0x20e: {  	[tilespmem:s31], [sflag:$0x2] =	stream.indirect.gather [spmem:s3], $0x80, s30, s26, $0xb8;
	[tilespmem:$0x1C300] =	vst v63  }
0x20f: {  	_ =	swait.ge [sflag:s16], $0x2000  }
0x210: {  	[sflag:s16] =	ssyncset.done $0x0  }
0x211: {  	s21 =	simm.s32 $0x14400;
	[sflag:s16] =	ssyncadd.s32 $0xFFFFE000  }
0x212: {  	v13 =	vld [tilespmem:s21+$0x50]  }
0x213: {  	v14 =	vld [tilespmem:s21+$0xFFFFFF40]  }
0x214: {  	v7 =	vld [tilespmem:s21+$0xFFFFFF10]  }
0x215: {  	v15 =	vld [tilespmem:s21+$0xFFFFFF50]  }
0x216: {  	v6 =	vld [tilespmem:s21+$0xFFFFFF20]  }
0x217: {  	v20 =	vld [tilespmem:s21+$0xFFFFFF60]  }
0x218: {  	v8 =	vld [tilespmem:s21+$0xFFFFFF30]  }
0x219: {  	v21 =	vld [tilespmem:s21+$0x40]  }
0x21a: {  	v9 =	vld [tilespmem:s21+$0x10]  }
0x21b: {  	v23 =	vld [tilespmem:s21+$0xFFFFFF70]  }
0x21c: {  	v3 =	vld [tilespmem:s21+$0xFFFFFF80]  }
0x21d: {  	v24 =	vld [tilespmem:s21+$0xFFFFFFC0]  }
0x21e: {  	v27 =	vld [tilespmem:s21+$0x60]  }
0x21f: {  	v4 =	vld [tilespmem:s21+$0xFFFFFF90]  }
0x220: {  	v25 =	vld [tilespmem:s21+$0xFFFFFFD0]  }
0x221: {  	v5 =	vld [tilespmem:s21+$0xFFFFFFB0]  }
0x222: {  	s12 =	simm.s32 $0x0;
	v32 =	vld [tilespmem:s21+$0xF0]  }
0x223: {  	s18 =	simm.s32 $0x1;
	v10 =	vmov s12;
	v19 =	vld [tilespmem:s21+$0xD0]  }
0x224: {  	v11 =	vmov s18;
	v10 =	vand.u32 $0xFFFFFFFC, v10;
	v28 =	vld [tilespmem:s21+$0x70]  }
0x225: {  	v11 =	vand.u32 $0xFFFFFFFD, v11;
	v29 =	vbroadcast v10, $0x0;
	v37 =	vld [tilespmem:s21+$0xE0]  }
0x226: {  	v31 =	vbroadcast v11, $0x0;
	v11 =	vld [tilespmem:s21+$0x20]  }
0x227: {  	s28 =	simm.s32 $0x2;
	v16 =	vld [tilespmem:s21+$0xA0]  }
0x228: {  	v10 =	vmov s28;
	v18 =	vld [tilespmem:s21+$0xB0]  }
0x229: {  	s11 =	simm.s32 $0x3;
	v10 =	vand.u32 $0xFFFFFFFE, v10;
	v30 =	vld [tilespmem:s21+$0xC0]  }
0x22a: {  	v35 =	vmov s11;
	v26 =	vbroadcast v10, $0x0;
	v12 =	vld [tilespmem:s21+$0x80]  }
0x22b: {  	v36 =	vld.idx.msk [tilespmem:v29+s4+$0x0], $0xffff  }
0x22c: {  	v10 =	vld.idx.msk [tilespmem:v31+s4+$0x0], $0xffff  }
0x22d: {  	v33 =	vld [tilespmem:s21+$0xFFFFFF00]  }
0x22e: {  	v22 =	vld [tilespmem:s21+$0x30]  }
0x22f: {  	v17 =	vld.idx.msk [tilespmem:v35+s0+$0x0], $0xffff  }
0x230: {  	v43 =	vld.idx.msk [tilespmem:v26+s4+$0x0], $0xffff;
	v38 =	vsub.f32 v13, v9;
	v13 =	vsub.f32 v20, v6  }
0x231: {  	v34 =	vld [tilespmem:s21+$0x0];
	v39 =	vsub.f32 v24, v3;
	v24 =	vsub.f32 v23, v8  }
0x232: {  	v20 =	vld [tilespmem:s21+$0xFFFFFFF0];
	v15 =	vsub.f32 v15, v7;
	v14 =	vsub.f32 v14, v33;
	v23 =	vmul.f32 v13, v36  }
0x233: {  	v26 =	vld.idx.msk [tilespmem:v26+s0+$0x0], $0xffff;
	v40 =	vsub.f32 v25, v4;
	v24 =	vmul.f32 v24, v36;
	v13 =	vmul.f32 v39, v10  }
0x234: {  	v25 =	vsub.f32 v30, v12;
	v30 =	vmul.f32 v15, v36;
	v36 =	vmul.f32 v14, v36;
	v14 =	vld.idx.msk [tilespmem:v31+s0+$0x0], $0xffff  }
0x235: {  	v28 =	vsub.f32 v28, v22;
	v27 =	vsub.f32 v27, v11;
	v31 =	vld.idx.msk [tilespmem:v29+s0+$0x0], $0xffff;
	[tilespmem:s21+$0xFFFFFFC0] =	vst v13  }
0x236: {  	v44 =	vsub.f32 v21, v34;
	v15 =	vmul.f32 v40, v10;
	v39 =	vld.idx.msk [tilespmem:v35+s4+$0x0], $0xffff;
	[tilespmem:s21+$0xFFFFFF40] =	vst v36  }
0x237: {  	v29 =	vmul.f32 v27, v43;
	v35 =	vmul.f32 v28, v43;
	v28 =	vld [tilespmem:s21+$0x90];
	[tilespmem:s21+$0xFFFFFF50] =	vst v30;
	v20 =	vsub.f32 v20, v5  }
0x238: {  	v41 =	vsub.f32 v32, v18;
	v27 =	vld [tilespmem:s21+$0xFFFFFFE0];
	v40 =	vmul.f32 v38, v43;
	v43 =	vmul.f32 v44, v43;
	[tilespmem:s21+$0xFFFFFF60] =	vst v23  }
0x239: {  	s11 =	simm.s32 $0x4;
	s9 =	simm.s32 $0x14600;
	v42 =	vsub.f32 v37, v16;
	[tilespmem:s21+$0x60] =	vst v29;
	v37 =	vmul.f32 v35, v26;
	v21 =	vmul.f32 v20, v10;
	v20 =	vld [tilespmem:s21+$0xFFFFFFA0]  }
.LBB2_8:
0x23a: {  	s12 =	sadd.s32 $0x1, s11  }
0x23b: {  	v32 =	vmov s11;
	v44 =	vld [tilespmem:s9+$0x50];
	s2 =	sadd.s32 $0x3, s11;
	[tilespmem:s21+$0xFFFFFF70] =	vst v24;
	v45 =	vmul.f32 v29, v26;
	s28 =	smov.u32 s11;
	s18 =	sadd.s32 $0x4, s11  }
0x23c: {  	p2 =	slt.u32 s11, $0x3C;
	v47 =	vmul.f32 v36, v31;
	v46 =	vand.u32 $0xFFFFFFFC, v32;
	v29 =	vld [tilespmem:s9+$0xFFFFFF40];
	v32 =	vmov s12;
	s12 =	sadd.s32 $0x2, s28;
	[tilespmem:s21+$0x40] =	vst v43  }
0x23d: {  	v48 =	vld [tilespmem:s9+$0xFFFFFF10];
	v32 =	vand.u32 $0xFFFFFFFD, v32;
	v36 =	vmov s12;
	[tilespmem:s21+$0xFFFFFFD0] =	vst v15;
	v19 =	vsub.f32 v19, v28  }
0x23e: {  	v42 =	vmul.f32 v42, v39;
	v38 =	vld [tilespmem:s9+$0xFFFFFF50];
	v32 =	vbroadcast v32, $0x0;
	v36 =	vand.u32 $0xFFFFFFFE, v36;
	[tilespmem:s21+$0x70] =	vst v35  }
0x23f: {  	v41 =	vmul.f32 v41, v39;
	v33 =	vadd.f32 v47, v33;
	v49 =	vld [tilespmem:s9+$0xFFFFFF20];
	v36 =	vbroadcast v36, $0x0;
	[tilespmem:s21+$0xFFFFFFF0] =	vst v21  }
0x240: {  	v43 =	vmul.f32 v43, v26;
	v35 =	vmov s2;
	v19 =	vmul.f32 v19, v39;
	v47 =	vld [tilespmem:s9+$0xFFFFFF60];
	[tilespmem:s21+$0xE0] =	vst v42  }
0x241: {  	v22 =	vadd.f32 v37, v22;
	v51 =	vmul.f32 v41, v17;
	v42 =	vmul.f32 v42, v17;
	v50 =	vld [tilespmem:s9+$0xFFFFFF30];
	[tilespmem:s21+$0x50] =	vst v40  }
0x242: {  	v26 =	vmul.f32 v40, v26;
	v34 =	vadd.f32 v43, v34;
	v40 =	vmul.f32 v19, v17;
	v37 =	vld [tilespmem:s9+$0x40];
	[tilespmem:s21+$0xD0] =	vst v19  }
0x243: {  	v25 =	vmul.f32 v25, v39;
	v18 =	vadd.f32 v51, v18;
	v16 =	vadd.f32 v42, v16;
	v19 =	vld [tilespmem:s9+$0x10];
	[tilespmem:s21+$0xF0] =	vst v41  }
0x244: {  	v30 =	vmul.f32 v30, v31;
	v23 =	vmul.f32 v23, v31;
	v26 =	vadd.f32 v26, v9;
	v39 =	vld [tilespmem:s9+$0xFFFFFF70];
	[tilespmem:s21+$0xFFFFFF00] =	vst v33  }
0x245: {  	v11 =	vadd.f32 v45, v11;
	v17 =	vmul.f32 v25, v17;
	v41 =	vmul.f32 v24, v31;
	v33 =	vld [tilespmem:s9+$0xFFFFFF80];
	[tilespmem:s21+$0xB0] =	vst v18  }
0x246: {  	v31 =	vbroadcast v46, $0x0;
	v28 =	vadd.f32 v40, v28;
	v18 =	vadd.f32 v30, v7;
	v7 =	vmovc v48;
	v24 =	vld [tilespmem:s9+$0xFFFFFFC0];
	[tilespmem:s21+$0xA0] =	vst v16  }
0x247: {  	v12 =	vadd.f32 v17, v12;
	v16 =	vadd.f32 v41, v8;
	v8 =	vmov v50;
	v40 =	vld [tilespmem:s9+$0x60];
	[tilespmem:s21+$0xC0] =	vst v25  }
0x248: {  	v23 =	vadd.f32 v23, v6;
	v6 =	vmovc v49;
	v17 =	vld [tilespmem:s9+$0xFFFFFF90];
	v43 =	vsub.f32 v44, v19;
	[tilespmem:s21+$0x20] =	vst v11;
	v9 =	vmov v19  }
0x249: {  	v11 =	vsub.f32 v27, v20;
	v25 =	vld [tilespmem:s9+$0xFFFFFFD0];
	[tilespmem:s21+$0x0] =	vst v34  }
0x24a: {  	v27 =	vld [tilespmem:s9+$0xFFFFFFB0];
	[tilespmem:s21+$0xFFFFFF10] =	vst v18  }
0x24b: {  	v30 =	vld [tilespmem:s9+$0xF0];
	[tilespmem:s21+$0xFFFFFF30] =	vst v16  }
0x24c: {  	v10 =	vmul.f32 v11, v10;
	v19 =	vld [tilespmem:s9+$0xD0];
	[tilespmem:s21+$0x30] =	vst v22  }
0x24d: {  	v44 =	vld [tilespmem:s9+$0x70];
	[tilespmem:s21+$0xFFFFFF20] =	vst v23  }
0x24e: {  	v21 =	vmul.f32 v21, v14;
	v18 =	vmul.f32 v10, v14;
	v34 =	vld [tilespmem:s9+$0xE0];
	[tilespmem:s21+$0x80] =	vst v12  }
0x24f: {  	v12 =	vmul.f32 v13, v14;
	v13 =	vmul.f32 v15, v14;
	v11 =	vld [tilespmem:s9+$0x20];
	[tilespmem:s21+$0xFFFFFFE0] =	vst v10  }
0x250: {  	v14 =	vadd.f32 v18, v20;
	v10 =	vadd.f32 v21, v5;
	v5 =	vmov v27;
	v16 =	vld [tilespmem:s9+$0xA0];
	[tilespmem:s21+$0x10] =	vst v26  }
0x251: {  	v15 =	vsub.f32 v25, v17;
	v13 =	vadd.f32 v13, v4;
	v4 =	vmov v17;
	v18 =	vld [tilespmem:s9+$0xB0];
	[tilespmem:s21+$0x90] =	vst v28  }
0x252: {  	v17 =	vadd.f32 v12, v3;
	v3 =	vmov v33;
	v20 =	vld [tilespmem:s9+$0xC0];
	[tilespmem:s21+$0xFFFFFFB0] =	vst v10  }
0x253: {  	v21 =	vsub.f32 v24, v3;
	v12 =	vld [tilespmem:s9+$0x80];
	[tilespmem:s21+$0xFFFFFF90] =	vst v13  }
0x254: {  	v27 =	vld.idx.msk [tilespmem:v31+s4+$0x0], $0xffff;
	[tilespmem:s21+$0xFFFFFF80] =	vst v17  }
0x255: {  	v13 =	vsub.f32 v39, v8;
	v10 =	vld.idx.msk [tilespmem:v32+s4+$0x0], $0xffff;
	[tilespmem:s21+$0xFFFFFFA0] =	vst v14;
	s21 =	smov.u32 s9  }
0x256: {  	v33 =	vld [tilespmem:s9+$0xFFFFFF00]  }
0x257: {  	v14 =	vsub.f32 v47, v6;
	v22 =	vld [tilespmem:s9+$0x30]  }
0x258: {  	v41 =	vsub.f32 v30, v18;
	v17 =	vld.idx.msk [tilespmem:v35+s0+$0x0], $0xffff;
	v25 =	vsub.f32 v20, v12  }
0x259: {  	v20 =	vsub.f32 v38, v7;
	v28 =	vld [tilespmem:s9+$0xFFFFFFF0]  }
0x25a: {  	v42 =	vsub.f32 v34, v16;
	v23 =	vmul.f32 v14, v27;
	v24 =	vmul.f32 v13, v27;
	v38 =	vld.idx.msk [tilespmem:v36+s4+$0x0], $0xffff  }
0x25b: {  	v30 =	vmul.f32 v20, v27;
	v13 =	vmul.f32 v21, v10;
	v14 =	vsub.f32 v29, v33;
	v34 =	vld [tilespmem:s9+$0x0]  }
0x25c: {  	v15 =	vmul.f32 v15, v10;
	v26 =	vld.idx.msk [tilespmem:v36+s0+$0x0], $0xffff;
	v20 =	vsub.f32 v44, v22  }
0x25d: {  	v36 =	vmul.f32 v14, v27;
	v14 =	vld.idx.msk [tilespmem:v32+s0+$0x0], $0xffff  }
.Ltmp3:
0x25e: {  	v27 =	vsub.f32 v40, v11;
	v31 =	vld.idx.msk [tilespmem:v31+s0+$0x0], $0xffff;
	[tilespmem:s9+$0xFFFFFFC0] =	vst v13;
	v21 =	vsub.f32 v28, v5;
	(pc) =	sbr.rel @p2 .LBB2_8-.Ltmp3, $4  }
0x25f: {  	[tilespmem:s9+$0xFFFFFF40] =	vst v36;
	v39 =	vld.idx.msk [tilespmem:v35+s4+$0x0], $0xffff  }
0x260: {  	v29 =	vmul.f32 v27, v38;
	v35 =	vmul.f32 v20, v38;
	[tilespmem:s9+$0xFFFFFF50] =	vst v30;
	v32 =	vsub.f32 v37, v34;
	v28 =	vld [tilespmem:s9+$0x90]  }
0x261: {  	v40 =	vmul.f32 v43, v38;
	v21 =	vmul.f32 v21, v10;
	[tilespmem:s9+$0xFFFFFF60] =	vst v23;
	v27 =	vld [tilespmem:s9+$0xFFFFFFE0]  }
0x262: {  	s11 =	smov.u32 s18;
	v37 =	vmul.f32 v35, v26;
	s9 =	sadd.s32 $0x200, s9;
	v20 =	vld [tilespmem:s21+$0xFFFFFFA0];
	v43 =	vmul.f32 v32, v38;
	[tilespmem:s21+$0x60] =	vst v29  }
0x263: {  	[tilespmem:s21+$0xFFFFFF70] =	vst v24  }
0x264: {  	[tilespmem:s21+$0xFFFFFFD0] =	vst v15  }
0x265: {  	[tilespmem:s21+$0x70] =	vst v35  }
0x266: {  	[tilespmem:s21+$0xFFFFFFF0] =	vst v21  }
0x267: {  	[tilespmem:s21+$0x50] =	vst v40;
	v32 =	vmul.f32 v42, v39  }
0x268: {  	v36 =	vmul.f32 v36, v31;
	[tilespmem:s21+$0x40] =	vst v43;
	v52 =	vmul.f32 v41, v39  }
0x269: {  	v29 =	vmul.f32 v29, v26;
	v25 =	vmul.f32 v25, v39;
	[tilespmem:s21+$0xE0] =	vst v32  }
0x26a: {  	v24 =	vmul.f32 v24, v31;
	v33 =	vadd.f32 v36, v33;
	[tilespmem:s21+$0xF0] =	vst v52  }
0x26b: {  	v19 =	vsub.f32 v19, v28;
	v11 =	vadd.f32 v29, v11;
	[tilespmem:s21+$0xC0] =	vst v25  }
0x26c: {  	v8 =	vadd.f32 v24, v8;
	v38 =	vmul.f32 v52, v17;
	[tilespmem:s21+$0xFFFFFF00] =	vst v33  }
0x26d: {  	v32 =	vmul.f32 v32, v17;
	v19 =	vmul.f32 v19, v39;
	[tilespmem:s21+$0x20] =	vst v11  }
0x26e: {  	v11 =	vmul.f32 v23, v31;
	[tilespmem:s21+$0xFFFFFF30] =	vst v8;
	v18 =	vadd.f32 v38, v18  }
0x26f: {  	v53 =	vmul.f32 v43, v26;
	v16 =	vadd.f32 v32, v16;
	[tilespmem:s21+$0xD0] =	vst v19  }
0x270: {  	v8 =	vmul.f32 v40, v26;
	v6 =	vadd.f32 v11, v6;
	[tilespmem:s21+$0xB0] =	vst v18  }
0x271: {  	v18 =	vmul.f32 v30, v31;
	[tilespmem:s21+$0xA0] =	vst v16;
	v16 =	vadd.f32 v53, v34  }
0x272: {  	[tilespmem:s21+$0xFFFFFF20] =	vst v6;
	v6 =	vadd.f32 v8, v9  }
0x273: {  	v8 =	vmul.f32 v21, v14;
	v7 =	vadd.f32 v18, v7;
	[tilespmem:s21+$0x0] =	vst v16  }
0x274: {  	v16 =	vadd.f32 v37, v22;
	v18 =	vmul.f32 v25, v17;
	[tilespmem:s21+$0x10] =	vst v6  }
0x275: {  	v5 =	vadd.f32 v8, v5;
	[tilespmem:s21+$0xFFFFFF10] =	vst v7;
	v7 =	vsub.f32 v27, v20  }
0x276: {  	v11 =	vadd.f32 v18, v12;
	[tilespmem:s21+$0x30] =	vst v16;
	v12 =	vmul.f32 v19, v17  }
0x277: {  	[tilespmem:s21+$0xFFFFFFB0] =	vst v5;
	v7 =	vmul.f32 v7, v10;
	v10 =	vmul.f32 v15, v14  }
0x278: {  	[tilespmem:s21+$0x80] =	vst v11;
	v9 =	vadd.f32 v12, v28;
	v11 =	vmul.f32 v13, v14  }
0x279: {  	[tilespmem:s21+$0xFFFFFFE0] =	vst v7;
	v6 =	vmul.f32 v7, v14;
	v4 =	vadd.f32 v10, v4  }
0x27a: {  	[tilespmem:s21+$0x90] =	vst v9;
	v3 =	vadd.f32 v11, v3  }
0x27b: {  	v5 =	vadd.f32 v6, v20;
	[tilespmem:s21+$0xFFFFFF90] =	vst v4  }
0x27c: {  	s2 =	sshll.u32 s13, $0xC;
	s20 =	sor.u32 $0x2, s20;
	[tilespmem:s21+$0xFFFFFF80] =	vst v3  }
0x27d: {  	s2 =	sadd.s32 s2, s10;
	s11 =	sshll.u32 s20, $0x6;
	[tilespmem:s21+$0xFFFFFFA0] =	vst v5  }
0x27e: {  	[hbm4b:s2+s5] =	stream.linear.scatter [tilespmem:s29], [sflag:$0x5], $0x2000, $0x38;
	[tilespmem:$0x1C300] =	vst v63  }
0x27f: {  	s2 =	sand.u32 $0x3FFFFFC0, s11  }
0x280: {  	v6 =	vld [tilespmem:s2+$0x10000]  }
0x281: {  	v7 =	vld.idx.msk [tilespmem:v0+s23+$0x0], $0xffff;
	_ =	sdelay $0x3  }
0x282: {  	v5 =	vld [tilespmem:s2+$0x10010]  }
0x283: {  	vm0 =	vlt.f32 v7, v6  }
0x284: {  	v8 =	vsel vm0, $0x1000, v1  }
0x285: {  	v4 =	vld [tilespmem:s2+$0x10020];
	v9 =	vor.u32 $0x7FF, v8;
	_ =	sdelay $0x1  }
0x286: {  	vm13 =	vlt.f32 v7, v5  }
0x287: {  	v3 =	vld [tilespmem:s2+$0x10030];
	v10 =	vsel vm13, $0x1000, v1  }
0x288: {  	v11 =	vor.u32 $0x7FF, v10  }
0x289: {  	vm14 =	vlt.f32 v7, v4;
	v9 =	vld.idx.msk [tilespmem:v9+s23+$0x0], $0xffff  }
0x28a: {  	v12 =	vsel vm14, $0x1000, v1  }
0x28b: {  	v13 =	vor.u32 $0x7FF, v12  }
0x28c: {  	vm15 =	vlt.f32 v7, v3  }
0x28d: {  	v7 =	vld.idx.msk [tilespmem:v11+s23+$0x0], $0xffff;
	v11 =	vsel vm15, $0x1000, v1  }
0x28e: {  	v14 =	vor.u32 $0x7FF, v11;
	vm4 =	vlt.f32 v9, v6;
	v9 =	vor.u32 $0x800, v8  }
0x28f: {  	v8 =	vsel vm4, v9, v8  }
0x290: {  	v9 =	vld.idx.msk [tilespmem:v13+s23+$0x0], $0xffff;
	v13 =	vor.u32 $0x3FF, v8;
	_ =	sdelay $0x1  }
0x291: {  	vm5 =	vlt.f32 v7, v5;
	v7 =	vor.u32 $0x800, v10  }
0x292: {  	v7 =	vsel vm5, v7, v10;
	v10 =	vld.idx.msk [tilespmem:v14+s23+$0x0], $0xffff;
	_ =	sdelay $0x1  }
0x293: {  	v14 =	vor.u32 $0x3FF, v7;
	vm6 =	vlt.f32 v9, v4;
	v9 =	vor.u32 $0x800, v12;
	v13 =	vld.idx.msk [tilespmem:v13+s23+$0x0], $0xffff  }
0x294: {  	v9 =	vsel vm6, v9, v12  }
0x295: {  	v12 =	vor.u32 $0x3FF, v9  }
0x296: {  	vm7 =	vlt.f32 v10, v3;
	v10 =	vor.u32 $0x800, v11  }
0x297: {  	v10 =	vsel vm7, v10, v11  }
0x298: {  	v14 =	vld.idx.msk [tilespmem:v14+s23+$0x0], $0xffff;
	v11 =	vor.u32 $0x3FF, v10;
	vm8 =	vlt.f32 v13, v6;
	v13 =	vor.u32 $0x400, v8  }
0x299: {  	v8 =	vsel vm8, v13, v8  }
0x29a: {  	v12 =	vld.idx.msk [tilespmem:v12+s23+$0x0], $0xffff;
	v13 =	vor.u32 $0x1FF, v8;
	_ =	sdelay $0x2  }
0x29b: {  	vm9 =	vlt.f32 v14, v5;
	v14 =	vor.u32 $0x400, v7;
	v11 =	vld.idx.msk [tilespmem:v11+s23+$0x0], $0xffff  }
0x29c: {  	v7 =	vsel vm9, v14, v7  }
0x29d: {  	v14 =	vor.u32 $0x1FF, v7;
	vm10 =	vlt.f32 v12, v4;
	v12 =	vor.u32 $0x400, v9;
	v13 =	vld.idx.msk [tilespmem:v13+s23+$0x0], $0xffff  }
0x29e: {  	v9 =	vsel vm10, v12, v9  }
0x29f: {  	v12 =	vor.u32 $0x1FF, v9  }
0x2a0: {  	vm11 =	vlt.f32 v11, v3;
	v11 =	vor.u32 $0x400, v10  }
0x2a1: {  	v10 =	vsel vm11, v11, v10  }
0x2a2: {  	v14 =	vld.idx.msk [tilespmem:v14+s23+$0x0], $0xffff;
	v11 =	vor.u32 $0x1FF, v10;
	vm12 =	vlt.f32 v13, v6;
	v13 =	vor.u32 $0x200, v8  }
0x2a3: {  	v8 =	vsel vm12, v13, v8  }
0x2a4: {  	v12 =	vld.idx.msk [tilespmem:v12+s23+$0x0], $0xffff;
	v13 =	vadd.s32 $0xFF, v8;
	_ =	sdelay $0x2  }
0x2a5: {  	vm13 =	vlt.f32 v14, v5;
	v14 =	vor.u32 $0x200, v7;
	v11 =	vld.idx.msk [tilespmem:v11+s23+$0x0], $0xffff  }
0x2a6: {  	v7 =	vsel vm13, v14, v7  }
0x2a7: {  	v14 =	vadd.s32 $0xFF, v7;
	vm14 =	vlt.f32 v12, v4;
	v12 =	vor.u32 $0x200, v9;
	v13 =	vld.idx.msk [tilespmem:v13+s23+$0x0], $0xffff  }
0x2a8: {  	v9 =	vsel vm14, v12, v9  }
0x2a9: {  	v12 =	vadd.s32 $0xFF, v9  }
0x2aa: {  	vm15 =	vlt.f32 v11, v3;
	v11 =	vor.u32 $0x200, v10  }
0x2ab: {  	v10 =	vsel vm15, v11, v10  }
0x2ac: {  	v14 =	vld.idx.msk [tilespmem:v14+s23+$0x0], $0xffff;
	v11 =	vadd.s32 $0xFF, v10;
	vm4 =	vlt.f32 v13, v6;
	v13 =	vadd.s32 $0x100, v8  }
0x2ad: {  	v8 =	vsel vm4, v13, v8  }
0x2ae: {  	v12 =	vld.idx.msk [tilespmem:v12+s23+$0x0], $0xffff;
	v13 =	vadd.s32 $0x7F, v8;
	_ =	sdelay $0x2  }
0x2af: {  	vm5 =	vlt.f32 v14, v5;
	v14 =	vadd.s32 $0x100, v7;
	v11 =	vld.idx.msk [tilespmem:v11+s23+$0x0], $0xffff  }
0x2b0: {  	v7 =	vsel vm5, v14, v7  }
0x2b1: {  	v14 =	vadd.s32 $0x7F, v7;
	vm6 =	vlt.f32 v12, v4;
	v12 =	vadd.s32 $0x100, v9;
	v13 =	vld.idx.msk [tilespmem:v13+s23+$0x0], $0xffff  }
0x2b2: {  	v9 =	vsel vm6, v12, v9  }
0x2b3: {  	v12 =	vadd.s32 $0x7F, v9  }
0x2b4: {  	vm7 =	vlt.f32 v11, v3;
	v11 =	vadd.s32 $0x100, v10  }
0x2b5: {  	v10 =	vsel vm7, v11, v10  }
0x2b6: {  	v14 =	vld.idx.msk [tilespmem:v14+s23+$0x0], $0xffff;
	v11 =	vadd.s32 $0x7F, v10;
	vm8 =	vlt.f32 v13, v6;
	v13 =	vadd.s32 $0x80, v8  }
0x2b7: {  	v8 =	vsel vm8, v13, v8  }
0x2b8: {  	v12 =	vld.idx.msk [tilespmem:v12+s23+$0x0], $0xffff;
	v13 =	vadd.s32 $0x3F, v8;
	_ =	sdelay $0x2  }
0x2b9: {  	vm9 =	vlt.f32 v14, v5;
	v14 =	vadd.s32 $0x80, v7;
	v11 =	vld.idx.msk [tilespmem:v11+s23+$0x0], $0xffff  }
0x2ba: {  	v7 =	vsel vm9, v14, v7  }
0x2bb: {  	v14 =	vadd.s32 $0x3F, v7;
	vm10 =	vlt.f32 v12, v4;
	v12 =	vadd.s32 $0x80, v9;
	v13 =	vld.idx.msk [tilespmem:v13+s23+$0x0], $0xffff  }
0x2bc: {  	v9 =	vsel vm10, v12, v9  }
0x2bd: {  	v12 =	vadd.s32 $0x3F, v9  }
0x2be: {  	vm11 =	vlt.f32 v11, v3;
	v11 =	vadd.s32 $0x80, v10  }
0x2bf: {  	v10 =	vsel vm11, v11, v10  }
0x2c0: {  	v14 =	vld.idx.msk [tilespmem:v14+s23+$0x0], $0xffff;
	v11 =	vadd.s32 $0x3F, v10;
	vm12 =	vlt.f32 v13, v6;
	v13 =	vadd.s32 $0x40, v8  }
0x2c1: {  	v8 =	vsel vm12, v13, v8  }
0x2c2: {  	v12 =	vld.idx.msk [tilespmem:v12+s23+$0x0], $0xffff;
	v13 =	vadd.s32 $0x1F, v8;
	_ =	sdelay $0x2  }
0x2c3: {  	vm13 =	vlt.f32 v14, v5;
	v14 =	vadd.s32 $0x40, v7;
	v11 =	vld.idx.msk [tilespmem:v11+s23+$0x0], $0xffff  }
0x2c4: {  	v7 =	vsel vm13, v14, v7  }
0x2c5: {  	v14 =	vadd.s32 $0x1F, v7;
	vm14 =	vlt.f32 v12, v4;
	v12 =	vadd.s32 $0x40, v9;
	v13 =	vld.idx.msk [tilespmem:v13+s23+$0x0], $0xffff  }
0x2c6: {  	v9 =	vsel vm14, v12, v9  }
0x2c7: {  	v12 =	vadd.s32 $0x1F, v9  }
0x2c8: {  	vm15 =	vlt.f32 v11, v3;
	v11 =	vadd.s32 $0x40, v10  }
0x2c9: {  	v10 =	vsel vm15, v11, v10  }
0x2ca: {  	v14 =	vld.idx.msk [tilespmem:v14+s23+$0x0], $0xffff;
	v11 =	vadd.s32 $0x1F, v10;
	vm4 =	vlt.f32 v13, v6;
	v13 =	vadd.s32 $0x20, v8  }
0x2cb: {  	v8 =	vsel vm4, v13, v8  }
0x2cc: {  	v12 =	vld.idx.msk [tilespmem:v12+s23+$0x0], $0xffff;
	v13 =	vadd.s32 $0xF, v8;
	_ =	sdelay $0x2  }
0x2cd: {  	vm5 =	vlt.f32 v14, v5;
	v14 =	vadd.s32 $0x20, v7;
	v11 =	vld.idx.msk [tilespmem:v11+s23+$0x0], $0xffff  }
0x2ce: {  	v7 =	vsel vm5, v14, v7  }
0x2cf: {  	v14 =	vadd.s32 $0xF, v7;
	vm6 =	vlt.f32 v12, v4;
	v12 =	vadd.s32 $0x20, v9;
	v13 =	vld.idx.msk [tilespmem:v13+s23+$0x0], $0xffff  }
0x2d0: {  	v9 =	vsel vm6, v12, v9  }
0x2d1: {  	v12 =	vadd.s32 $0xF, v9  }
0x2d2: {  	vm7 =	vlt.f32 v11, v3;
	v11 =	vadd.s32 $0x20, v10  }
0x2d3: {  	v10 =	vsel vm7, v11, v10  }
0x2d4: {  	v14 =	vld.idx.msk [tilespmem:v14+s23+$0x0], $0xffff;
	v11 =	vadd.s32 $0xF, v10;
	vm8 =	vlt.f32 v13, v6;
	v13 =	vadd.s32 $0x10, v8  }
0x2d5: {  	v8 =	vsel vm8, v13, v8  }
0x2d6: {  	v12 =	vld.idx.msk [tilespmem:v12+s23+$0x0], $0xffff;
	v13 =	vadd.s32 $0x7, v8;
	_ =	sdelay $0x2  }
0x2d7: {  	vm9 =	vlt.f32 v14, v5;
	v14 =	vadd.s32 $0x10, v7;
	v11 =	vld.idx.msk [tilespmem:v11+s23+$0x0], $0xffff  }
0x2d8: {  	v7 =	vsel vm9, v14, v7  }
0x2d9: {  	v14 =	vadd.s32 $0x7, v7;
	vm10 =	vlt.f32 v12, v4;
	v12 =	vadd.s32 $0x10, v9;
	v13 =	vld.idx.msk [tilespmem:v13+s23+$0x0], $0xffff  }
0x2da: {  	v9 =	vsel vm10, v12, v9  }
0x2db: {  	v12 =	vadd.s32 $0x7, v9  }
0x2dc: {  	vm11 =	vlt.f32 v11, v3;
	v11 =	vadd.s32 $0x10, v10  }
0x2dd: {  	v10 =	vsel vm11, v11, v10  }
0x2de: {  	v14 =	vld.idx.msk [tilespmem:v14+s23+$0x0], $0xffff;
	v11 =	vadd.s32 $0x7, v10;
	vm12 =	vlt.f32 v13, v6;
	v13 =	vadd.s32 $0x8, v8  }
0x2df: {  	v8 =	vsel vm12, v13, v8  }
0x2e0: {  	v12 =	vld.idx.msk [tilespmem:v12+s23+$0x0], $0xffff;
	v13 =	vadd.s32 $0x3, v8;
	_ =	sdelay $0x2  }
0x2e1: {  	vm13 =	vlt.f32 v14, v5;
	v14 =	vadd.s32 $0x8, v7;
	v11 =	vld.idx.msk [tilespmem:v11+s23+$0x0], $0xffff  }
0x2e2: {  	v7 =	vsel vm13, v14, v7  }
0x2e3: {  	v14 =	vadd.s32 $0x3, v7;
	vm14 =	vlt.f32 v12, v4;
	v12 =	vadd.s32 $0x8, v9;
	v13 =	vld.idx.msk [tilespmem:v13+s23+$0x0], $0xffff  }
0x2e4: {  	v9 =	vsel vm14, v12, v9  }
0x2e5: {  	v12 =	vadd.s32 $0x3, v9  }
0x2e6: {  	vm15 =	vlt.f32 v11, v3;
	v11 =	vadd.s32 $0x8, v10  }
0x2e7: {  	v10 =	vsel vm15, v11, v10  }
0x2e8: {  	v14 =	vld.idx.msk [tilespmem:v14+s23+$0x0], $0xffff;
	v11 =	vadd.s32 $0x3, v10;
	vm4 =	vlt.f32 v13, v6;
	v13 =	vadd.s32 $0x4, v8  }
0x2e9: {  	v8 =	vsel vm4, v13, v8  }
0x2ea: {  	v12 =	vld.idx.msk [tilespmem:v12+s23+$0x0], $0xffff;
	v13 =	vadd.s32 $0x1, v8;
	_ =	sdelay $0x2  }
0x2eb: {  	vm5 =	vlt.f32 v14, v5;
	v14 =	vadd.s32 $0x4, v7;
	v11 =	vld.idx.msk [tilespmem:v11+s23+$0x0], $0xffff  }
0x2ec: {  	v7 =	vsel vm5, v14, v7  }
0x2ed: {  	v14 =	vadd.s32 $0x1, v7;
	vm6 =	vlt.f32 v12, v4;
	v12 =	vadd.s32 $0x4, v9;
	v13 =	vld.idx.msk [tilespmem:v13+s23+$0x0], $0xffff  }
0x2ee: {  	v9 =	vsel vm6, v12, v9  }
0x2ef: {  	v12 =	vadd.s32 $0x1, v9  }
0x2f0: {  	vm7 =	vlt.f32 v11, v3;
	v11 =	vadd.s32 $0x4, v10  }
0x2f1: {  	v10 =	vsel vm7, v11, v10  }
0x2f2: {  	v14 =	vld.idx.msk [tilespmem:v14+s23+$0x0], $0xffff;
	v11 =	vadd.s32 $0x1, v10;
	vm8 =	vlt.f32 v13, v6;
	v13 =	vadd.s32 $0x2, v8  }
0x2f3: {  	v8 =	vsel vm8, v13, v8  }
0x2f4: {  	v12 =	vld.idx.msk [tilespmem:v12+s23+$0x0], $0xffff;
	_ =	sdelay $0x2  }
0x2f5: {  	vm9 =	vlt.f32 v14, v5;
	v13 =	vadd.s32 $0x2, v7;
	v11 =	vld.idx.msk [tilespmem:v11+s23+$0x0], $0xffff  }
0x2f6: {  	v7 =	vsel vm9, v13, v7;
	v13 =	vld.idx.msk [tilespmem:v8+s23+$0x0], $0xffff  }
0x2f7: {  	vm10 =	vlt.f32 v12, v4;
	v12 =	vadd.s32 $0x2, v9  }
0x2f8: {  	v9 =	vsel vm10, v12, v9;
	_ =	sdelay $0x1  }
0x2f9: {  	vm11 =	vlt.f32 v11, v3;
	v11 =	vadd.s32 $0x2, v10  }
0x2fa: {  	v12 =	vld.idx.msk [tilespmem:v7+s23+$0x0], $0xffff;
	v10 =	vsel vm11, v11, v10;
	vm12 =	vlt.f32 v13, v6  }
0x2fb: {  	v11 =	vsel vm12, $0x1, v1  }
0x2fc: {  	v13 =	vld.idx.msk [tilespmem:v9+s23+$0x0], $0xffff;
	v8 =	vadd.s32 v11, v8  }
0x2fd: {  	v11 =	vmax.u32 v8, $0x1  }
0x2fe: {  	v11 =	vsub.s32 v11, v2  }
0x2ff: {  	vm13 =	vlt.f32 v12, v5;
	v14 =	vld.idx.msk [tilespmem:v10+s23+$0x0], $0xffff  }
0x300: {  	v12 =	vsel vm13, $0x1, v1  }
0x301: {  	v7 =	vadd.s32 v12, v7;
	vm14 =	vlt.f32 v13, v4  }
0x302: {  	v12 =	vmax.u32 v7, $0x1;
	v13 =	vsel vm14, $0x1, v1;
	v8 =	vld.idx.msk [tilespmem:v8+s23+$0x0], $0xffff  }
0x303: {  	v12 =	vsub.s32 v12, v2;
	v9 =	vadd.s32 v13, v9;
	v13 =	vld.idx.msk [tilespmem:v11+s23+$0x0], $0xffff  }
0x304: {  	vm15 =	vlt.f32 v14, v3;
	v15 =	vmax.u32 v9, $0x1  }
0x305: {  	v14 =	vsub.s32 v15, v2;
	v15 =	vsel vm15, $0x1, v1  }
0x306: {  	v10 =	vadd.s32 v15, v10  }
0x307: {  	v7 =	vld.idx.msk [tilespmem:v7+s23+$0x0], $0xffff;
	v16 =	vmax.u32 v10, $0x1  }
0x308: {  	v15 =	vld.idx.msk [tilespmem:v12+s23+$0x0], $0xffff;
	v16 =	vsub.s32 v16, v2;
	v8 =	vsub.f32 v8, v13;
	_ =	sdelay $0x1  }
0x309: {  	v9 =	vld.idx.msk [tilespmem:v9+s23+$0x0], $0xffff;
	(erf) = vrcp.f32 v8  }
0x30a: {  	v17 =	vld.idx.msk [tilespmem:v14+s23+$0x0], $0xffff  }
0x30b: {  	v10 =	vld.idx.msk [tilespmem:v10+s23+$0x0], $0xffff  }
0x30c: {  	v8 =	vmax.f32 v8, $9.999999930e-09;
	v7 =	vsub.f32 v7, v15;
	v18 =	vld.idx.msk [tilespmem:v16+s23+$0x0], $0xffff  }
0x30d: {  	(erf) = vrcp.f32 v8  }
0x30e: {  	(erf) = vrcp.f32 v7  }
0x30f: {  	v7 =	vmax.f32 v7, $9.999999930e-09;
	v9 =	vsub.f32 v9, v17  }
0x310: {  	v6 =	vsub.f32 v6, v13;
	(erf) = vrcp.f32 v7  }
0x311: {  	(erf) = vrcp.f32 v9;
	v9 =	vmax.f32 v9, $9.999999930e-09;
	v10 =	vsub.f32 v10, v18  }
0x312: {  	(erf) = vrcp.f32 v9;
	v13 =	vpop (erf)  }
0x313: {  	(erf) = vrcp.f32 v10;
	v6 =	vmul.f32 v13, v6;
	_ =	sdelay $0x1  }
0x314: {  	v6 =	vmax.f32 v6, $0.0e+00  }
0x315: {  	v5 =	vsub.f32 v5, v15;
	v13 =	vpop (erf);
	v6 =	vmin.f32 v6, $1.000000000e+00  }
0x316: {  	v15 =	vpop (erf);
	v6 =	vmul.f32 v6, v8  }
0x317: {  	v5 =	vmul.f32 v15, v5  }
0x318: {  	v15 =	vpop (erf)  }
0x319: {  	v5 =	vmax.f32 v5, $0.0e+00;
	v8 =	vpop (erf)  }
0x31a: {  	v3 =	vsub.f32 v3, v18;
	v10 =	vmax.f32 v10, $9.999999930e-09;
	v5 =	vmin.f32 v5, $1.000000000e+00;
	[tilespmem:$0x14180] =	vst v6;
	v6 =	vpop (erf)  }
0x31b: {  	[tilespmem:$0x14080] =	vst v11;
	v4 =	vsub.f32 v4, v17;
	(erf) = vrcp.f32 v10;
	v5 =	vmul.f32 v5, v7;
	v7 =	vpop (erf)  }
0x31c: {  	[tilespmem:$0x14090] =	vst v12;
	v3 =	vmul.f32 v7, v3  }
0x31d: {  	[tilespmem:$0x140A0] =	vst v14;
	v4 =	vmul.f32 v8, v4  }
0x31e: {  	[tilespmem:$0x140B0] =	vst v16;
	v3 =	vmax.f32 v3, $0.0e+00  }
0x31f: {  	[tilespmem:$0x14280] =	vst v13;
	v4 =	vmax.f32 v4, $0.0e+00;
	v3 =	vmin.f32 v3, $1.000000000e+00  }
0x320: {  	[tilespmem:$0x14290] =	vst v15;
	v4 =	vmin.f32 v4, $1.000000000e+00;
	v3 =	vmul.f32 v3, v10  }
0x321: {  	[tilespmem:$0x14190] =	vst v5;
	v4 =	vmul.f32 v4, v9  }
0x322: {  	[tilespmem:$0x142A0] =	vst v6  }
0x323: {  	[tilespmem:$0x141A0] =	vst v4  }
0x324: {  	[tilespmem:$0x141B0] =	vst v3;
	v3 =	vpop (erf)  }
0x325: {  	s2 =	simm.s32 @!p1 $0x7;
	[tilespmem:$0x142B0] =	vst v3  }
0x326: {  	_ =	swait.ge @!p1 [sflag:s2], $0x2000  }
0x327: {  	[sflag:s2] =	ssyncset.done @!p1 $0x0  }
0x328: {  	[sflag:s2] =	ssyncadd.s32 @!p1 $0xFFFFE000  }
0x329: {  	[tilespmem:s17], [sflag:$0x3] =	stream.indirect.gather [spmem:s3], $0x80, s1, s26, $0xb8;
	[tilespmem:$0x1C300] =	vst v63  }
0x32a: {  	_ =	swait.ge [sflag:s22], $0x2000  }
0x32b: {  	[sflag:s22] =	ssyncset.done $0x0  }
0x32c: {  	s21 =	simm.s32 $0x16400;
	[sflag:s22] =	ssyncadd.s32 $0xFFFFE000  }
0x32d: {  	v11 =	vld [tilespmem:s21+$0x50]  }
0x32e: {  	v4 =	vld [tilespmem:s21+$0xFFFFFF00]  }
0x32f: {  	v14 =	vld [tilespmem:s21+$0xFFFFFF40]  }
0x330: {  	v12 =	vld [tilespmem:s21+$0xFFFFFFB0]  }
0x331: {  	v3 =	vld [tilespmem:s21+$0xFFFFFF10]  }
0x332: {  	v20 =	vld [tilespmem:s21+$0xFFFFFF50]  }
0x333: {  	v24 =	vld [tilespmem:s21+$0x60]  }
0x334: {  	v25 =	vld [tilespmem:s21+$0xF0]  }
0x335: {  	v6 =	vld [tilespmem:s21+$0xFFFFFF20]  }
0x336: {  	v22 =	vld [tilespmem:s21+$0xFFFFFF60]  }
0x337: {  	v17 =	vld [tilespmem:s21+$0xD0]  }
0x338: {  	v9 =	vld [tilespmem:s21+$0xFFFFFF30]  }
0x339: {  	v23 =	vld [tilespmem:s21+$0xFFFFFF70]  }
0x33a: {  	v10 =	vld [tilespmem:s21+$0xFFFFFF80]  }
0x33b: {  	v5 =	vld [tilespmem:s21+$0x90]  }
0x33c: {  	v18 =	vld [tilespmem:s21+$0xFFFFFFC0]  }
0x33d: {  	v26 =	vld [tilespmem:s21+$0x70]  }
0x33e: {  	v7 =	vld [tilespmem:s21+$0xFFFFFFA0]  }
0x33f: {  	v13 =	vld [tilespmem:s21+$0xFFFFFFD0]  }
0x340: {  	s12 =	simm.s32 $0x40;
	v8 =	vld [tilespmem:s21+$0x30]  }
0x341: {  	s18 =	simm.s32 $0x41;
	v15 =	vmov s12;
	v29 =	vld [tilespmem:s21+$0xE0]  }
0x342: {  	s28 =	simm.s32 $0x42;
	v16 =	vmov s18;
	v15 =	vand.u32 $0xFFFFFFFC, v15;
	v28 =	vld [tilespmem:s21+$0xFFFFFFE0]  }
0x343: {  	v30 =	vbroadcast v15, $0x0;
	v15 =	vand.u32 $0xFFFFFFFD, v16;
	v16 =	vmov s28;
	v31 =	vld [tilespmem:s21+$0xFFFFFFF0]  }
0x344: {  	s9 =	simm.s32 $0x43;
	v54 =	vbroadcast v15, $0x0;
	v15 =	vand.u32 $0xFFFFFFFE, v16;
	v21 =	vld [tilespmem:s21+$0x20]  }
0x345: {  	v55 =	vmov s9;
	v57 =	vbroadcast v15, $0x0;
	v56 =	vld [tilespmem:s21+$0xC0]  }
0x346: {  	v15 =	vld [tilespmem:s21+$0xA0]  }
0x347: {  	v16 =	vld [tilespmem:s21+$0xB0]  }
0x348: {  	v19 =	vld [tilespmem:s21+$0x80]  }
0x349: {  	v58 =	vld.idx.msk [tilespmem:v30+s4+$0x0], $0xffff  }
0x34a: {  	v27 =	vld.idx.msk [tilespmem:v55+s4+$0x0], $0xffff  }
0x34b: {  	v34 =	vld.idx.msk [tilespmem:v57+s4+$0x0], $0xffff;
	v59 =	vsub.f32 v17, v5;
	v60 =	vsub.f32 v18, v10  }
0x34c: {  	v35 =	vld.idx.msk [tilespmem:v55+s0+$0x0], $0xffff;
	v44 =	vsub.f32 v26, v8;
	v23 =	vsub.f32 v23, v9  }
0x34d: {  	v18 =	vld.idx.msk [tilespmem:v54+s4+$0x0], $0xffff;
	v61 =	vsub.f32 v28, v7;
	v26 =	vsub.f32 v14, v4  }
0x34e: {  	v17 =	vld.idx.msk [tilespmem:v54+s0+$0x0], $0xffff;
	v62 =	vsub.f32 v22, v6;
	v22 =	vsub.f32 v56, v19  }
0x34f: {  	v14 =	vld.idx.msk [tilespmem:v57+s0+$0x0], $0xffff;
	v20 =	vsub.f32 v20, v3;
	v33 =	vmul.f32 v26, v58;
	v26 =	vmul.f32 v23, v58  }
0x350: {  	v23 =	vld.idx.msk [tilespmem:v30+s0+$0x0], $0xffff;
	v30 =	vsub.f32 v31, v12;
	v36 =	vmul.f32 v22, v27;
	v22 =	vmul.f32 v59, v27  }
0x351: {  	v38 =	vld [tilespmem:s21+$0x40];
	v63 =	vsub.f32 v24, v21;
	v28 =	vmul.f32 v20, v58;
	v37 =	vmul.f32 v62, v58;
	[tilespmem:s21+$0xFFFFFF70] =	vst v26  }
0x352: {  	v39 =	vsub.f32 v29, v15;
	v20 =	vld [tilespmem:s21+$0x10];
	[tilespmem:s21+$0xFFFFFF40] =	vst v33;
	v29 =	vmul.f32 v61, v18;
	v43 =	vmul.f32 v30, v18  }
0x353: {  	v24 =	vld [tilespmem:s21+$0x0];
	v40 =	vmul.f32 v63, v34;
	[tilespmem:s21+$0xFFFFFF50] =	vst v28;
	v31 =	vmul.f32 v60, v18  }
0x354: {  	s9 =	simm.s32 $0x0;
	s11 =	simm.s32 $0x16600;
	v41 =	vsub.f32 v25, v16;
	v25 =	vld [tilespmem:s21+$0xFFFFFF90];
	v32 =	vmul.f32 v44, v34;
	[tilespmem:s21+$0xFFFFFFE0] =	vst v29;
	v42 =	vmul.f32 v43, v17  }
.LBB2_10:
0x355: {  	s2 =	sadd.s32 $0x44, s9;
	s12 =	sadd.s32 $0x45, s9;
	v30 =	vld [tilespmem:s11+$0x50];
	s18 =	sadd.s32 $0x47, s9;
	v44 =	vmul.f32 v31, v17;
	[tilespmem:s21+$0xFFFFFFF0] =	vst v43;
	v43 =	vmul.f32 v40, v14  }
0x356: {  	v48 =	vmul.f32 v33, v23;
	v45 =	vmov s2;
	v46 =	vld [tilespmem:s11+$0xFFFFFF00];
	v47 =	vmov s12;
	[tilespmem:s21+$0x70] =	vst v32;
	s2 =	smov.u32 s9;
	s9 =	sadd.s32 $0x4, s9  }
0x357: {  	v52 =	vsub.f32 v11, v20;
	v45 =	vand.u32 $0xFFFFFFFC, v45;
	v33 =	vld [tilespmem:s11+$0xFFFFFF40];
	v47 =	vand.u32 $0xFFFFFFFD, v47;
	s2 =	sadd.s32 $0x46, s2;
	p2 =	slt.u32 s9, $0x3C;
	[tilespmem:s21+$0xFFFFFFC0] =	vst v31  }
0x358: {  	v50 =	vsub.f32 v38, v24;
	v31 =	vbroadcast v45, $0x0;
	v45 =	vld [tilespmem:s11+$0xFFFFFFB0];
	v49 =	vmov s2;
	[tilespmem:s21+$0x60] =	vst v40  }
0x359: {  	v12 =	vadd.f32 v42, v12;
	v38 =	vbroadcast v47, $0x0;
	v51 =	vld [tilespmem:s11+$0xFFFFFF10];
	v40 =	vand.u32 $0xFFFFFFFE, v49;
	[tilespmem:s21+$0xC0] =	vst v36  }
0x35a: {  	v47 =	vadd.f32 v48, v4;
	v48 =	vmul.f32 v52, v34;
	v42 =	vld [tilespmem:s11+$0xFFFFFF50];
	v40 =	vbroadcast v40, $0x0;
	[tilespmem:s21+$0xFFFFFF60] =	vst v37;
	v11 =	vmovc v30  }
0x35b: {  	v44 =	vadd.f32 v44, v10;
	v10 =	vmul.f32 v50, v34;
	v30 =	vmov s18;
	v49 =	vld [tilespmem:s11+$0x60];
	[tilespmem:s21+$0xFFFFFFB0] =	vst v12;
	v4 =	vmovc v46  }
0x35c: {  	v50 =	vadd.f32 v43, v21;
	v21 =	vmul.f32 v22, v35;
	v34 =	vmul.f32 v48, v14;
	v46 =	vld [tilespmem:s11+$0xF0];
	[tilespmem:s21+$0x50] =	vst v48  }
0x35d: {  	v39 =	vmul.f32 v39, v27;
	v27 =	vmul.f32 v41, v27;
	v13 =	vsub.f32 v13, v25;
	v43 =	vld [tilespmem:s11+$0xFFFFFF20];
	[tilespmem:s21+$0x40] =	vst v10  }
0x35e: {  	v48 =	vmul.f32 v10, v14;
	v10 =	vmul.f32 v36, v35;
	v36 =	vadd.f32 v21, v5;
	v41 =	vld [tilespmem:s11+$0xFFFFFF60];
	[tilespmem:s21+$0x20] =	vst v50  }
0x35f: {  	v5 =	vmul.f32 v39, v35;
	v35 =	vmul.f32 v27, v35;
	v12 =	vmov v45;
	v21 =	vld [tilespmem:s11+$0xD0];
	[tilespmem:s21+$0xE0] =	vst v39  }
0x360: {  	v28 =	vmul.f32 v28, v23;
	v26 =	vmul.f32 v26, v23;
	v19 =	vadd.f32 v10, v19;
	v39 =	vld [tilespmem:s11+$0xFFFFFF30];
	[tilespmem:s21+$0xF0] =	vst v27  }
0x361: {  	v23 =	vmul.f32 v37, v23;
	v15 =	vadd.f32 v5, v15;
	v16 =	vadd.f32 v35, v16;
	v27 =	vld [tilespmem:s11+$0xFFFFFF70];
	[tilespmem:s21+$0xD0] =	vst v22  }
0x362: {  	v26 =	vadd.f32 v26, v9;
	v22 =	vadd.f32 v28, v3;
	v28 =	vmul.f32 v13, v18;
	v10 =	vld [tilespmem:s11+$0xFFFFFF80];
	[tilespmem:s21+$0x80] =	vst v19  }
0x363: {  	v29 =	vmul.f32 v29, v17;
	v18 =	vadd.f32 v48, v24;
	v19 =	vadd.f32 v34, v20;
	v5 =	vld [tilespmem:s11+$0x90];
	[tilespmem:s21+$0xA0] =	vst v15  }
0x364: {  	v14 =	vmul.f32 v32, v14;
	v20 =	vadd.f32 v23, v6;
	v13 =	vmul.f32 v28, v17;
	v15 =	vld [tilespmem:s11+$0xFFFFFFC0];
	[tilespmem:s21+$0xFFFFFFD0] =	vst v28  }
0x365: {  	v3 =	vmovc v51;
	v23 =	vadd.f32 v29, v7;
	v6 =	vmov v43;
	v17 =	vld [tilespmem:s11+$0x70];
	[tilespmem:s21+$0xB0] =	vst v16;
	v9 =	vmov v39  }
0x366: {  	v14 =	vadd.f32 v14, v8;
	v16 =	vadd.f32 v13, v25;
	v7 =	vld [tilespmem:s11+$0xFFFFFFA0];
	[tilespmem:s21+$0xFFFFFF00] =	vst v47  }
0x367: {  	v13 =	vld [tilespmem:s11+$0xFFFFFFD0];
	[tilespmem:s21+$0xFFFFFF20] =	vst v20  }
0x368: {  	v8 =	vld [tilespmem:s11+$0x30];
	v20 =	vsub.f32 v21, v5;
	[tilespmem:s21+$0x30] =	vst v14  }
0x369: {  	v14 =	vld [tilespmem:s11+$0xE0];
	[tilespmem:s21+$0xFFFFFFA0] =	vst v23  }
0x36a: {  	v23 =	vld [tilespmem:s11+$0xFFFFFFE0];
	[tilespmem:s21+$0xFFFFFF30] =	vst v26  }
0x36b: {  	v24 =	vld [tilespmem:s11+$0xFFFFFFF0];
	[tilespmem:s21+$0xFFFFFF90] =	vst v16  }
0x36c: {  	v21 =	vld [tilespmem:s11+$0x20];
	[tilespmem:s21+$0xFFFFFF80] =	vst v44  }
0x36d: {  	v25 =	vsub.f32 v15, v10;
	v32 =	vsub.f32 v17, v8;
	v26 =	vld [tilespmem:s11+$0xC0];
	[tilespmem:s21+$0xFFFFFF10] =	vst v22  }
0x36e: {  	v15 =	vld [tilespmem:s11+$0xA0];
	[tilespmem:s21+$0x10] =	vst v19  }
0x36f: {  	v22 =	vsub.f32 v27, v9;
	v29 =	vsub.f32 v23, v7;
	v16 =	vld [tilespmem:s11+$0xB0];
	[tilespmem:s21+$0x0] =	vst v18  }
0x370: {  	v19 =	vld [tilespmem:s11+$0x80];
	[tilespmem:s21+$0x90] =	vst v36;
	s21 =	smov.u32 s11  }
0x371: {  	v37 =	vsub.f32 v41, v6;
	v35 =	vld.idx.msk [tilespmem:v31+s4+$0x0], $0xffff  }
0x372: {  	v27 =	vld.idx.msk [tilespmem:v30+s4+$0x0], $0xffff  }
0x373: {  	v28 =	vsub.f32 v42, v3;
	v18 =	vld.idx.msk [tilespmem:v38+s4+$0x0], $0xffff  }
0x374: {  	v42 =	vsub.f32 v49, v21;
	v39 =	vsub.f32 v14, v15;
	v34 =	vld.idx.msk [tilespmem:v40+s4+$0x0], $0xffff  }
0x375: {  	v23 =	vsub.f32 v33, v4;
	v17 =	vld.idx.msk [tilespmem:v38+s0+$0x0], $0xffff;
	v36 =	vsub.f32 v26, v19  }
0x376: {  	v41 =	vsub.f32 v46, v16;
	v14 =	vld.idx.msk [tilespmem:v40+s0+$0x0], $0xffff  }
0x377: {  	v33 =	vmul.f32 v23, v35;
	v26 =	vmul.f32 v22, v35;
	v38 =	vld [tilespmem:s11+$0x40]  }
.Ltmp4:
0x378: {  	v24 =	vsub.f32 v24, v12;
	v36 =	vmul.f32 v36, v27;
	v22 =	vmul.f32 v20, v27;
	v23 =	vld.idx.msk [tilespmem:v31+s0+$0x0], $0xffff;
	(pc) =	sbr.rel @p2 .LBB2_10-.Ltmp4, $4  }
0x379: {  	v28 =	vmul.f32 v28, v35;
	v31 =	vmul.f32 v25, v18;
	[tilespmem:s11+$0xFFFFFF70] =	vst v26;
	v20 =	vld [tilespmem:s11+$0x10]  }
0x37a: {  	v29 =	vmul.f32 v29, v18;
	v43 =	vmul.f32 v24, v18;
	[tilespmem:s11+$0xFFFFFF40] =	vst v33;
	v24 =	vld [tilespmem:s11+$0x0]  }
0x37b: {  	v37 =	vmul.f32 v37, v35;
	v40 =	vmul.f32 v42, v34;
	[tilespmem:s11+$0xFFFFFF50] =	vst v28;
	v25 =	vld [tilespmem:s11+$0xFFFFFF90]  }
0x37c: {  	v32 =	vmul.f32 v32, v34;
	v42 =	vmul.f32 v43, v17;
	s11 =	sadd.s32 $0x200, s11;
	[tilespmem:s21+$0xFFFFFFE0] =	vst v29;
	v35 =	vld.idx.msk [tilespmem:v30+s0+$0x0], $0xffff  }
0x37d: {  	[tilespmem:s21+$0xFFFFFFF0] =	vst v43  }
0x37e: {  	[tilespmem:s21+$0xFFFFFFC0] =	vst v31  }
0x37f: {  	[tilespmem:s21+$0x60] =	vst v40  }
0x380: {  	[tilespmem:s21+$0xC0] =	vst v36  }
0x381: {  	v52 =	vmul.f32 v40, v14;
	[tilespmem:s21+$0xFFFFFF60] =	vst v37  }
0x382: {  	[tilespmem:s21+$0xD0] =	vst v22;
	v11 =	vsub.f32 v11, v20;
	v12 =	vadd.f32 v42, v12  }
0x383: {  	[tilespmem:s21+$0x70] =	vst v32;
	v30 =	vsub.f32 v38, v24;
	v21 =	vadd.f32 v52, v21  }
0x384: {  	v11 =	vmul.f32 v11, v34;
	[tilespmem:s21+$0xFFFFFFB0] =	vst v12  }
0x385: {  	v12 =	vmul.f32 v30, v34;
	[tilespmem:s21+$0x20] =	vst v21  }
0x386: {  	v13 =	vsub.f32 v13, v25;
	v30 =	vmul.f32 v39, v27;
	[tilespmem:s21+$0x50] =	vst v11  }
0x387: {  	v27 =	vmul.f32 v41, v27;
	v21 =	vmul.f32 v36, v35;
	[tilespmem:s21+$0x40] =	vst v12  }
0x388: {  	v13 =	vmul.f32 v13, v18;
	v18 =	vmul.f32 v37, v23;
	[tilespmem:s21+$0xE0] =	vst v30  }
0x389: {  	v53 =	vmul.f32 v30, v35;
	v19 =	vadd.f32 v21, v19;
	[tilespmem:s21+$0xF0] =	vst v27  }
0x38a: {  	v21 =	vmul.f32 v27, v35;
	[tilespmem:s21+$0xFFFFFFD0] =	vst v13;
	v6 =	vadd.f32 v18, v6  }
0x38b: {  	v27 =	vmul.f32 v33, v23;
	v15 =	vadd.f32 v53, v15;
	[tilespmem:s21+$0x80] =	vst v19  }
0x38c: {  	v16 =	vadd.f32 v21, v16;
	v19 =	vmul.f32 v29, v17;
	[tilespmem:s21+$0xFFFFFF20] =	vst v6  }
0x38d: {  	v4 =	vadd.f32 v27, v4;
	v6 =	vmul.f32 v31, v17;
	[tilespmem:s21+$0xA0] =	vst v15  }
0x38e: {  	v15 =	vmul.f32 v32, v14;
	[tilespmem:s21+$0xB0] =	vst v16;
	v7 =	vadd.f32 v19, v7  }
0x38f: {  	v16 =	vmul.f32 v26, v23;
	[tilespmem:s21+$0xFFFFFF00] =	vst v4;
	v6 =	vadd.f32 v6, v10  }
0x390: {  	v4 =	vadd.f32 v15, v8;
	v8 =	vmul.f32 v13, v17;
	[tilespmem:s21+$0xFFFFFFA0] =	vst v7  }
0x391: {  	v9 =	vadd.f32 v16, v9;
	v7 =	vmul.f32 v11, v14;
	[tilespmem:s21+$0xFFFFFF80] =	vst v6  }
0x392: {  	[tilespmem:s21+$0x30] =	vst v4;
	v4 =	vmul.f32 v28, v23;
	v8 =	vadd.f32 v8, v25  }
0x393: {  	[tilespmem:s21+$0xFFFFFF30] =	vst v9;
	v9 =	vmul.f32 v12, v14;
	v7 =	vadd.f32 v7, v20  }
0x394: {  	v3 =	vadd.f32 v4, v3;
	[tilespmem:s21+$0xFFFFFF90] =	vst v8;
	v4 =	vmul.f32 v22, v35  }
0x395: {  	v6 =	vadd.f32 v9, v24;
	[tilespmem:s21+$0x10] =	vst v7  }
0x396: {  	[tilespmem:s21+$0xFFFFFF10] =	vst v3;
	v3 =	vadd.f32 v4, v5  }
0x397: {  	s2 =	sshll.u32 s19, $0xA;
	[tilespmem:s21+$0x0] =	vst v6  }
0x398: {  	s2 =	sadd.s32 s2, s10;
	[tilespmem:s21+$0x90] =	vst v3  }
0x399: {  	[hbm4b:s2+s5] =	stream.linear.scatter [tilespmem:s31], [sflag:$0x6], $0x2000, $0x38;
	[tilespmem:$0x1C300] =	vst v63  }
0x39a: {  	v6 =	vld [tilespmem:s15+$0x100C0]  }
0x39b: {  	v7 =	vld.idx.msk [tilespmem:v0+s23+$0x0], $0xffff;
	_ =	sdelay $0x3  }
0x39c: {  	v5 =	vld [tilespmem:s15+$0x100D0]  }
0x39d: {  	vm0 =	vlt.f32 v7, v6  }
0x39e: {  	v8 =	vsel vm0, $0x1000, v1  }
0x39f: {  	v4 =	vld [tilespmem:s15+$0x100E0];
	v9 =	vor.u32 $0x7FF, v8;
	_ =	sdelay $0x1  }
0x3a0: {  	vm13 =	vlt.f32 v7, v5  }
0x3a1: {  	v3 =	vld [tilespmem:s15+$0x100F0];
	v10 =	vsel vm13, $0x1000, v1  }
0x3a2: {  	v11 =	vor.u32 $0x7FF, v10  }
0x3a3: {  	vm14 =	vlt.f32 v7, v4;
	v9 =	vld.idx.msk [tilespmem:v9+s23+$0x0], $0xffff  }
0x3a4: {  	v12 =	vsel vm14, $0x1000, v1  }
0x3a5: {  	v13 =	vor.u32 $0x7FF, v12  }
0x3a6: {  	vm15 =	vlt.f32 v7, v3  }
0x3a7: {  	v7 =	vld.idx.msk [tilespmem:v11+s23+$0x0], $0xffff;
	v11 =	vsel vm15, $0x1000, v1  }
0x3a8: {  	v14 =	vor.u32 $0x7FF, v11;
	vm4 =	vlt.f32 v9, v6;
	v9 =	vor.u32 $0x800, v8  }
0x3a9: {  	v8 =	vsel vm4, v9, v8  }
0x3aa: {  	v9 =	vld.idx.msk [tilespmem:v13+s23+$0x0], $0xffff;
	v13 =	vor.u32 $0x3FF, v8;
	_ =	sdelay $0x1  }
0x3ab: {  	vm5 =	vlt.f32 v7, v5;
	v7 =	vor.u32 $0x800, v10  }
0x3ac: {  	v7 =	vsel vm5, v7, v10;
	v10 =	vld.idx.msk [tilespmem:v14+s23+$0x0], $0xffff;
	_ =	sdelay $0x1  }
0x3ad: {  	v14 =	vor.u32 $0x3FF, v7;
	vm6 =	vlt.f32 v9, v4;
	v9 =	vor.u32 $0x800, v12;
	v13 =	vld.idx.msk [tilespmem:v13+s23+$0x0], $0xffff  }
0x3ae: {  	v9 =	vsel vm6, v9, v12  }
0x3af: {  	v12 =	vor.u32 $0x3FF, v9  }
0x3b0: {  	vm7 =	vlt.f32 v10, v3;
	v10 =	vor.u32 $0x800, v11  }
0x3b1: {  	v10 =	vsel vm7, v10, v11  }
0x3b2: {  	v14 =	vld.idx.msk [tilespmem:v14+s23+$0x0], $0xffff;
	v11 =	vor.u32 $0x3FF, v10;
	vm8 =	vlt.f32 v13, v6;
	v13 =	vor.u32 $0x400, v8  }
0x3b3: {  	v8 =	vsel vm8, v13, v8  }
0x3b4: {  	v12 =	vld.idx.msk [tilespmem:v12+s23+$0x0], $0xffff;
	v13 =	vor.u32 $0x1FF, v8;
	_ =	sdelay $0x2  }
0x3b5: {  	vm9 =	vlt.f32 v14, v5;
	v14 =	vor.u32 $0x400, v7;
	v11 =	vld.idx.msk [tilespmem:v11+s23+$0x0], $0xffff  }
0x3b6: {  	v7 =	vsel vm9, v14, v7  }
0x3b7: {  	v14 =	vor.u32 $0x1FF, v7;
	vm10 =	vlt.f32 v12, v4;
	v12 =	vor.u32 $0x400, v9;
	v13 =	vld.idx.msk [tilespmem:v13+s23+$0x0], $0xffff  }
0x3b8: {  	v9 =	vsel vm10, v12, v9  }
0x3b9: {  	v12 =	vor.u32 $0x1FF, v9  }
0x3ba: {  	vm11 =	vlt.f32 v11, v3;
	v11 =	vor.u32 $0x400, v10  }
0x3bb: {  	v10 =	vsel vm11, v11, v10  }
0x3bc: {  	v14 =	vld.idx.msk [tilespmem:v14+s23+$0x0], $0xffff;
	v11 =	vor.u32 $0x1FF, v10;
	vm12 =	vlt.f32 v13, v6;
	v13 =	vor.u32 $0x200, v8  }
0x3bd: {  	v8 =	vsel vm12, v13, v8  }
0x3be: {  	v12 =	vld.idx.msk [tilespmem:v12+s23+$0x0], $0xffff;
	v13 =	vadd.s32 $0xFF, v8;
	_ =	sdelay $0x2  }
0x3bf: {  	vm13 =	vlt.f32 v14, v5;
	v14 =	vor.u32 $0x200, v7;
	v11 =	vld.idx.msk [tilespmem:v11+s23+$0x0], $0xffff  }
0x3c0: {  	v7 =	vsel vm13, v14, v7  }
0x3c1: {  	v14 =	vadd.s32 $0xFF, v7;
	vm14 =	vlt.f32 v12, v4;
	v12 =	vor.u32 $0x200, v9;
	v13 =	vld.idx.msk [tilespmem:v13+s23+$0x0], $0xffff  }
0x3c2: {  	v9 =	vsel vm14, v12, v9  }
0x3c3: {  	v12 =	vadd.s32 $0xFF, v9  }
0x3c4: {  	vm15 =	vlt.f32 v11, v3;
	v11 =	vor.u32 $0x200, v10  }
0x3c5: {  	v10 =	vsel vm15, v11, v10  }
0x3c6: {  	v14 =	vld.idx.msk [tilespmem:v14+s23+$0x0], $0xffff;
	v11 =	vadd.s32 $0xFF, v10;
	vm4 =	vlt.f32 v13, v6;
	v13 =	vadd.s32 $0x100, v8  }
0x3c7: {  	v8 =	vsel vm4, v13, v8  }
0x3c8: {  	v12 =	vld.idx.msk [tilespmem:v12+s23+$0x0], $0xffff;
	v13 =	vadd.s32 $0x7F, v8;
	_ =	sdelay $0x2  }
0x3c9: {  	vm5 =	vlt.f32 v14, v5;
	v14 =	vadd.s32 $0x100, v7;
	v11 =	vld.idx.msk [tilespmem:v11+s23+$0x0], $0xffff  }
0x3ca: {  	v7 =	vsel vm5, v14, v7  }
0x3cb: {  	v14 =	vadd.s32 $0x7F, v7;
	vm6 =	vlt.f32 v12, v4;
	v12 =	vadd.s32 $0x100, v9;
	v13 =	vld.idx.msk [tilespmem:v13+s23+$0x0], $0xffff  }
0x3cc: {  	v9 =	vsel vm6, v12, v9  }
0x3cd: {  	v12 =	vadd.s32 $0x7F, v9  }
0x3ce: {  	vm7 =	vlt.f32 v11, v3;
	v11 =	vadd.s32 $0x100, v10  }
0x3cf: {  	v10 =	vsel vm7, v11, v10  }
0x3d0: {  	v14 =	vld.idx.msk [tilespmem:v14+s23+$0x0], $0xffff;
	v11 =	vadd.s32 $0x7F, v10;
	vm8 =	vlt.f32 v13, v6;
	v13 =	vadd.s32 $0x80, v8  }
0x3d1: {  	v8 =	vsel vm8, v13, v8  }
0x3d2: {  	v12 =	vld.idx.msk [tilespmem:v12+s23+$0x0], $0xffff;
	v13 =	vadd.s32 $0x3F, v8;
	_ =	sdelay $0x2  }
0x3d3: {  	vm9 =	vlt.f32 v14, v5;
	v14 =	vadd.s32 $0x80, v7;
	v11 =	vld.idx.msk [tilespmem:v11+s23+$0x0], $0xffff  }
0x3d4: {  	v7 =	vsel vm9, v14, v7  }
0x3d5: {  	v14 =	vadd.s32 $0x3F, v7;
	vm10 =	vlt.f32 v12, v4;
	v12 =	vadd.s32 $0x80, v9;
	v13 =	vld.idx.msk [tilespmem:v13+s23+$0x0], $0xffff  }
0x3d6: {  	v9 =	vsel vm10, v12, v9  }
0x3d7: {  	v12 =	vadd.s32 $0x3F, v9  }
0x3d8: {  	vm11 =	vlt.f32 v11, v3;
	v11 =	vadd.s32 $0x80, v10  }
0x3d9: {  	v10 =	vsel vm11, v11, v10  }
0x3da: {  	v14 =	vld.idx.msk [tilespmem:v14+s23+$0x0], $0xffff;
	v11 =	vadd.s32 $0x3F, v10;
	vm12 =	vlt.f32 v13, v6;
	v13 =	vadd.s32 $0x40, v8  }
0x3db: {  	v8 =	vsel vm12, v13, v8  }
0x3dc: {  	v12 =	vld.idx.msk [tilespmem:v12+s23+$0x0], $0xffff;
	v13 =	vadd.s32 $0x1F, v8;
	_ =	sdelay $0x2  }
0x3dd: {  	vm13 =	vlt.f32 v14, v5;
	v14 =	vadd.s32 $0x40, v7;
	v11 =	vld.idx.msk [tilespmem:v11+s23+$0x0], $0xffff  }
0x3de: {  	v7 =	vsel vm13, v14, v7  }
0x3df: {  	v14 =	vadd.s32 $0x1F, v7;
	vm14 =	vlt.f32 v12, v4;
	v12 =	vadd.s32 $0x40, v9;
	v13 =	vld.idx.msk [tilespmem:v13+s23+$0x0], $0xffff  }
0x3e0: {  	v9 =	vsel vm14, v12, v9  }
0x3e1: {  	v12 =	vadd.s32 $0x1F, v9  }
0x3e2: {  	vm15 =	vlt.f32 v11, v3;
	v11 =	vadd.s32 $0x40, v10  }
0x3e3: {  	v10 =	vsel vm15, v11, v10  }
0x3e4: {  	v14 =	vld.idx.msk [tilespmem:v14+s23+$0x0], $0xffff;
	v11 =	vadd.s32 $0x1F, v10;
	vm4 =	vlt.f32 v13, v6;
	v13 =	vadd.s32 $0x20, v8  }
0x3e5: {  	v8 =	vsel vm4, v13, v8  }
0x3e6: {  	v12 =	vld.idx.msk [tilespmem:v12+s23+$0x0], $0xffff;
	v13 =	vadd.s32 $0xF, v8;
	_ =	sdelay $0x2  }
0x3e7: {  	vm5 =	vlt.f32 v14, v5;
	v14 =	vadd.s32 $0x20, v7;
	v11 =	vld.idx.msk [tilespmem:v11+s23+$0x0], $0xffff  }
0x3e8: {  	v7 =	vsel vm5, v14, v7  }
0x3e9: {  	v14 =	vadd.s32 $0xF, v7;
	vm6 =	vlt.f32 v12, v4;
	v12 =	vadd.s32 $0x20, v9;
	v13 =	vld.idx.msk [tilespmem:v13+s23+$0x0], $0xffff  }
0x3ea: {  	v9 =	vsel vm6, v12, v9  }
0x3eb: {  	v12 =	vadd.s32 $0xF, v9  }
0x3ec: {  	vm7 =	vlt.f32 v11, v3;
	v11 =	vadd.s32 $0x20, v10  }
0x3ed: {  	v10 =	vsel vm7, v11, v10  }
0x3ee: {  	v14 =	vld.idx.msk [tilespmem:v14+s23+$0x0], $0xffff;
	v11 =	vadd.s32 $0xF, v10;
	vm8 =	vlt.f32 v13, v6;
	v13 =	vadd.s32 $0x10, v8  }
0x3ef: {  	v8 =	vsel vm8, v13, v8  }
0x3f0: {  	v12 =	vld.idx.msk [tilespmem:v12+s23+$0x0], $0xffff;
	v13 =	vadd.s32 $0x7, v8;
	_ =	sdelay $0x2  }
0x3f1: {  	vm9 =	vlt.f32 v14, v5;
	v14 =	vadd.s32 $0x10, v7;
	v11 =	vld.idx.msk [tilespmem:v11+s23+$0x0], $0xffff  }
0x3f2: {  	v7 =	vsel vm9, v14, v7  }
0x3f3: {  	v14 =	vadd.s32 $0x7, v7;
	vm10 =	vlt.f32 v12, v4;
	v12 =	vadd.s32 $0x10, v9;
	v13 =	vld.idx.msk [tilespmem:v13+s23+$0x0], $0xffff  }
0x3f4: {  	v9 =	vsel vm10, v12, v9  }
0x3f5: {  	v12 =	vadd.s32 $0x7, v9  }
0x3f6: {  	vm11 =	vlt.f32 v11, v3;
	v11 =	vadd.s32 $0x10, v10  }
0x3f7: {  	v10 =	vsel vm11, v11, v10  }
0x3f8: {  	v14 =	vld.idx.msk [tilespmem:v14+s23+$0x0], $0xffff;
	v11 =	vadd.s32 $0x7, v10;
	vm12 =	vlt.f32 v13, v6;
	v13 =	vadd.s32 $0x8, v8  }
0x3f9: {  	v8 =	vsel vm12, v13, v8  }
0x3fa: {  	v12 =	vld.idx.msk [tilespmem:v12+s23+$0x0], $0xffff;
	v13 =	vadd.s32 $0x3, v8;
	_ =	sdelay $0x2  }
0x3fb: {  	vm13 =	vlt.f32 v14, v5;
	v14 =	vadd.s32 $0x8, v7;
	v11 =	vld.idx.msk [tilespmem:v11+s23+$0x0], $0xffff  }
0x3fc: {  	v7 =	vsel vm13, v14, v7  }
0x3fd: {  	v14 =	vadd.s32 $0x3, v7;
	vm14 =	vlt.f32 v12, v4;
	v12 =	vadd.s32 $0x8, v9;
	v13 =	vld.idx.msk [tilespmem:v13+s23+$0x0], $0xffff  }
0x3fe: {  	v9 =	vsel vm14, v12, v9  }
0x3ff: {  	v12 =	vadd.s32 $0x3, v9  }
0x400: {  	vm15 =	vlt.f32 v11, v3;
	v11 =	vadd.s32 $0x8, v10  }
0x401: {  	v10 =	vsel vm15, v11, v10  }
0x402: {  	v14 =	vld.idx.msk [tilespmem:v14+s23+$0x0], $0xffff;
	v11 =	vadd.s32 $0x3, v10;
	vm4 =	vlt.f32 v13, v6;
	v13 =	vadd.s32 $0x4, v8  }
0x403: {  	v8 =	vsel vm4, v13, v8  }
0x404: {  	v12 =	vld.idx.msk [tilespmem:v12+s23+$0x0], $0xffff;
	v13 =	vadd.s32 $0x1, v8;
	_ =	sdelay $0x2  }
0x405: {  	vm5 =	vlt.f32 v14, v5;
	v14 =	vadd.s32 $0x4, v7;
	v11 =	vld.idx.msk [tilespmem:v11+s23+$0x0], $0xffff  }
0x406: {  	v7 =	vsel vm5, v14, v7  }
0x407: {  	v14 =	vadd.s32 $0x1, v7;
	vm6 =	vlt.f32 v12, v4;
	v12 =	vadd.s32 $0x4, v9;
	v13 =	vld.idx.msk [tilespmem:v13+s23+$0x0], $0xffff  }
0x408: {  	v9 =	vsel vm6, v12, v9  }
0x409: {  	v12 =	vadd.s32 $0x1, v9  }
0x40a: {  	vm7 =	vlt.f32 v11, v3;
	v11 =	vadd.s32 $0x4, v10  }
0x40b: {  	v10 =	vsel vm7, v11, v10  }
0x40c: {  	v14 =	vld.idx.msk [tilespmem:v14+s23+$0x0], $0xffff;
	v11 =	vadd.s32 $0x1, v10;
	vm8 =	vlt.f32 v13, v6;
	v13 =	vadd.s32 $0x2, v8  }
0x40d: {  	v8 =	vsel vm8, v13, v8  }
0x40e: {  	v12 =	vld.idx.msk [tilespmem:v12+s23+$0x0], $0xffff;
	_ =	sdelay $0x2  }
0x40f: {  	vm9 =	vlt.f32 v14, v5;
	v13 =	vadd.s32 $0x2, v7;
	v11 =	vld.idx.msk [tilespmem:v11+s23+$0x0], $0xffff  }
0x410: {  	v7 =	vsel vm9, v13, v7;
	v13 =	vld.idx.msk [tilespmem:v8+s23+$0x0], $0xffff  }
0x411: {  	vm10 =	vlt.f32 v12, v4;
	v12 =	vadd.s32 $0x2, v9  }
0x412: {  	v9 =	vsel vm10, v12, v9;
	_ =	sdelay $0x1  }
0x413: {  	vm11 =	vlt.f32 v11, v3;
	v11 =	vadd.s32 $0x2, v10  }
0x414: {  	v12 =	vld.idx.msk [tilespmem:v7+s23+$0x0], $0xffff;
	v10 =	vsel vm11, v11, v10;
	vm12 =	vlt.f32 v13, v6  }
0x415: {  	v11 =	vsel vm12, $0x1, v1  }
0x416: {  	v13 =	vld.idx.msk [tilespmem:v9+s23+$0x0], $0xffff;
	v8 =	vadd.s32 v11, v8  }
0x417: {  	v11 =	vmax.u32 v8, $0x1  }
0x418: {  	v11 =	vsub.s32 v11, v2  }
0x419: {  	vm13 =	vlt.f32 v12, v5;
	v14 =	vld.idx.msk [tilespmem:v10+s23+$0x0], $0xffff  }
0x41a: {  	v12 =	vsel vm13, $0x1, v1  }
0x41b: {  	v7 =	vadd.s32 v12, v7;
	vm14 =	vlt.f32 v13, v4  }
0x41c: {  	v12 =	vmax.u32 v7, $0x1;
	v13 =	vsel vm14, $0x1, v1;
	v8 =	vld.idx.msk [tilespmem:v8+s23+$0x0], $0xffff  }
0x41d: {  	v12 =	vsub.s32 v12, v2;
	v9 =	vadd.s32 v13, v9;
	v13 =	vld.idx.msk [tilespmem:v11+s23+$0x0], $0xffff  }
0x41e: {  	vm15 =	vlt.f32 v14, v3;
	v15 =	vmax.u32 v9, $0x1  }
0x41f: {  	v14 =	vsub.s32 v15, v2;
	v15 =	vsel vm15, $0x1, v1  }
0x420: {  	v10 =	vadd.s32 v15, v10  }
0x421: {  	v7 =	vld.idx.msk [tilespmem:v7+s23+$0x0], $0xffff;
	v16 =	vmax.u32 v10, $0x1  }
0x422: {  	v15 =	vld.idx.msk [tilespmem:v12+s23+$0x0], $0xffff;
	v16 =	vsub.s32 v16, v2;
	v8 =	vsub.f32 v8, v13;
	_ =	sdelay $0x1  }
0x423: {  	v9 =	vld.idx.msk [tilespmem:v9+s23+$0x0], $0xffff;
	(erf) = vrcp.f32 v8  }
0x424: {  	v17 =	vld.idx.msk [tilespmem:v14+s23+$0x0], $0xffff  }
0x425: {  	v10 =	vld.idx.msk [tilespmem:v10+s23+$0x0], $0xffff  }
0x426: {  	v8 =	vmax.f32 v8, $9.999999930e-09;
	v7 =	vsub.f32 v7, v15;
	v18 =	vld.idx.msk [tilespmem:v16+s23+$0x0], $0xffff  }
0x427: {  	(erf) = vrcp.f32 v8  }
0x428: {  	(erf) = vrcp.f32 v7  }
0x429: {  	v7 =	vmax.f32 v7, $9.999999930e-09;
	v9 =	vsub.f32 v9, v17  }
0x42a: {  	v6 =	vsub.f32 v6, v13;
	(erf) = vrcp.f32 v7  }
0x42b: {  	(erf) = vrcp.f32 v9;
	v9 =	vmax.f32 v9, $9.999999930e-09;
	v10 =	vsub.f32 v10, v18  }
0x42c: {  	(erf) = vrcp.f32 v9;
	v13 =	vpop (erf)  }
0x42d: {  	(erf) = vrcp.f32 v10;
	v6 =	vmul.f32 v13, v6;
	_ =	sdelay $0x1  }
0x42e: {  	v6 =	vmax.f32 v6, $0.0e+00  }
0x42f: {  	v5 =	vsub.f32 v5, v15;
	v13 =	vpop (erf);
	v6 =	vmin.f32 v6, $1.000000000e+00  }
0x430: {  	v15 =	vpop (erf);
	v6 =	vmul.f32 v6, v8  }
0x431: {  	v5 =	vmul.f32 v15, v5  }
0x432: {  	v15 =	vpop (erf)  }
0x433: {  	v5 =	vmax.f32 v5, $0.0e+00;
	v8 =	vpop (erf)  }
0x434: {  	v3 =	vsub.f32 v3, v18;
	v10 =	vmax.f32 v10, $9.999999930e-09;
	v5 =	vmin.f32 v5, $1.000000000e+00;
	[tilespmem:$0x141C0] =	vst v6;
	v6 =	vpop (erf)  }
0x435: {  	[tilespmem:$0x140C0] =	vst v11;
	v4 =	vsub.f32 v4, v17;
	(erf) = vrcp.f32 v10;
	v5 =	vmul.f32 v5, v7;
	v7 =	vpop (erf)  }
0x436: {  	[tilespmem:$0x140D0] =	vst v12;
	v3 =	vmul.f32 v7, v3  }
0x437: {  	[tilespmem:$0x140E0] =	vst v14;
	v4 =	vmul.f32 v8, v4  }
0x438: {  	[tilespmem:$0x140F0] =	vst v16;
	v3 =	vmax.f32 v3, $0.0e+00  }
0x439: {  	[tilespmem:$0x142C0] =	vst v13;
	v4 =	vmax.f32 v4, $0.0e+00;
	v3 =	vmin.f32 v3, $1.000000000e+00  }
0x43a: {  	[tilespmem:$0x142D0] =	vst v15;
	v4 =	vmin.f32 v4, $1.000000000e+00;
	v3 =	vmul.f32 v3, v10  }
0x43b: {  	[tilespmem:$0x141D0] =	vst v5;
	v4 =	vmul.f32 v4, v9  }
0x43c: {  	[tilespmem:$0x142E0] =	vst v6  }
0x43d: {  	[tilespmem:$0x141E0] =	vst v4  }
0x43e: {  	[tilespmem:$0x141F0] =	vst v3;
	v3 =	vpop (erf)  }
0x43f: {  	s2 =	simm.s32 @!p1 $0x8;
	[tilespmem:$0x142F0] =	vst v3  }
0x440: {  	_ =	swait.ge @!p1 [sflag:s2], $0x2000  }
0x441: {  	[sflag:s2] =	ssyncset.done @!p1 $0x0  }
0x442: {  	[sflag:s2] =	ssyncadd.s32 @!p1 $0xFFFFE000  }
0x443: {  	[tilespmem:s7], [sflag:$0x4] =	stream.indirect.gather [spmem:s3], $0x80, s6, s26, $0xb8;
	[tilespmem:$0x1C300] =	vst v63  }
0x444: {  	_ =	swait.ge [sflag:s24], $0x2000  }
0x445: {  	[sflag:s24] =	ssyncset.done $0x0  }
0x446: {  	s15 =	simm.s32 $0x18400;
	[sflag:s24] =	ssyncadd.s32 $0xFFFFE000  }
0x447: {  	v11 =	vld [tilespmem:s15+$0x50]  }
0x448: {  	v4 =	vld [tilespmem:s15+$0xFFFFFF00]  }
0x449: {  	v14 =	vld [tilespmem:s15+$0xFFFFFF40]  }
0x44a: {  	v12 =	vld [tilespmem:s15+$0xFFFFFFB0]  }
0x44b: {  	v3 =	vld [tilespmem:s15+$0xFFFFFF10]  }
0x44c: {  	v20 =	vld [tilespmem:s15+$0xFFFFFF50]  }
0x44d: {  	v24 =	vld [tilespmem:s15+$0x60]  }
0x44e: {  	v25 =	vld [tilespmem:s15+$0xF0]  }
0x44f: {  	v6 =	vld [tilespmem:s15+$0xFFFFFF20]  }
0x450: {  	v22 =	vld [tilespmem:s15+$0xFFFFFF60]  }
0x451: {  	v17 =	vld [tilespmem:s15+$0xD0]  }
0x452: {  	v9 =	vld [tilespmem:s15+$0xFFFFFF30]  }
0x453: {  	v23 =	vld [tilespmem:s15+$0xFFFFFF70]  }
0x454: {  	v10 =	vld [tilespmem:s15+$0xFFFFFF80]  }
0x455: {  	v5 =	vld [tilespmem:s15+$0x90]  }
0x456: {  	v18 =	vld [tilespmem:s15+$0xFFFFFFC0]  }
0x457: {  	v26 =	vld [tilespmem:s15+$0x70]  }
0x458: {  	v7 =	vld [tilespmem:s15+$0xFFFFFFA0]  }
0x459: {  	v13 =	vld [tilespmem:s15+$0xFFFFFFD0]  }
0x45a: {  	s19 =	simm.s32 $0x80;
	v8 =	vld [tilespmem:s15+$0x30]  }
0x45b: {  	s21 =	simm.s32 $0x81;
	v15 =	vmov s19;
	v29 =	vld [tilespmem:s15+$0xE0]  }
0x45c: {  	s28 =	simm.s32 $0x82;
	v16 =	vmov s21;
	v15 =	vand.u32 $0xFFFFFFFC, v15;
	v28 =	vld [tilespmem:s15+$0xFFFFFFE0]  }
0x45d: {  	v30 =	vbroadcast v15, $0x0;
	v15 =	vand.u32 $0xFFFFFFFD, v16;
	v16 =	vmov s28;
	v31 =	vld [tilespmem:s15+$0xFFFFFFF0]  }
0x45e: {  	s9 =	simm.s32 $0x83;
	v54 =	vbroadcast v15, $0x0;
	v15 =	vand.u32 $0xFFFFFFFE, v16;
	v21 =	vld [tilespmem:s15+$0x20]  }
0x45f: {  	v55 =	vmov s9;
	v57 =	vbroadcast v15, $0x0;
	v56 =	vld [tilespmem:s15+$0xC0]  }
0x460: {  	v15 =	vld [tilespmem:s15+$0xA0]  }
0x461: {  	v16 =	vld [tilespmem:s15+$0xB0]  }
0x462: {  	v19 =	vld [tilespmem:s15+$0x80]  }
0x463: {  	v58 =	vld.idx.msk [tilespmem:v30+s4+$0x0], $0xffff  }
0x464: {  	v27 =	vld.idx.msk [tilespmem:v55+s4+$0x0], $0xffff  }
0x465: {  	v34 =	vld.idx.msk [tilespmem:v57+s4+$0x0], $0xffff;
	v59 =	vsub.f32 v17, v5;
	v60 =	vsub.f32 v18, v10  }
0x466: {  	v35 =	vld.idx.msk [tilespmem:v55+s0+$0x0], $0xffff;
	v44 =	vsub.f32 v26, v8;
	v23 =	vsub.f32 v23, v9  }
0x467: {  	v18 =	vld.idx.msk [tilespmem:v54+s4+$0x0], $0xffff;
	v61 =	vsub.f32 v28, v7;
	v26 =	vsub.f32 v14, v4  }
0x468: {  	v17 =	vld.idx.msk [tilespmem:v54+s0+$0x0], $0xffff;
	v62 =	vsub.f32 v22, v6;
	v22 =	vsub.f32 v56, v19  }
0x469: {  	v14 =	vld.idx.msk [tilespmem:v57+s0+$0x0], $0xffff;
	v20 =	vsub.f32 v20, v3;
	v33 =	vmul.f32 v26, v58;
	v26 =	vmul.f32 v23, v58  }
0x46a: {  	v23 =	vld.idx.msk [tilespmem:v30+s0+$0x0], $0xffff;
	v30 =	vsub.f32 v31, v12;
	v36 =	vmul.f32 v22, v27;
	v22 =	vmul.f32 v59, v27  }
0x46b: {  	v38 =	vld [tilespmem:s15+$0x40];
	v63 =	vsub.f32 v24, v21;
	v28 =	vmul.f32 v20, v58;
	v37 =	vmul.f32 v62, v58;
	[tilespmem:s15+$0xFFFFFF70] =	vst v26  }
0x46c: {  	v39 =	vsub.f32 v29, v15;
	v20 =	vld [tilespmem:s15+$0x10];
	[tilespmem:s15+$0xFFFFFF40] =	vst v33;
	v29 =	vmul.f32 v61, v18;
	v43 =	vmul.f32 v30, v18  }
0x46d: {  	v24 =	vld [tilespmem:s15+$0x0];
	v40 =	vmul.f32 v63, v34;
	[tilespmem:s15+$0xFFFFFF50] =	vst v28;
	v31 =	vmul.f32 v60, v18  }
0x46e: {  	s11 =	simm.s32 $0x18600;
	s9 =	simm.s32 $0x0;
	v41 =	vsub.f32 v25, v16;
	v25 =	vld [tilespmem:s15+$0xFFFFFF90];
	v32 =	vmul.f32 v44, v34;
	[tilespmem:s15+$0xFFFFFFE0] =	vst v29;
	v42 =	vmul.f32 v43, v17  }
.LBB2_12:
0x46f: {  	s2 =	sadd.s32 $0x84, s9;
	s12 =	sadd.s32 $0x85, s9;
	v30 =	vld [tilespmem:s11+$0x50];
	s18 =	sadd.s32 $0x87, s9;
	v44 =	vmul.f32 v31, v17;
	[tilespmem:s15+$0xFFFFFFF0] =	vst v43;
	v43 =	vmul.f32 v40, v14  }
0x470: {  	v48 =	vmul.f32 v33, v23;
	v45 =	vmov s2;
	v46 =	vld [tilespmem:s11+$0xFFFFFF00];
	v47 =	vmov s12;
	[tilespmem:s15+$0x70] =	vst v32;
	s2 =	smov.u32 s9;
	s9 =	sadd.s32 $0x4, s9  }
0x471: {  	v52 =	vsub.f32 v11, v20;
	v45 =	vand.u32 $0xFFFFFFFC, v45;
	v33 =	vld [tilespmem:s11+$0xFFFFFF40];
	v47 =	vand.u32 $0xFFFFFFFD, v47;
	s2 =	sadd.s32 $0x86, s2;
	p1 =	slt.u32 s9, $0x3C;
	[tilespmem:s15+$0xFFFFFFC0] =	vst v31  }
0x472: {  	v50 =	vsub.f32 v38, v24;
	v31 =	vbroadcast v45, $0x0;
	v45 =	vld [tilespmem:s11+$0xFFFFFFB0];
	v49 =	vmov s2;
	[tilespmem:s15+$0x60] =	vst v40  }
0x473: {  	v12 =	vadd.f32 v42, v12;
	v38 =	vbroadcast v47, $0x0;
	v51 =	vld [tilespmem:s11+$0xFFFFFF10];
	v40 =	vand.u32 $0xFFFFFFFE, v49;
	[tilespmem:s15+$0xC0] =	vst v36  }
0x474: {  	v47 =	vadd.f32 v48, v4;
	v48 =	vmul.f32 v52, v34;
	v42 =	vld [tilespmem:s11+$0xFFFFFF50];
	v40 =	vbroadcast v40, $0x0;
	[tilespmem:s15+$0xFFFFFF60] =	vst v37;
	v11 =	vmovc v30  }
0x475: {  	v44 =	vadd.f32 v44, v10;
	v10 =	vmul.f32 v50, v34;
	v30 =	vmov s18;
	v49 =	vld [tilespmem:s11+$0x60];
	[tilespmem:s15+$0xFFFFFFB0] =	vst v12;
	v4 =	vmovc v46  }
0x476: {  	v50 =	vadd.f32 v43, v21;
	v21 =	vmul.f32 v22, v35;
	v34 =	vmul.f32 v48, v14;
	v46 =	vld [tilespmem:s11+$0xF0];
	[tilespmem:s15+$0x50] =	vst v48  }
0x477: {  	v39 =	vmul.f32 v39, v27;
	v27 =	vmul.f32 v41, v27;
	v13 =	vsub.f32 v13, v25;
	v43 =	vld [tilespmem:s11+$0xFFFFFF20];
	[tilespmem:s15+$0x40] =	vst v10  }
0x478: {  	v48 =	vmul.f32 v10, v14;
	v10 =	vmul.f32 v36, v35;
	v36 =	vadd.f32 v21, v5;
	v41 =	vld [tilespmem:s11+$0xFFFFFF60];
	[tilespmem:s15+$0x20] =	vst v50  }
0x479: {  	v5 =	vmul.f32 v39, v35;
	v35 =	vmul.f32 v27, v35;
	v12 =	vmov v45;
	v21 =	vld [tilespmem:s11+$0xD0];
	[tilespmem:s15+$0xE0] =	vst v39  }
0x47a: {  	v28 =	vmul.f32 v28, v23;
	v26 =	vmul.f32 v26, v23;
	v19 =	vadd.f32 v10, v19;
	v39 =	vld [tilespmem:s11+$0xFFFFFF30];
	[tilespmem:s15+$0xF0] =	vst v27  }
0x47b: {  	v23 =	vmul.f32 v37, v23;
	v15 =	vadd.f32 v5, v15;
	v16 =	vadd.f32 v35, v16;
	v27 =	vld [tilespmem:s11+$0xFFFFFF70];
	[tilespmem:s15+$0xD0] =	vst v22  }
0x47c: {  	v26 =	vadd.f32 v26, v9;
	v22 =	vadd.f32 v28, v3;
	v28 =	vmul.f32 v13, v18;
	v10 =	vld [tilespmem:s11+$0xFFFFFF80];
	[tilespmem:s15+$0x80] =	vst v19  }
0x47d: {  	v29 =	vmul.f32 v29, v17;
	v18 =	vadd.f32 v48, v24;
	v19 =	vadd.f32 v34, v20;
	v5 =	vld [tilespmem:s11+$0x90];
	[tilespmem:s15+$0xA0] =	vst v15  }
0x47e: {  	v14 =	vmul.f32 v32, v14;
	v20 =	vadd.f32 v23, v6;
	v13 =	vmul.f32 v28, v17;
	v15 =	vld [tilespmem:s11+$0xFFFFFFC0];
	[tilespmem:s15+$0xFFFFFFD0] =	vst v28  }
0x47f: {  	v3 =	vmovc v51;
	v23 =	vadd.f32 v29, v7;
	v6 =	vmov v43;
	v17 =	vld [tilespmem:s11+$0x70];
	[tilespmem:s15+$0xB0] =	vst v16;
	v9 =	vmov v39  }
0x480: {  	v14 =	vadd.f32 v14, v8;
	v16 =	vadd.f32 v13, v25;
	v7 =	vld [tilespmem:s11+$0xFFFFFFA0];
	[tilespmem:s15+$0xFFFFFF00] =	vst v47  }
0x481: {  	v13 =	vld [tilespmem:s11+$0xFFFFFFD0];
	[tilespmem:s15+$0xFFFFFF20] =	vst v20  }
0x482: {  	v8 =	vld [tilespmem:s11+$0x30];
	v20 =	vsub.f32 v21, v5;
	[tilespmem:s15+$0x30] =	vst v14  }
0x483: {  	v14 =	vld [tilespmem:s11+$0xE0];
	[tilespmem:s15+$0xFFFFFFA0] =	vst v23  }
0x484: {  	v23 =	vld [tilespmem:s11+$0xFFFFFFE0];
	[tilespmem:s15+$0xFFFFFF30] =	vst v26  }
0x485: {  	v24 =	vld [tilespmem:s11+$0xFFFFFFF0];
	[tilespmem:s15+$0xFFFFFF90] =	vst v16  }
0x486: {  	v21 =	vld [tilespmem:s11+$0x20];
	[tilespmem:s15+$0xFFFFFF80] =	vst v44  }
0x487: {  	v25 =	vsub.f32 v15, v10;
	v32 =	vsub.f32 v17, v8;
	v26 =	vld [tilespmem:s11+$0xC0];
	[tilespmem:s15+$0xFFFFFF10] =	vst v22  }
0x488: {  	v15 =	vld [tilespmem:s11+$0xA0];
	[tilespmem:s15+$0x10] =	vst v19  }
0x489: {  	v22 =	vsub.f32 v27, v9;
	v29 =	vsub.f32 v23, v7;
	v16 =	vld [tilespmem:s11+$0xB0];
	[tilespmem:s15+$0x0] =	vst v18  }
0x48a: {  	v19 =	vld [tilespmem:s11+$0x80];
	[tilespmem:s15+$0x90] =	vst v36;
	s15 =	smov.u32 s11  }
0x48b: {  	v37 =	vsub.f32 v41, v6;
	v35 =	vld.idx.msk [tilespmem:v31+s4+$0x0], $0xffff  }
0x48c: {  	v27 =	vld.idx.msk [tilespmem:v30+s4+$0x0], $0xffff  }
0x48d: {  	v28 =	vsub.f32 v42, v3;
	v18 =	vld.idx.msk [tilespmem:v38+s4+$0x0], $0xffff  }
0x48e: {  	v42 =	vsub.f32 v49, v21;
	v39 =	vsub.f32 v14, v15;
	v34 =	vld.idx.msk [tilespmem:v40+s4+$0x0], $0xffff  }
0x48f: {  	v23 =	vsub.f32 v33, v4;
	v17 =	vld.idx.msk [tilespmem:v38+s0+$0x0], $0xffff;
	v36 =	vsub.f32 v26, v19  }
0x490: {  	v41 =	vsub.f32 v46, v16;
	v14 =	vld.idx.msk [tilespmem:v40+s0+$0x0], $0xffff  }
0x491: {  	v33 =	vmul.f32 v23, v35;
	v26 =	vmul.f32 v22, v35;
	v38 =	vld [tilespmem:s11+$0x40]  }
.Ltmp5:
0x492: {  	v24 =	vsub.f32 v24, v12;
	v36 =	vmul.f32 v36, v27;
	v22 =	vmul.f32 v20, v27;
	v23 =	vld.idx.msk [tilespmem:v31+s0+$0x0], $0xffff;
	(pc) =	sbr.rel @p1 .LBB2_12-.Ltmp5, $4  }
0x493: {  	v28 =	vmul.f32 v28, v35;
	v31 =	vmul.f32 v25, v18;
	[tilespmem:s11+$0xFFFFFF70] =	vst v26;
	v20 =	vld [tilespmem:s11+$0x10]  }
0x494: {  	v29 =	vmul.f32 v29, v18;
	v43 =	vmul.f32 v24, v18;
	[tilespmem:s11+$0xFFFFFF40] =	vst v33;
	v24 =	vld [tilespmem:s11+$0x0]  }
0x495: {  	v37 =	vmul.f32 v37, v35;
	v40 =	vmul.f32 v42, v34;
	[tilespmem:s11+$0xFFFFFF50] =	vst v28;
	v25 =	vld [tilespmem:s11+$0xFFFFFF90]  }
0x496: {  	v32 =	vmul.f32 v32, v34;
	v42 =	vmul.f32 v43, v17;
	s11 =	sadd.s32 $0x200, s11;
	[tilespmem:s15+$0xFFFFFFE0] =	vst v29;
	v35 =	vld.idx.msk [tilespmem:v30+s0+$0x0], $0xffff  }
0x497: {  	[tilespmem:s15+$0xFFFFFFF0] =	vst v43  }
0x498: {  	[tilespmem:s15+$0xFFFFFFC0] =	vst v31  }
0x499: {  	[tilespmem:s15+$0x60] =	vst v40  }
0x49a: {  	[tilespmem:s15+$0xC0] =	vst v36  }
0x49b: {  	[tilespmem:s15+$0xFFFFFF60] =	vst v37  }
0x49c: {  	v46 =	vmul.f32 v39, v27;
	[tilespmem:s15+$0xD0] =	vst v22  }
0x49d: {  	v44 =	vmul.f32 v40, v14;
	v47 =	vmul.f32 v41, v27;
	[tilespmem:s15+$0x70] =	vst v32  }
0x49e: {  	v51 =	vmul.f32 v33, v23;
	v12 =	vadd.f32 v42, v12;
	[tilespmem:s15+$0xE0] =	vst v46  }
0x49f: {  	v52 =	vmul.f32 v37, v23;
	v21 =	vadd.f32 v44, v21;
	[tilespmem:s15+$0xF0] =	vst v47  }
0x4a0: {  	v54 =	vmul.f32 v29, v17;
	v4 =	vadd.f32 v51, v4;
	[tilespmem:s15+$0xFFFFFFB0] =	vst v12  }
0x4a1: {  	v55 =	vmul.f32 v26, v23;
	v6 =	vadd.f32 v52, v6;
	[tilespmem:s15+$0x20] =	vst v21  }
0x4a2: {  	v59 =	vmul.f32 v28, v23;
	v7 =	vadd.f32 v54, v7;
	[tilespmem:s15+$0xFFFFFF00] =	vst v4  }
0x4a3: {  	v11 =	vsub.f32 v11, v20;
	v9 =	vadd.f32 v55, v9;
	[tilespmem:s15+$0xFFFFFF20] =	vst v6  }
0x4a4: {  	v53 =	vmul.f32 v32, v14;
	v3 =	vadd.f32 v59, v3;
	[tilespmem:s15+$0xFFFFFFA0] =	vst v7  }
0x4a5: {  	v30 =	vsub.f32 v38, v24;
	v11 =	vmul.f32 v11, v34;
	[tilespmem:s15+$0xFFFFFF30] =	vst v9  }
0x4a6: {  	v58 =	vmul.f32 v31, v17;
	v56 =	vadd.f32 v53, v8;
	[tilespmem:s15+$0xFFFFFF10] =	vst v3  }
0x4a7: {  	v13 =	vsub.f32 v13, v25;
	v45 =	vmul.f32 v30, v34;
	[tilespmem:s15+$0x50] =	vst v11  }
0x4a8: {  	v48 =	vmul.f32 v36, v35;
	v6 =	vadd.f32 v58, v10;
	[tilespmem:s15+$0x30] =	vst v56  }
0x4a9: {  	v49 =	vmul.f32 v46, v35;
	v13 =	vmul.f32 v13, v18;
	[tilespmem:s15+$0x40] =	vst v45  }
0x4aa: {  	v50 =	vmul.f32 v47, v35;
	v19 =	vadd.f32 v48, v19;
	[tilespmem:s15+$0xFFFFFF80] =	vst v6  }
0x4ab: {  	v62 =	vmul.f32 v22, v35;
	v15 =	vadd.f32 v49, v15;
	[tilespmem:s15+$0xFFFFFFD0] =	vst v13  }
0x4ac: {  	v60 =	vmul.f32 v11, v14;
	v16 =	vadd.f32 v50, v16;
	[tilespmem:s15+$0x80] =	vst v19  }
0x4ad: {  	s13 =	sadd.s32 $0x1, s13;
	v61 =	vmul.f32 v45, v14;
	v3 =	vadd.f32 v62, v5;
	[tilespmem:s15+$0xA0] =	vst v15  }
0x4ae: {  	p1 =	sne.s32 s13, $0x20;
	v57 =	vmul.f32 v13, v17;
	v7 =	vadd.f32 v60, v20;
	[tilespmem:s15+$0xB0] =	vst v16  }
.Ltmp6:
0x4af: {  	v63 =	vadd.f32 v61, v24;
	[tilespmem:s15+$0x90] =	vst v3;
	(pc) =	sbr.rel @p1 .LBB2_2-.Ltmp6, $4  }
0x4b0: {  	v8 =	vadd.f32 v57, v25;
	[tilespmem:s15+$0x10] =	vst v7  }
0x4b1: {  	s2 =	sshll.u32 s20, $0xA;
	[tilespmem:s15+$0x0] =	vst v63  }
0x4b2: {  	s2 =	sadd.s32 s2, s10;
	[tilespmem:s15+$0xFFFFFF90] =	vst v8  }
0x4b3: {  	[hbm4b:s2+s5] =	stream.linear.scatter [tilespmem:s17], [sflag:$0x7], $0x2000, $0x38;
	[tilespmem:$0x1C300] =	vst v63  }
0x4b4: {  	_ =	swait.ge [sflag:s25], $0x2000  }
0x4b5: {  	[sflag:s25] =	ssyncset.done $0x0  }
0x4b6: {  	s13 =	simm.s32 $0x1A400;
	[sflag:s25] =	ssyncadd.s32 $0xFFFFE000  }
0x4b7: {  	v11 =	vld [tilespmem:s13+$0x50]  }
0x4b8: {  	v4 =	vld [tilespmem:s13+$0xFFFFFF00]  }
0x4b9: {  	v14 =	vld [tilespmem:s13+$0xFFFFFF40]  }
0x4ba: {  	v12 =	vld [tilespmem:s13+$0xFFFFFFB0]  }
0x4bb: {  	v3 =	vld [tilespmem:s13+$0xFFFFFF10]  }
0x4bc: {  	v20 =	vld [tilespmem:s13+$0xFFFFFF50]  }
0x4bd: {  	v24 =	vld [tilespmem:s13+$0x60]  }
0x4be: {  	v25 =	vld [tilespmem:s13+$0xF0]  }
0x4bf: {  	v6 =	vld [tilespmem:s13+$0xFFFFFF20]  }
0x4c0: {  	v22 =	vld [tilespmem:s13+$0xFFFFFF60]  }
0x4c1: {  	v17 =	vld [tilespmem:s13+$0xD0]  }
0x4c2: {  	v9 =	vld [tilespmem:s13+$0xFFFFFF30]  }
0x4c3: {  	v23 =	vld [tilespmem:s13+$0xFFFFFF70]  }
0x4c4: {  	v10 =	vld [tilespmem:s13+$0xFFFFFF80]  }
0x4c5: {  	v5 =	vld [tilespmem:s13+$0x90]  }
0x4c6: {  	v18 =	vld [tilespmem:s13+$0xFFFFFFC0]  }
0x4c7: {  	v26 =	vld [tilespmem:s13+$0x70]  }
0x4c8: {  	v7 =	vld [tilespmem:s13+$0xFFFFFFA0]  }
0x4c9: {  	v13 =	vld [tilespmem:s13+$0xFFFFFFD0]  }
0x4ca: {  	v8 =	vld [tilespmem:s13+$0x30]  }
0x4cb: {  	s2 =	simm.s32 $0xC0;
	v29 =	vld [tilespmem:s13+$0xE0]  }
0x4cc: {  	v15 =	vmov s2;
	v28 =	vld [tilespmem:s13+$0xFFFFFFE0]  }
0x4cd: {  	s21 =	simm.s32 $0xC1;
	s9 =	simm.s32 $0xC3;
	v15 =	vand.u32 $0xFFFFFFFC, v15;
	v31 =	vld [tilespmem:s13+$0xFFFFFFF0]  }
0x4ce: {  	v16 =	vmov s21;
	v35 =	vmov s9;
	v30 =	vbroadcast v15, $0x0;
	v21 =	vld [tilespmem:s13+$0x20]  }
0x4cf: {  	s28 =	simm.s32 $0xC2;
	v15 =	vand.u32 $0xFFFFFFFD, v16;
	v33 =	vld [tilespmem:s13+$0xC0]  }
0x4d0: {  	v16 =	vmov s28;
	v19 =	vld [tilespmem:s13+$0x80];
	v32 =	vbroadcast v15, $0x0  }
0x4d1: {  	v15 =	vand.u32 $0xFFFFFFFE, v16;
	v16 =	vld [tilespmem:s13+$0xB0]  }
0x4d2: {  	v36 =	vbroadcast v15, $0x0;
	v15 =	vld [tilespmem:s13+$0xA0]  }
0x4d3: {  	v27 =	vld.idx.msk [tilespmem:v35+s4+$0x0], $0xffff  }
0x4d4: {  	v37 =	vld.idx.msk [tilespmem:v30+s4+$0x0], $0xffff  }
0x4d5: {  	v35 =	vld.idx.msk [tilespmem:v35+s0+$0x0], $0xffff;
	v39 =	vsub.f32 v17, v5;
	v40 =	vsub.f32 v18, v10  }
0x4d6: {  	v44 =	vsub.f32 v26, v8;
	v23 =	vsub.f32 v23, v9;
	v18 =	vld.idx.msk [tilespmem:v32+s4+$0x0], $0xffff  }
0x4d7: {  	v41 =	vsub.f32 v28, v7;
	v26 =	vsub.f32 v14, v4;
	v17 =	vld.idx.msk [tilespmem:v32+s0+$0x0], $0xffff  }
0x4d8: {  	v63 =	vsub.f32 v22, v6;
	v22 =	vsub.f32 v33, v19;
	v34 =	vld.idx.msk [tilespmem:v36+s4+$0x0], $0xffff  }
0x4d9: {  	v20 =	vsub.f32 v20, v3;
	v14 =	vld.idx.msk [tilespmem:v36+s0+$0x0], $0xffff;
	v33 =	vmul.f32 v26, v37;
	v26 =	vmul.f32 v23, v37  }
0x4da: {  	v36 =	vmul.f32 v22, v27;
	v22 =	vmul.f32 v39, v27;
	v23 =	vld.idx.msk [tilespmem:v30+s0+$0x0], $0xffff;
	v30 =	vsub.f32 v31, v12  }
0x4db: {  	v38 =	vld [tilespmem:s13+$0x40];
	v42 =	vsub.f32 v24, v21;
	v28 =	vmul.f32 v20, v37;
	v37 =	vmul.f32 v63, v37;
	[tilespmem:s13+$0xFFFFFF70] =	vst v26  }
0x4dc: {  	v39 =	vsub.f32 v29, v15;
	v20 =	vld [tilespmem:s13+$0x10];
	v29 =	vmul.f32 v41, v18;
	[tilespmem:s13+$0xFFFFFF40] =	vst v33;
	v43 =	vmul.f32 v30, v18  }
0x4dd: {  	v24 =	vld [tilespmem:s13+$0x0];
	v31 =	vmul.f32 v40, v18;
	[tilespmem:s13+$0xFFFFFF50] =	vst v28;
	v40 =	vmul.f32 v42, v34  }
0x4de: {  	s11 =	simm.s32 $0x1A600;
	s9 =	simm.s32 $0x0;
	v41 =	vsub.f32 v25, v16;
	v25 =	vld [tilespmem:s13+$0xFFFFFF90];
	v32 =	vmul.f32 v44, v34;
	[tilespmem:s13+$0xFFFFFFE0] =	vst v29;
	v42 =	vmul.f32 v43, v17  }
.LBB2_15:
0x4df: {  	s2 =	sadd.s32 $0xC4, s9;
	s12 =	sadd.s32 $0xC5, s9;
	v30 =	vld [tilespmem:s11+$0x50];
	s15 =	sadd.s32 $0xC7, s9;
	v44 =	vmul.f32 v31, v17;
	[tilespmem:s13+$0xFFFFFFF0] =	vst v43;
	v43 =	vmul.f32 v40, v14  }
0x4e0: {  	v48 =	vmul.f32 v33, v23;
	v45 =	vmov s2;
	v46 =	vld [tilespmem:s11+$0xFFFFFF00];
	v47 =	vmov s12;
	[tilespmem:s13+$0x70] =	vst v32;
	s2 =	smov.u32 s9;
	s9 =	sadd.s32 $0x4, s9  }
0x4e1: {  	v52 =	vsub.f32 v11, v20;
	v45 =	vand.u32 $0xFFFFFFFC, v45;
	v33 =	vld [tilespmem:s11+$0xFFFFFF40];
	v47 =	vand.u32 $0xFFFFFFFD, v47;
	s2 =	sadd.s32 $0xC6, s2;
	p1 =	slt.u32 s9, $0x3C;
	[tilespmem:s13+$0xFFFFFFC0] =	vst v31  }
0x4e2: {  	v50 =	vsub.f32 v38, v24;
	v31 =	vbroadcast v45, $0x0;
	v45 =	vld [tilespmem:s11+$0xFFFFFFB0];
	v49 =	vmov s2;
	[tilespmem:s13+$0x60] =	vst v40  }
0x4e3: {  	v12 =	vadd.f32 v42, v12;
	v38 =	vbroadcast v47, $0x0;
	v51 =	vld [tilespmem:s11+$0xFFFFFF10];
	v40 =	vand.u32 $0xFFFFFFFE, v49;
	[tilespmem:s13+$0xC0] =	vst v36  }
0x4e4: {  	v47 =	vadd.f32 v48, v4;
	v48 =	vmul.f32 v52, v34;
	v42 =	vld [tilespmem:s11+$0xFFFFFF50];
	v40 =	vbroadcast v40, $0x0;
	[tilespmem:s13+$0xFFFFFF60] =	vst v37;
	v11 =	vmovc v30  }
0x4e5: {  	v44 =	vadd.f32 v44, v10;
	v10 =	vmul.f32 v50, v34;
	v30 =	vmov s15;
	v49 =	vld [tilespmem:s11+$0x60];
	[tilespmem:s13+$0xFFFFFFB0] =	vst v12;
	v4 =	vmovc v46  }
0x4e6: {  	v50 =	vadd.f32 v43, v21;
	v21 =	vmul.f32 v22, v35;
	v34 =	vmul.f32 v48, v14;
	v46 =	vld [tilespmem:s11+$0xF0];
	[tilespmem:s13+$0x50] =	vst v48  }
0x4e7: {  	v39 =	vmul.f32 v39, v27;
	v27 =	vmul.f32 v41, v27;
	v13 =	vsub.f32 v13, v25;
	v43 =	vld [tilespmem:s11+$0xFFFFFF20];
	[tilespmem:s13+$0x40] =	vst v10  }
0x4e8: {  	v48 =	vmul.f32 v10, v14;
	v10 =	vmul.f32 v36, v35;
	v36 =	vadd.f32 v21, v5;
	v41 =	vld [tilespmem:s11+$0xFFFFFF60];
	[tilespmem:s13+$0x20] =	vst v50  }
0x4e9: {  	v5 =	vmul.f32 v39, v35;
	v35 =	vmul.f32 v27, v35;
	v12 =	vmov v45;
	v21 =	vld [tilespmem:s11+$0xD0];
	[tilespmem:s13+$0xE0] =	vst v39  }
0x4ea: {  	v28 =	vmul.f32 v28, v23;
	v26 =	vmul.f32 v26, v23;
	v19 =	vadd.f32 v10, v19;
	v39 =	vld [tilespmem:s11+$0xFFFFFF30];
	[tilespmem:s13+$0xF0] =	vst v27  }
0x4eb: {  	v23 =	vmul.f32 v37, v23;
	v15 =	vadd.f32 v5, v15;
	v16 =	vadd.f32 v35, v16;
	v27 =	vld [tilespmem:s11+$0xFFFFFF70];
	[tilespmem:s13+$0xD0] =	vst v22  }
0x4ec: {  	v26 =	vadd.f32 v26, v9;
	v22 =	vadd.f32 v28, v3;
	v28 =	vmul.f32 v13, v18;
	v10 =	vld [tilespmem:s11+$0xFFFFFF80];
	[tilespmem:s13+$0x80] =	vst v19  }
0x4ed: {  	v29 =	vmul.f32 v29, v17;
	v18 =	vadd.f32 v48, v24;
	v19 =	vadd.f32 v34, v20;
	v5 =	vld [tilespmem:s11+$0x90];
	[tilespmem:s13+$0xA0] =	vst v15  }
0x4ee: {  	v14 =	vmul.f32 v32, v14;
	v20 =	vadd.f32 v23, v6;
	v13 =	vmul.f32 v28, v17;
	v15 =	vld [tilespmem:s11+$0xFFFFFFC0];
	[tilespmem:s13+$0xFFFFFFD0] =	vst v28  }
0x4ef: {  	v3 =	vmovc v51;
	v23 =	vadd.f32 v29, v7;
	v6 =	vmov v43;
	v17 =	vld [tilespmem:s11+$0x70];
	[tilespmem:s13+$0xB0] =	vst v16;
	v9 =	vmov v39  }
0x4f0: {  	v14 =	vadd.f32 v14, v8;
	v16 =	vadd.f32 v13, v25;
	v7 =	vld [tilespmem:s11+$0xFFFFFFA0];
	[tilespmem:s13+$0xFFFFFF00] =	vst v47  }
0x4f1: {  	v13 =	vld [tilespmem:s11+$0xFFFFFFD0];
	[tilespmem:s13+$0xFFFFFF20] =	vst v20  }
0x4f2: {  	v8 =	vld [tilespmem:s11+$0x30];
	v20 =	vsub.f32 v21, v5;
	[tilespmem:s13+$0x30] =	vst v14  }
0x4f3: {  	v14 =	vld [tilespmem:s11+$0xE0];
	[tilespmem:s13+$0xFFFFFFA0] =	vst v23  }
0x4f4: {  	v23 =	vld [tilespmem:s11+$0xFFFFFFE0];
	[tilespmem:s13+$0xFFFFFF30] =	vst v26  }
0x4f5: {  	v24 =	vld [tilespmem:s11+$0xFFFFFFF0];
	[tilespmem:s13+$0xFFFFFF90] =	vst v16  }
0x4f6: {  	v21 =	vld [tilespmem:s11+$0x20];
	[tilespmem:s13+$0xFFFFFF80] =	vst v44  }
0x4f7: {  	v25 =	vsub.f32 v15, v10;
	v32 =	vsub.f32 v17, v8;
	v26 =	vld [tilespmem:s11+$0xC0];
	[tilespmem:s13+$0xFFFFFF10] =	vst v22  }
0x4f8: {  	v15 =	vld [tilespmem:s11+$0xA0];
	[tilespmem:s13+$0x10] =	vst v19  }
0x4f9: {  	v22 =	vsub.f32 v27, v9;
	v29 =	vsub.f32 v23, v7;
	v16 =	vld [tilespmem:s11+$0xB0];
	[tilespmem:s13+$0x0] =	vst v18  }
0x4fa: {  	v19 =	vld [tilespmem:s11+$0x80];
	[tilespmem:s13+$0x90] =	vst v36;
	s13 =	smov.u32 s11  }
0x4fb: {  	v37 =	vsub.f32 v41, v6;
	v35 =	vld.idx.msk [tilespmem:v31+s4+$0x0], $0xffff  }
0x4fc: {  	v27 =	vld.idx.msk [tilespmem:v30+s4+$0x0], $0xffff  }
0x4fd: {  	v28 =	vsub.f32 v42, v3;
	v18 =	vld.idx.msk [tilespmem:v38+s4+$0x0], $0xffff  }
0x4fe: {  	v42 =	vsub.f32 v49, v21;
	v39 =	vsub.f32 v14, v15;
	v34 =	vld.idx.msk [tilespmem:v40+s4+$0x0], $0xffff  }
0x4ff: {  	v23 =	vsub.f32 v33, v4;
	v17 =	vld.idx.msk [tilespmem:v38+s0+$0x0], $0xffff;
	v36 =	vsub.f32 v26, v19  }
0x500: {  	v41 =	vsub.f32 v46, v16;
	v14 =	vld.idx.msk [tilespmem:v40+s0+$0x0], $0xffff  }
0x501: {  	v33 =	vmul.f32 v23, v35;
	v26 =	vmul.f32 v22, v35;
	v38 =	vld [tilespmem:s11+$0x40]  }
.Ltmp7:
0x502: {  	v24 =	vsub.f32 v24, v12;
	v36 =	vmul.f32 v36, v27;
	v22 =	vmul.f32 v20, v27;
	v23 =	vld.idx.msk [tilespmem:v31+s0+$0x0], $0xffff;
	(pc) =	sbr.rel @p1 .LBB2_15-.Ltmp7, $4  }
0x503: {  	v28 =	vmul.f32 v28, v35;
	v31 =	vmul.f32 v25, v18;
	[tilespmem:s11+$0xFFFFFF70] =	vst v26;
	v20 =	vld [tilespmem:s11+$0x10]  }
0x504: {  	v29 =	vmul.f32 v29, v18;
	v43 =	vmul.f32 v24, v18;
	[tilespmem:s11+$0xFFFFFF40] =	vst v33;
	v24 =	vld [tilespmem:s11+$0x0]  }
0x505: {  	v37 =	vmul.f32 v37, v35;
	v40 =	vmul.f32 v42, v34;
	[tilespmem:s11+$0xFFFFFF50] =	vst v28;
	v25 =	vld [tilespmem:s11+$0xFFFFFF90]  }
0x506: {  	v32 =	vmul.f32 v32, v34;
	v42 =	vmul.f32 v43, v17;
	s11 =	sadd.s32 $0x200, s11;
	[tilespmem:s13+$0xFFFFFFE0] =	vst v29;
	v35 =	vld.idx.msk [tilespmem:v30+s0+$0x0], $0xffff  }
0x507: {  	[tilespmem:s13+$0xFFFFFFF0] =	vst v43  }
0x508: {  	[tilespmem:s13+$0xFFFFFFC0] =	vst v31  }
0x509: {  	[tilespmem:s13+$0x60] =	vst v40  }
0x50a: {  	[tilespmem:s13+$0xC0] =	vst v36  }
0x50b: {  	[tilespmem:s13+$0xFFFFFF60] =	vst v37  }
0x50c: {  	v46 =	vmul.f32 v39, v27;
	[tilespmem:s13+$0xD0] =	vst v22  }
0x50d: {  	v44 =	vmul.f32 v40, v14;
	v47 =	vmul.f32 v41, v27;
	[tilespmem:s13+$0x70] =	vst v32  }
0x50e: {  	v51 =	vmul.f32 v33, v23;
	v12 =	vadd.f32 v42, v12;
	[tilespmem:s13+$0xE0] =	vst v46  }
0x50f: {  	v52 =	vmul.f32 v37, v23;
	v21 =	vadd.f32 v44, v21;
	[tilespmem:s13+$0xF0] =	vst v47  }
0x510: {  	v54 =	vmul.f32 v29, v17;
	v4 =	vadd.f32 v51, v4;
	[tilespmem:s13+$0xFFFFFFB0] =	vst v12  }
0x511: {  	v55 =	vmul.f32 v26, v23;
	v6 =	vadd.f32 v52, v6;
	[tilespmem:s13+$0x20] =	vst v21  }
0x512: {  	v59 =	vmul.f32 v28, v23;
	v7 =	vadd.f32 v54, v7;
	[tilespmem:s13+$0xFFFFFF00] =	vst v4  }
0x513: {  	v11 =	vsub.f32 v11, v20;
	v9 =	vadd.f32 v55, v9;
	[tilespmem:s13+$0xFFFFFF20] =	vst v6  }
0x514: {  	v53 =	vmul.f32 v32, v14;
	v3 =	vadd.f32 v59, v3;
	[tilespmem:s13+$0xFFFFFFA0] =	vst v7  }
0x515: {  	v30 =	vsub.f32 v38, v24;
	v11 =	vmul.f32 v11, v34;
	[tilespmem:s13+$0xFFFFFF30] =	vst v9  }
0x516: {  	v58 =	vmul.f32 v31, v17;
	v56 =	vadd.f32 v53, v8;
	[tilespmem:s13+$0xFFFFFF10] =	vst v3  }
0x517: {  	v13 =	vsub.f32 v13, v25;
	v45 =	vmul.f32 v30, v34;
	[tilespmem:s13+$0x50] =	vst v11  }
0x518: {  	v48 =	vmul.f32 v36, v35;
	v6 =	vadd.f32 v58, v10;
	[tilespmem:s13+$0x30] =	vst v56  }
0x519: {  	v49 =	vmul.f32 v46, v35;
	v13 =	vmul.f32 v13, v18;
	[tilespmem:s13+$0x40] =	vst v45  }
0x51a: {  	v50 =	vmul.f32 v47, v35;
	v19 =	vadd.f32 v48, v19;
	[tilespmem:s13+$0xFFFFFF80] =	vst v6  }
0x51b: {  	v62 =	vmul.f32 v22, v35;
	v15 =	vadd.f32 v49, v15;
	[tilespmem:s13+$0xFFFFFFD0] =	vst v13  }
0x51c: {  	v60 =	vmul.f32 v11, v14;
	v16 =	vadd.f32 v50, v16;
	[tilespmem:s13+$0x80] =	vst v19  }
0x51d: {  	v61 =	vmul.f32 v45, v14;
	v3 =	vadd.f32 v62, v5;
	[tilespmem:s13+$0xA0] =	vst v15  }
0x51e: {  	v57 =	vmul.f32 v13, v17;
	v7 =	vadd.f32 v60, v20;
	[tilespmem:s13+$0xB0] =	vst v16  }
0x51f: {  	v63 =	vadd.f32 v61, v24;
	[tilespmem:s13+$0x90] =	vst v3  }
0x520: {  	v8 =	vadd.f32 v57, v25;
	[tilespmem:s13+$0x10] =	vst v7  }
0x521: {  	[tilespmem:s13+$0x0] =	vst v63  }
0x522: {  	[tilespmem:s13+$0xFFFFFF90] =	vst v8  }
0x523: {  	s2 =	rddreg [dreg:$0xb]  }
0x524: {  	[hbm4b:s2+s5] =	stream.linear.scatter [tilespmem:s7], [sflag:$0x8], $0x2000, $0x38;
	[tilespmem:$0x1C300] =	vst v63  }
0x525: {  	_ =	swait.ge [sflag:s8], $0x2000  }
0x526: {  	[sflag:s8] =	ssyncset.done $0x0  }
0x527: {  	s20 =	simm.s32 $0x6;
	[sflag:s8] =	ssyncadd.s32 $0xFFFFE000  }
0x528: {  	_ =	swait.ge [sflag:s20], $0x2000  }
0x529: {  	[sflag:s20] =	ssyncset.done $0x0  }
0x52a: {  	s21 =	simm.s32 $0x7;
	[sflag:s20] =	ssyncadd.s32 $0xFFFFE000  }
0x52b: {  	_ =	swait.ge [sflag:s21], $0x2000  }
0x52c: {  	[sflag:s21] =	ssyncset.done $0x0  }
0x52d: {  	s13 =	simm.s32 $0x8;
	[sflag:s21] =	ssyncadd.s32 $0xFFFFE000  }
0x52e: {  	_ =	swait.ge [sflag:s13], $0x2000  }
0x52f: {  	s9 =	rddreg [dreg:$0x11]  }
0x530: {  	s28 =	rddreg [dreg:$0xc];
	s9 =	sadd.s32 $0x1, s9  }
0x531: {  	p1 =	sne.s32 s9, s28  }
.Ltmp8:
0x532: {  	_ = 	snop;
	(pc) =	sbr.rel @p1 .LBB2_1-.Ltmp8, $3  }
0x533: {  	_ =	sdelay $0x1  }
0x534: {  	[sflag:s13] =	ssyncset.done $0x0  }
0x535: {  	[sflag:s13] =	ssyncadd.s32 $0xFFFFE000  }
0x536: {  	_ =	sfence.sel $0x180000  }
0x537: {  	[bflag:$0x0] =	sbarrier.arrive $0xFFFF  }
0x538: {  	_ =	strace $0x90000047  }
0x539: {  	s0 =	stileid.u32;
	[bflag:$0x2] =	sbarrier.arrive $0xFFFF  }
0x53a: {  	p0 =	sne.s32 s0, $0x0;
	s0 =	rddreg [dreg:$0x5]  }
0x53b: {  	s0 =	sadd.s32 @!p0 $0x100000, s0  }
0x53c: {  	[sflag:s0] =	ssyncadd.tile.s32 @!p0 $0x1;
	_ =	shalt  }
.Lfunc_end2:
_tile_overlayer_lowered:
.L_overlay_start_2:
0x53d: {  	(tag) =	ssettag $0x2  }
0x53e: {  	s0 =	rddreg [dreg:$0x0];
	s2 =	stileid.u32  }
0x53f: {  	s1 =	rddreg [dreg:$0x1];
	p0 =	sne.s32 s2, $0x0  }
0x540: {  	s3 =	rddreg [dreg:$0x2];
	[bflag:$0x3] =	sbarrier.arrive $0xFFFF;
	s2 =	simm.s32 @!p0 $0x1C09  }
0x541: {  	[timem:s3], [sflag:s2] =	dma.local @!p0 [hbm:s0], s1  }
0x542: {  	s0 =	simm.s32 @!p0 $0x9  }
0x543: {  	_ =	swait.ge @!p0 [sflag:s0], s1  }
0x544: {  	s1 =	ssub.s32 @!p0 $0x0, s1;
	[sflag:s0] =	ssyncset.done @!p0 $0x0  }
0x545: {  	[sflag:s0] =	ssyncadd.s32 @!p0 s1  }
0x546: {  	[bflag:$0x3] =	sbarrier.arrive $0xFFFF  }
0x547: {  	_ =	shalt  }

</sc_bundles>
